<compile_context>
chip_gen: v7x
topology: tpu7x:2x2x1
jax: 0.10.2.dev20260603
libtpu: 0.0.44.dev20260713+nightly
codegen_flags: <defaults>
</compile_context>

<pallas_src>
import jax
import jax.numpy as jnp
from jax import lax
from jax.experimental import pallas as pl
from jax.experimental.pallas import tpu as pltpu
from jax.experimental.pallas import tpu_sc as plsc

N = 10000
E = 320000
NUM_CLASSES = 2
C = 128
DE = 16
G = 128
NC = 2
NS = 16
NW = NC * NS
EW = E // NW
K = 80
NCHUNK = EW // K
RPW = 624
RTAIL = N - NS * RPW
NBUF = 3

_mesh = plsc.VectorSubcoreMesh(core_axis_name="c", subcore_axis_name="s")


def _wid(c, s):
    return c * NS + s


def _zero_slab(z_hbm, sh, s):
    r0 = s * RPW
    pltpu.sync_copy(z_hbm, sh.at[pl.ds(r0, RPW)])

    @pl.when(s == NS - 1)
    def _():
        pltpu.sync_copy(z_hbm.at[pl.ds(0, RTAIL)],
                        sh.at[pl.ds(NS * RPW, RTAIL)])


def _write_slab(sh, out, s, base):
    r0 = s * RPW
    pltpu.sync_copy(sh.at[pl.ds(r0, RPW)], out.at[pl.ds(base + r0, RPW)])

    @pl.when(s == NS - 1)
    def _():
        pltpu.sync_copy(sh.at[pl.ds(NS * RPW, RTAIL)],
                        out.at[pl.ds(base + NS * RPW, RTAIL)])


def _pass_a_body(eaw_hbm, dst_hbm, z625_hbm, comb,
                 db0, db1, db2, rows0, rows1, rows2, comb_sh,
                 rs0, rs1, rs2, ds0, ds1, ds2, ss0, ss1, ss2):
    rows = [rows0, rows1, rows2]
    db = [db0, db1, db2]
    rs = [rs0, rs1, rs2]
    dsm = [ds0, ds1, ds2]
    ss = [ss0, ss1, ss2]
    c = lax.axis_index("c")
    s = lax.axis_index("s")
    w = _wid(c, s)
    _zero_slab(z625_hbm, comb_sh, s)
    plsc.subcore_barrier()
    base = w * EW

    def rd(j, b):
        pltpu.async_copy(eaw_hbm.at[pl.ds(base + j * K, K)], rows[b], rs[b])
        pltpu.async_copy(dst_hbm.at[pl.ds(base + j * K, K)], db[b], dsm[b])

    def rd_wait(b):
        pltpu.make_async_copy(eaw_hbm.at[pl.ds(base, K)], rows[b],
                              rs[b]).wait()
        pltpu.make_async_copy(dst_hbm.at[pl.ds(base, K)], db[b],
                              dsm[b]).wait()

    def sc(j, b):
        pltpu.async_copy(rows[b], comb_sh.at[db[b]], ss[b], add=True)

    def sc_wait(b):
        pltpu.make_async_copy(rows[b], comb_sh.at[db[b]], ss[b]).wait()

    for b in range(NBUF):
        rd(b, b)

    def body(t, carry):
        j0 = NBUF * t
        for b in range(NBUF):
            rd_wait(b)
            sc(j0 + b, b)
        for b in range(NBUF):
            sc_wait(b)

            @pl.when(j0 + NBUF + b < NCHUNK)
            def _():
                rd(j0 + NBUF + b, b)

        return carry

    lax.fori_loop(0, NCHUNK // NBUF, body, 0)
    for b in range(NCHUNK % NBUF):
        rd_wait(b)
        sc(NCHUNK - (NCHUNK % NBUF) + b, b)
        sc_wait(b)
    plsc.subcore_barrier()
    _write_slab(comb_sh, comb, s, c * N)


_pass_a = pl.kernel(
    _pass_a_body,
    out_type=jax.ShapeDtypeStruct((2 * N, C), jnp.float32),
    mesh=_mesh,
    scratch_types=[
        pltpu.VMEM((K,), jnp.int32),
        pltpu.VMEM((K,), jnp.int32),
        pltpu.VMEM((K,), jnp.int32),
        pltpu.VMEM((K, C), jnp.float32),
        pltpu.VMEM((K, C), jnp.float32),
        pltpu.VMEM((K, C), jnp.float32),
        pltpu.VMEM_SHARED((N, C), jnp.float32),
    ] + [pltpu.SemaphoreType.DMA] * 9,
)


def _pass_b_body(g_hbm, src_hbm, dst_hbm, z625_hbm, sp,
                 sall, db0, db1, db2, rows0, rows1, rows2, s_sh,
                 gs0, gs1, gs2, ds0, ds1, ds2, ss0, ss1, ss2):
    rows = [rows0, rows1, rows2]
    db = [db0, db1, db2]
    gs = [gs0, gs1, gs2]
    dsm = [ds0, ds1, ds2]
    ss = [ss0, ss1, ss2]
    c = lax.axis_index("c")
    s = lax.axis_index("s")
    w = _wid(c, s)
    _zero_slab(z625_hbm, s_sh, s)
    base = w * EW
    pltpu.sync_copy(src_hbm.at[pl.ds(base, EW)], sall)
    plsc.subcore_barrier()

    def ga(j, b):
        pltpu.async_copy(g_hbm.at[sall.at[pl.ds(j * K, K)]], rows[b], gs[b])
        pltpu.async_copy(dst_hbm.at[pl.ds(base + j * K, K)], db[b], dsm[b])

    def ga_wait(b):
        pltpu.make_async_copy(g_hbm.at[sall.at[pl.ds(0, K)]], rows[b],
                              gs[b]).wait()
        pltpu.make_async_copy(dst_hbm.at[pl.ds(base, K)], db[b],
                              dsm[b]).wait()

    def sc(j, b):
        pltpu.async_copy(rows[b], s_sh.at[db[b]], ss[b], add=True)

    def sc_wait(b):
        pltpu.make_async_copy(rows[b], s_sh.at[db[b]], ss[b]).wait()

    for b in range(NBUF):
        ga(b, b)

    def body(t, carry):
        j0 = NBUF * t
        for b in range(NBUF):
            ga_wait(b)
            sc(j0 + b, b)
        for b in range(NBUF):
            sc_wait(b)

            @pl.when(j0 + NBUF + b < NCHUNK)
            def _():
                ga(j0 + NBUF + b, b)

        return carry

    lax.fori_loop(0, NCHUNK // NBUF, body, 0)
    for b in range(NCHUNK % NBUF):
        ga_wait(b)
        sc(NCHUNK - (NCHUNK % NBUF) + b, b)
        sc_wait(b)
    plsc.subcore_barrier()
    _write_slab(s_sh, sp, s, c * N)


_pass_b = pl.kernel(
    _pass_b_body,
    out_type=jax.ShapeDtypeStruct((2 * N, C), jnp.float32),
    mesh=_mesh,
    scratch_types=[
        pltpu.VMEM((EW,), jnp.int32),
        pltpu.VMEM((K,), jnp.int32),
        pltpu.VMEM((K,), jnp.int32),
        pltpu.VMEM((K,), jnp.int32),
        pltpu.VMEM((K, C), jnp.float32),
        pltpu.VMEM((K, C), jnp.float32),
        pltpu.VMEM((K, C), jnp.float32),
        pltpu.VMEM_SHARED((N, C), jnp.float32),
    ] + [pltpu.SemaphoreType.DMA] * 9,
)


RB = 400
NB = N // RB


def _dinv_of(cb0_ref, cb1_ref):
    deg = cb0_ref[...][:, DE:DE + 1] + cb1_ref[...][:, DE:DE + 1]
    return lax.rsqrt(jnp.maximum(deg, 1.0))


def _esum_of(cb0_ref, cb1_ref, we_ref):
    ea = cb0_ref[...][:, :DE] + cb1_ref[...][:, :DE]
    return jnp.dot(ea, we_ref[...], preferred_element_type=jnp.float32)


def _tc1_body(x_ref, w0_ref, cb0_ref, cb1_ref, out_ref):
    dinv = _dinv_of(cb0_ref, cb1_ref)
    out_ref[...] = jnp.dot(x_ref[...], w0_ref[...],
                           preferred_element_type=jnp.float32) * dinv


def _tc_mid_body(s0_ref, s1_ref, cb0_ref, cb1_ref,
                 we_ref, b_ref, w_ref, out_ref):
    dinv = _dinv_of(cb0_ref, cb1_ref)
    esum = _esum_of(cb0_ref, cb1_ref, we_ref)
    h = jnp.maximum((s0_ref[...] + s1_ref[...]) * dinv + esum + b_ref[...], 0.0)
    out_ref[...] = jnp.dot(h, w_ref[...],
                           preferred_element_type=jnp.float32) * dinv


def _tc_pool_body(s0_ref, s1_ref, cb0_ref, cb1_ref, we_ref, b_ref,
                  bsm_ref, bvec_ref, wm1_ref, bm1_ref, wm2_ref, bm2_ref,
                  gmax_ref, pred_ref):
    i = pl.program_id(0)
    dinv = _dinv_of(cb0_ref, cb1_ref)
    esum = _esum_of(cb0_ref, cb1_ref, we_ref)
    h = jnp.maximum(
        (s0_ref[...] + s1_ref[...]) * dinv + esum + b_ref[...], 0.0)

    @pl.when(i == 0)
    def _():
        gmax_ref[...] = jnp.zeros_like(gmax_ref)

    bvec = bvec_ref[...]
    gmin = bsm_ref[0, 0, 0]
    gmax = bsm_ref[0, 0, RB - 1]

    def upd(g, carry):
        colmax = jnp.max(jnp.where(bvec == g, h, 0.0), axis=0, keepdims=True)
        gmax_ref[pl.ds(g, 1), :] = jnp.maximum(gmax_ref[pl.ds(g, 1), :],
                                               colmax)
        return carry

    lax.fori_loop(gmin, gmax + 1, upd, 0)

    @pl.when(i == NB - 1)
    def _():
        hm = jnp.maximum(jnp.dot(gmax_ref[...], wm1_ref[...],
                                 preferred_element_type=jnp.float32)
                         + bm1_ref[...], 0.0)
        pred_ref[...] = jnp.dot(hm, wm2_ref[...],
                                preferred_element_type=jnp.float32) \
            + bm2_ref[...]


def _row_spec(cols):
    return pl.BlockSpec((RB, cols), lambda i: (i, 0))


def _row_spec_hi(cols):
    return pl.BlockSpec((RB, cols), lambda i: (i + NB, 0))


def _full_spec(rows, cols):
    return pl.BlockSpec((rows, cols), lambda i: (0, 0))


_tc1 = pl.pallas_call(
    _tc1_body,
    grid=(NB,),
    in_specs=[_row_spec(C), _full_spec(C, C), _row_spec(C), _row_spec_hi(C)],
    out_specs=_row_spec(C),
    out_shape=jax.ShapeDtypeStruct((N, C), jnp.float32),
)

_tc_mid = pl.pallas_call(
    _tc_mid_body,
    grid=(NB,),
    in_specs=[_row_spec(C), _row_spec_hi(C), _row_spec(C), _row_spec_hi(C),
              _full_spec(DE, C), _full_spec(1, C), _full_spec(C, C)],
    out_specs=_row_spec(C),
    out_shape=jax.ShapeDtypeStruct((N, C), jnp.float32),
)

_tc_pool = pl.pallas_call(
    _tc_pool_body,
    grid=(NB,),
    in_specs=[_row_spec(C), _row_spec_hi(C), _row_spec(C), _row_spec_hi(C),
              _full_spec(DE, C), _full_spec(1, C),
              pl.BlockSpec((1, 1, RB), lambda i: (i, 0, 0),
                           memory_space=pltpu.SMEM),
              pl.BlockSpec((RB, 1), lambda i: (i, 0)),
              _full_spec(C, 2 * C), _full_spec(1, 2 * C),
              _full_spec(2 * C, NUM_CLASSES), _full_spec(1, NUM_CLASSES)],
    out_specs=[pl.BlockSpec((G, C), lambda i: (0, 0)),
               pl.BlockSpec((G, NUM_CLASSES), lambda i: (0, 0))],
    out_shape=[jax.ShapeDtypeStruct((G, C), jnp.float32),
               jax.ShapeDtypeStruct((G, NUM_CLASSES), jnp.float32)],
)


def kernel(x, edge_index, edge_attr, batch, W0, b0, W1, b1, W2, b2,
           We, Wm1, bm1, Wm2, bm2):
    src = edge_index[0]
    dst = edge_index[1]
    z625 = jnp.zeros((RPW, C), jnp.float32)

    eaw = jnp.concatenate(
        [edge_attr, jnp.ones((E, 1), jnp.float32),
         jnp.zeros((E, C - DE - 1), jnp.float32)], axis=1)
    comb = _pass_a(eaw, dst, z625)

    g = _tc1(x, W0, comb, comb)
    sp = _pass_b(g, src, dst, z625)
    g = _tc_mid(sp, sp, comb, comb, We, b0.reshape(1, -1), W1)
    sp = _pass_b(g, src, dst, z625)
    g = _tc_mid(sp, sp, comb, comb, We, b1.reshape(1, -1), W2)
    sp = _pass_b(g, src, dst, z625)
    _, pred = _tc_pool(sp, sp, comb, comb, We, b2.reshape(1, -1),
                       batch.reshape(NB, 1, RB), batch.reshape(N, 1),
                       Wm1, bm1.reshape(1, -1), Wm2, bm2.reshape(1, -1))
    return pred

# --- scband reference (transcript-rebuilt; emitter-appended) ---
"""Pipeline reference for scband-drug-net-30751965839675 (READ-ONLY COPY).

The authoritative reference and input builder live on the scoring server;
editing this copy changes nothing except your own understanding.
"""

import jax, jax.numpy as jnp
import numpy as np

N = 10000      # n_nodes
E = 320000     # n_edges
D = 128        # in_channels
C = 128        # hidden channels
DE = 16        # edge feature dim
G = 128        # number of graphs in the batch
NUM_CLASSES = 2
NUM_UNIT = 3   # gnn layers


def setup_inputs(seed: int = 0) -> dict:
    key = jax.random.key(seed)
    ks = jax.random.split(key, 16)
    x = jax.random.normal(ks[0], (N, D), dtype=jnp.float32)
    edge_index = jax.random.randint(ks[1], (2, E), 0, N, dtype=jnp.int32)
    edge_attr = jax.random.normal(ks[2], (E, DE), dtype=jnp.float32)
    batch = jnp.sort(jax.random.randint(ks[3], (N,), 0, G, dtype=jnp.int32))
    # GCN backbone parameters (num_unit layers)
    W0 = jax.random.normal(ks[4], (D, C), dtype=jnp.float32) / np.sqrt(D)
    b0 = jnp.zeros((C,), dtype=jnp.float32)
    W1 = jax.random.normal(ks[5], (C, C), dtype=jnp.float32) / np.sqrt(C)
    b1 = jnp.zeros((C,), dtype=jnp.float32)
    W2 = jax.random.normal(ks[6], (C, C), dtype=jnp.float32) / np.sqrt(C)
    b2 = jnp.zeros((C,), dtype=jnp.float32)
    # edge feature encoder
    We = jax.random.normal(ks[7], (DE, C), dtype=jnp.float32) / np.sqrt(DE)
    # out_mlp: Linear(C, 2C) -> ReLU -> Linear(2C, num_classes)
    Wm1 = jax.random.normal(ks[8], (C, 2 * C), dtype=jnp.float32) / np.sqrt(C)
    bm1 = jnp.zeros((2 * C,), dtype=jnp.float32)
    Wm2 = jax.random.normal(ks[9], (2 * C, NUM_CLASSES), dtype=jnp.float32) / np.sqrt(2 * C)
    bm2 = jnp.zeros((NUM_CLASSES,), dtype=jnp.float32)
    return {"x": x, "edge_index": edge_index, "edge_attr": edge_attr, "batch": batch,
            "W0": W0, "b0": b0, "W1": W1, "b1": b1, "W2": W2, "b2": b2,
            "We": We, "Wm1": Wm1, "bm1": bm1, "Wm2": Wm2, "bm2": bm2}


def _gcn_layer(h, W, b, src, dst, norm, edge_emb):
    # GCNConv with symmetric normalization + additive edge embedding
    h2 = h @ W
    msg = h2[src] * norm[:, None] + edge_emb
    agg = jax.ops.segment_sum(msg, dst, num_segments=N)
    return agg + b


def reference(x, edge_index, edge_attr, batch, W0, b0, W1, b1, W2, b2, We, Wm1, bm1, Wm2, bm2):
    src = edge_index[0]
    dst = edge_index[1]
    deg = jnp.bincount(dst, length=N).astype(jnp.float32)
    deg = jnp.clip(deg, 1.0)
    dinv = jax.lax.rsqrt(deg)
    norm = dinv[src] * dinv[dst]
    edge_emb = edge_attr @ We
    # gnn_model: stacked GCN layers with ReLU (args.grand=False so no rand_prop)
    h = jax.nn.relu(_gcn_layer(x, W0, b0, src, dst, norm, edge_emb))
    h = jax.nn.relu(_gcn_layer(h, W1, b1, src, dst, norm, edge_emb))
    h = jax.nn.relu(_gcn_layer(h, W2, b2, src, dst, norm, edge_emb))
    # global_max_pool over graphs
    graph_rep = jax.ops.segment_max(h, batch, num_segments=G)
    graph_rep = jnp.where(jnp.isfinite(graph_rep), graph_rep, 0.0)
    # out_mlp -> class logits
    pred = jax.nn.relu(graph_rep @ Wm1 + bm1) @ Wm2 + bm2
    return pred

if __name__ == "__main__":
    import jax
    _d = setup_inputs()
    print(jax.jit(kernel)(*tuple(_d.values())))

</pallas_src>

<mosaic_0001>
#map = affine_map<(d0, d1) -> (0, 0)>
#map1 = affine_map<(d0, d1) -> (0)>
module attributes {stable_mosaic.version = 14 : i64} {
  func.func @_pass_b_body(%arg0: i32, %arg1: i32, %arg2: memref<10000x128xf32, #tpu.memory_space<hbm>>, %arg3: memref<320000xi32, #tpu.memory_space<hbm>>, %arg4: memref<320000xi32, #tpu.memory_space<hbm>>, %arg5: memref<624x128xf32, #tpu.memory_space<hbm>>, %arg6: memref<20000x128xf32, #tpu.memory_space<hbm>>, %arg7: memref<10000xi32, #tpu.memory_space<vmem>>, %arg8: memref<80xi32, #tpu.memory_space<vmem>>, %arg9: memref<80xi32, #tpu.memory_space<vmem>>, %arg10: memref<80xi32, #tpu.memory_space<vmem>>, %arg11: memref<80x128xf32, #tpu.memory_space<vmem>>, %arg12: memref<80x128xf32, #tpu.memory_space<vmem>>, %arg13: memref<80x128xf32, #tpu.memory_space<vmem>>, %arg14: memref<10000x128xf32, #tpu.memory_space<vmem_shared>>, %arg15: memref<!tpu.dma_semaphore, #tpu.memory_space<semaphore_mem>>, %arg16: memref<!tpu.dma_semaphore, #tpu.memory_space<semaphore_mem>>, %arg17: memref<!tpu.dma_semaphore, #tpu.memory_space<semaphore_mem>>, %arg18: memref<!tpu.dma_semaphore, #tpu.memory_space<semaphore_mem>>, %arg19: memref<!tpu.dma_semaphore, #tpu.memory_space<semaphore_mem>>, %arg20: memref<!tpu.dma_semaphore, #tpu.memory_space<semaphore_mem>>, %arg21: memref<!tpu.dma_semaphore, #tpu.memory_space<semaphore_mem>>, %arg22: memref<!tpu.dma_semaphore, #tpu.memory_space<semaphore_mem>>, %arg23: memref<!tpu.dma_semaphore, #tpu.memory_space<semaphore_mem>>) attributes {dimension_semantics = [#tpu.dimension_semantics<core_parallel>, #tpu.dimension_semantics<subcore_parallel>], iteration_bounds = array<i64: 2, 16>, scalar_prefetch = 0 : i64, scratch_operands = 17 : i64, tpu.core_type = #tpu.core_type<sc_vector_subcore>, window_params = [{transform_indices = #map}, {transform_indices = #map1}, {transform_indices = #map1}, {transform_indices = #map}, {transform_indices = #map}]} {
    %mul3A = arith.constant 16 : i32
    %mul3A_0 = arith.muli %arg0, %mul3A : i32
    %add3A = arith.addi %mul3A_0, %arg1 : i32
    %mul3A_1 = arith.constant 624 : i32
    %mul3A_2 = arith.muli %arg1, %mul3A_1 : i32
    "tpu.region"() ({
      %run_scoped3A = tpu.sem_alloc : memref<!tpu.dma_semaphore, #tpu.memory_space<semaphore_mem>>
      %dma_start3A_74 = arith.constant 0 : i32
      %dma_start3A_75 = tpu.memref_slice %arg14[%mul3A_2, %dma_start3A_74] : memref<10000x128xf32, #tpu.memory_space<vmem_shared>> -> memref<624x128xf32, #tpu.memory_space<vmem_shared>>
      tpu.enqueue_dma source(%arg5 : memref<624x128xf32, #tpu.memory_space<hbm>>) target(%dma_start3A_75 : memref<624x128xf32, #tpu.memory_space<vmem_shared>>) target_semaphore(%run_scoped3A : memref<!tpu.dma_semaphore, #tpu.memory_space<semaphore_mem>>)
      %dma_wait3A_76 = arith.constant 0 : i32
      %dma_wait3A_77 = tpu.memref_slice %arg14[%mul3A_2, %dma_wait3A_76] : memref<10000x128xf32, #tpu.memory_space<vmem_shared>> -> memref<624x128xf32, #tpu.memory_space<vmem_shared>>
      tpu.wait_dma2 semaphore(%run_scoped3A : memref<!tpu.dma_semaphore, #tpu.memory_space<semaphore_mem>>) src(%arg5 : memref<624x128xf32, #tpu.memory_space<hbm>>) dst(%dma_wait3A_77 : memref<624x128xf32, #tpu.memory_space<vmem_shared>>)
      tpu.yield
    }) : () -> ()
    %eq3A = arith.constant 15 : i32
    %eq3A_3 = arith.cmpi eq, %arg1, %eq3A : i32
    %convert_element_type3A = arith.extui %eq3A_3 : i1 to i32
    %cond3A = arith.constant 0 : i32
    %cond3A_4 = arith.cmpi ne, %convert_element_type3A, %cond3A : i32
    scf.if %cond3A_4 {
      "tpu.region"() ({
        %run_scoped3A = tpu.sem_alloc : memref<!tpu.dma_semaphore, #tpu.memory_space<semaphore_mem>>
        %dma_start3A_74 = arith.constant 9984 : i32
        %dma_start3A_75 = arith.constant 0 : i32
        %dma_start3A_76 = tpu.memref_slice %arg14[%dma_start3A_74, %dma_start3A_75] : memref<10000x128xf32, #tpu.memory_space<vmem_shared>> -> memref<16x128xf32, #tpu.memory_space<vmem_shared>>
        %dma_start3A_77 = arith.constant 0 : i32
        %dma_start3A_78 = arith.constant 0 : i32
        %dma_start3A_79 = tpu.memref_slice %arg5[%dma_start3A_77, %dma_start3A_78] : memref<624x128xf32, #tpu.memory_space<hbm>> -> memref<16x128xf32, #tpu.memory_space<hbm>>
        tpu.enqueue_dma source(%dma_start3A_79 : memref<16x128xf32, #tpu.memory_space<hbm>>) target(%dma_start3A_76 : memref<16x128xf32, #tpu.memory_space<vmem_shared>>) target_semaphore(%run_scoped3A : memref<!tpu.dma_semaphore, #tpu.memory_space<semaphore_mem>>)
        %dma_wait3A_80 = arith.constant 9984 : i32
        %dma_wait3A_81 = arith.constant 0 : i32
        %dma_wait3A_82 = tpu.memref_slice %arg14[%dma_wait3A_80, %dma_wait3A_81] : memref<10000x128xf32, #tpu.memory_space<vmem_shared>> -> memref<16x128xf32, #tpu.memory_space<vmem_shared>>
        %dma_wait3A_83 = arith.constant 0 : i32
        %dma_wait3A_84 = arith.constant 0 : i32
        %dma_wait3A_85 = tpu.memref_slice %arg5[%dma_wait3A_83, %dma_wait3A_84] : memref<624x128xf32, #tpu.memory_space<hbm>> -> memref<16x128xf32, #tpu.memory_space<hbm>>
        tpu.wait_dma2 semaphore(%run_scoped3A : memref<!tpu.dma_semaphore, #tpu.memory_space<semaphore_mem>>) src(%dma_wait3A_85 : memref<16x128xf32, #tpu.memory_space<hbm>>) dst(%dma_wait3A_82 : memref<16x128xf32, #tpu.memory_space<vmem_shared>>)
        tpu.yield
      }) : () -> ()
    } else {
    }
    %mul3A_5 = arith.constant 10000 : i32
    %mul3A_6 = arith.muli %add3A, %mul3A_5 : i32
    "tpu.region"() ({
      %run_scoped3A = tpu.sem_alloc : memref<!tpu.dma_semaphore, #tpu.memory_space<semaphore_mem>>
      %dma_start3A_74 = tpu.memref_slice %arg3[%mul3A_6] : memref<320000xi32, #tpu.memory_space<hbm>> -> memref<10000xi32, #tpu.memory_space<hbm>>
      %dma_start3A_75 = tpu.memref_slice %arg3[%mul3A_6] : memref<320000xi32, #tpu.memory_space<hbm>> -> memref<10000xi32, #tpu.memory_space<hbm>>
      tpu.enqueue_dma source(%dma_start3A_75 : memref<10000xi32, #tpu.memory_space<hbm>>) target(%arg7 : memref<10000xi32, #tpu.memory_space<vmem>>) target_semaphore(%run_scoped3A : memref<!tpu.dma_semaphore, #tpu.memory_space<semaphore_mem>>)
      %dma_wait3A_76 = tpu.memref_slice %arg3[%mul3A_6] : memref<320000xi32, #tpu.memory_space<hbm>> -> memref<10000xi32, #tpu.memory_space<hbm>>
      %dma_wait3A_77 = tpu.memref_slice %arg3[%mul3A_6] : memref<320000xi32, #tpu.memory_space<hbm>> -> memref<10000xi32, #tpu.memory_space<hbm>>
      tpu.wait_dma2 semaphore(%run_scoped3A : memref<!tpu.dma_semaphore, #tpu.memory_space<semaphore_mem>>) src(%dma_wait3A_77 : memref<10000xi32, #tpu.memory_space<hbm>>) dst(%arg7 : memref<10000xi32, #tpu.memory_space<vmem>>)
      tpu.yield
    }) : () -> ()
    %barrier3A = arith.constant 0 : index
    tpu.barrier barrier_id(%barrier3A)
    %dma_start3A = arith.constant 0 : i32
    %dma_start3A_7 = tpu.memref_slice %arg7[%dma_start3A] : memref<10000xi32, #tpu.memory_space<vmem>> -> memref<80xi32, #tpu.memory_space<vmem>>
    %dma_start3A_8 = arith.constant 0 : i32
    %dma_start3A_9 = arith.constant 0 : i32
    %dma_start3A_10 = tpu.memref_slice %arg2[%dma_start3A_8, %dma_start3A_9] : memref<10000x128xf32, #tpu.memory_space<hbm>> -> memref<10000x128xf32, #tpu.memory_space<hbm>>
    tpu.enqueue_indirect_dma source(%dma_start3A_10 : memref<10000x128xf32, #tpu.memory_space<hbm>>) target(%arg11 : memref<80x128xf32, #tpu.memory_space<vmem>>) offsets(%dma_start3A_7 : memref<80xi32, #tpu.memory_space<vmem>>) semaphore(%arg15 : memref<!tpu.dma_semaphore, #tpu.memory_space<semaphore_mem>>)
    %add3A_11 = arith.constant 0 : i32
    %add3A_12 = arith.addi %mul3A_6, %add3A_11 : i32
    %dma_start3A_13 = tpu.memref_slice %arg4[%add3A_12] : memref<320000xi32, #tpu.memory_space<hbm>> -> memref<80xi32, #tpu.memory_space<hbm>>
    %dma_start3A_14 = tpu.memref_slice %arg4[%add3A_12] : memref<320000xi32, #tpu.memory_space<hbm>> -> memref<80xi32, #tpu.memory_space<hbm>>
    tpu.enqueue_dma source(%dma_start3A_14 : memref<80xi32, #tpu.memory_space<hbm>>) target(%arg8 : memref<80xi32, #tpu.memory_space<vmem>>) target_semaphore(%arg18 : memref<!tpu.dma_semaphore, #tpu.memory_space<semaphore_mem>>)
    %dma_start3A_15 = arith.constant 80 : i32
    %dma_start3A_16 = tpu.memref_slice %arg7[%dma_start3A_15] : memref<10000xi32, #tpu.memory_space<vmem>> -> memref<80xi32, #tpu.memory_space<vmem>>
    %dma_start3A_17 = arith.constant 0 : i32
    %dma_start3A_18 = arith.constant 0 : i32
    %dma_start3A_19 = tpu.memref_slice %arg2[%dma_start3A_17, %dma_start3A_18] : memref<10000x128xf32, #tpu.memory_space<hbm>> -> memref<10000x128xf32, #tpu.memory_space<hbm>>
    tpu.enqueue_indirect_dma source(%dma_start3A_19 : memref<10000x128xf32, #tpu.memory_space<hbm>>) target(%arg12 : memref<80x128xf32, #tpu.memory_space<vmem>>) offsets(%dma_start3A_16 : memref<80xi32, #tpu.memory_space<vmem>>) semaphore(%arg16 : memref<!tpu.dma_semaphore, #tpu.memory_space<semaphore_mem>>)
    %add3A_20 = arith.constant 80 : i32
    %add3A_21 = arith.addi %mul3A_6, %add3A_20 : i32
    %dma_start3A_22 = tpu.memref_slice %arg4[%add3A_21] : memref<320000xi32, #tpu.memory_space<hbm>> -> memref<80xi32, #tpu.memory_space<hbm>>
    %dma_start3A_23 = tpu.memref_slice %arg4[%add3A_21] : memref<320000xi32, #tpu.memory_space<hbm>> -> memref<80xi32, #tpu.memory_space<hbm>>
    tpu.enqueue_dma source(%dma_start3A_23 : memref<80xi32, #tpu.memory_space<hbm>>) target(%arg9 : memref<80xi32, #tpu.memory_space<vmem>>) target_semaphore(%arg19 : memref<!tpu.dma_semaphore, #tpu.memory_space<semaphore_mem>>)
    %dma_start3A_24 = arith.constant 160 : i32
    %dma_start3A_25 = tpu.memref_slice %arg7[%dma_start3A_24] : memref<10000xi32, #tpu.memory_space<vmem>> -> memref<80xi32, #tpu.memory_space<vmem>>
    %dma_start3A_26 = arith.constant 0 : i32
    %dma_start3A_27 = arith.constant 0 : i32
    %dma_start3A_28 = tpu.memref_slice %arg2[%dma_start3A_26, %dma_start3A_27] : memref<10000x128xf32, #tpu.memory_space<hbm>> -> memref<10000x128xf32, #tpu.memory_space<hbm>>
    tpu.enqueue_indirect_dma source(%dma_start3A_28 : memref<10000x128xf32, #tpu.memory_space<hbm>>) target(%arg13 : memref<80x128xf32, #tpu.memory_space<vmem>>) offsets(%dma_start3A_25 : memref<80xi32, #tpu.memory_space<vmem>>) semaphore(%arg17 : memref<!tpu.dma_semaphore, #tpu.memory_space<semaphore_mem>>)
    %add3A_29 = arith.constant 160 : i32
    %add3A_30 = arith.addi %mul3A_6, %add3A_29 : i32
    %dma_start3A_31 = tpu.memref_slice %arg4[%add3A_30] : memref<320000xi32, #tpu.memory_space<hbm>> -> memref<80xi32, #tpu.memory_space<hbm>>
    %dma_start3A_32 = tpu.memref_slice %arg4[%add3A_30] : memref<320000xi32, #tpu.memory_space<hbm>> -> memref<80xi32, #tpu.memory_space<hbm>>
    tpu.enqueue_dma source(%dma_start3A_32 : memref<80xi32, #tpu.memory_space<hbm>>) target(%arg10 : memref<80xi32, #tpu.memory_space<vmem>>) target_semaphore(%arg20 : memref<!tpu.dma_semaphore, #tpu.memory_space<semaphore_mem>>)
    %scan3A = arith.constant 0 : i32
    %scan3A_33 = arith.constant 0 : i32
    %scan3A_34 = arith.constant 41 : i32
    %scan3A_35 = arith.addi %scan3A_33, %scan3A_34 : i32
    %scan3A_36 = arith.constant 1 : i32
    scf.for %scan3A_74 = %scan3A_33 to %scan3A_35 step %scan3A_36  : i32 {
      %mul3A_75 = arith.constant 3 : i32
      %mul3A_76 = arith.muli %mul3A_75, %scan3A_74 : i32
      %dma_wait3A_77 = arith.constant 0 : i32
      %dma_wait3A_78 = tpu.memref_slice %arg7[%dma_wait3A_77] : memref<10000xi32, #tpu.memory_space<vmem>> -> memref<80xi32, #tpu.memory_space<vmem>>
      %dma_wait3A_79 = arith.constant 0 : i32
      %dma_wait3A_80 = arith.constant 0 : i32
      %dma_wait3A_81 = tpu.memref_slice %arg2[%dma_wait3A_79, %dma_wait3A_80] : memref<10000x128xf32, #tpu.memory_space<hbm>> -> memref<10000x128xf32, #tpu.memory_space<hbm>>
      tpu.wait_indirect_dma semaphore(%arg15 : memref<!tpu.dma_semaphore, #tpu.memory_space<semaphore_mem>>) src(%dma_wait3A_81 : memref<10000x128xf32, #tpu.memory_space<hbm>>) dst(%arg11 : memref<80x128xf32, #tpu.memory_space<vmem>>)
      %dma_wait3A_82 = tpu.memref_slice %arg4[%mul3A_6] : memref<320000xi32, #tpu.memory_space<hbm>> -> memref<80xi32, #tpu.memory_space<hbm>>
      %dma_wait3A_83 = tpu.memref_slice %arg4[%mul3A_6] : memref<320000xi32, #tpu.memory_space<hbm>> -> memref<80xi32, #tpu.memory_space<hbm>>
      tpu.wait_dma2 semaphore(%arg18 : memref<!tpu.dma_semaphore, #tpu.memory_space<semaphore_mem>>) src(%dma_wait3A_83 : memref<80xi32, #tpu.memory_space<hbm>>) dst(%arg8 : memref<80xi32, #tpu.memory_space<vmem>>)
      %add3A_84 = arith.constant 0 : i32
      %add3A_85 = arith.addi %mul3A_76, %add3A_84 : i32
      %dma_start3A_86 = arith.constant 0 : i32
      %dma_start3A_87 = arith.constant 0 : i32
      %dma_start3A_88 = tpu.memref_slice %arg14[%dma_start3A_86, %dma_start3A_87] : memref<10000x128xf32, #tpu.memory_space<vmem_shared>> -> memref<10000x128xf32, #tpu.memory_space<vmem_shared>>
      tpu.enqueue_indirect_dma source(%arg11 : memref<80x128xf32, #tpu.memory_space<vmem>>) target(%dma_start3A_88 : memref<10000x128xf32, #tpu.memory_space<vmem_shared>>) offsets(%arg8 : memref<80xi32, #tpu.memory_space<vmem>>) semaphore(%arg21 : memref<!tpu.dma_semaphore, #tpu.memory_space<semaphore_mem>>) {add = true}
      %dma_wait3A_89 = arith.constant 0 : i32
      %dma_wait3A_90 = tpu.memref_slice %arg7[%dma_wait3A_89] : memref<10000xi32, #tpu.memory_space<vmem>> -> memref<80xi32, #tpu.memory_space<vmem>>
      %dma_wait3A_91 = arith.constant 0 : i32
      %dma_wait3A_92 = arith.constant 0 : i32
      %dma_wait3A_93 = tpu.memref_slice %arg2[%dma_wait3A_91, %dma_wait3A_92] : memref<10000x128xf32, #tpu.memory_space<hbm>> -> memref<10000x128xf32, #tpu.memory_space<hbm>>
      tpu.wait_indirect_dma semaphore(%arg16 : memref<!tpu.dma_semaphore, #tpu.memory_space<semaphore_mem>>) src(%dma_wait3A_93 : memref<10000x128xf32, #tpu.memory_space<hbm>>) dst(%arg12 : memref<80x128xf32, #tpu.memory_space<vmem>>)
      %dma_wait3A_94 = tpu.memref_slice %arg4[%mul3A_6] : memref<320000xi32, #tpu.memory_space<hbm>> -> memref<80xi32, #tpu.memory_space<hbm>>
      %dma_wait3A_95 = tpu.memref_slice %arg4[%mul3A_6] : memref<320000xi32, #tpu.memory_space<hbm>> -> memref<80xi32, #tpu.memory_space<hbm>>
      tpu.wait_dma2 semaphore(%arg19 : memref<!tpu.dma_semaphore, #tpu.memory_space<semaphore_mem>>) src(%dma_wait3A_95 : memref<80xi32, #tpu.memory_space<hbm>>) dst(%arg9 : memref<80xi32, #tpu.memory_space<vmem>>)
      %add3A_96 = arith.constant 1 : i32
      %add3A_97 = arith.addi %mul3A_76, %add3A_96 : i32
      %dma_start3A_98 = arith.constant 0 : i32
      %dma_start3A_99 = arith.constant 0 : i32
      %dma_start3A_100 = tpu.memref_slice %arg14[%dma_start3A_98, %dma_start3A_99] : memref<10000x128xf32, #tpu.memory_space<vmem_shared>> -> memref<10000x128xf32, #tpu.memory_space<vmem_shared>>
      tpu.enqueue_indirect_dma source(%arg12 : memref<80x128xf32, #tpu.memory_space<vmem>>) target(%dma_start3A_100 : memref<10000x128xf32, #tpu.memory_space<vmem_shared>>) offsets(%arg9 : memref<80xi32, #tpu.memory_space<vmem>>) semaphore(%arg22 : memref<!tpu.dma_semaphore, #tpu.memory_space<semaphore_mem>>) {add = true}
      %dma_wait3A_101 = arith.constant 0 : i32
      %dma_wait3A_102 = tpu.memref_slice %arg7[%dma_wait3A_101] : memref<10000xi32, #tpu.memory_space<vmem>> -> memref<80xi32, #tpu.memory_space<vmem>>
      %dma_wait3A_103 = arith.constant 0 : i32
      %dma_wait3A_104 = arith.constant 0 : i32
      %dma_wait3A_105 = tpu.memref_slice %arg2[%dma_wait3A_103, %dma_wait3A_104] : memref<10000x128xf32, #tpu.memory_space<hbm>> -> memref<10000x128xf32, #tpu.memory_space<hbm>>
      tpu.wait_indirect_dma semaphore(%arg17 : memref<!tpu.dma_semaphore, #tpu.memory_space<semaphore_mem>>) src(%dma_wait3A_105 : memref<10000x128xf32, #tpu.memory_space<hbm>>) dst(%arg13 : memref<80x128xf32, #tpu.memory_space<vmem>>)
      %dma_wait3A_106 = tpu.memref_slice %arg4[%mul3A_6] : memref<320000xi32, #tpu.memory_space<hbm>> -> memref<80xi32, #tpu.memory_space<hbm>>
      %dma_wait3A_107 = tpu.memref_slice %arg4[%mul3A_6] : memref<320000xi32, #tpu.memory_space<hbm>> -> memref<80xi32, #tpu.memory_space<hbm>>
      tpu.wait_dma2 semaphore(%arg20 : memref<!tpu.dma_semaphore, #tpu.memory_space<semaphore_mem>>) src(%dma_wait3A_107 : memref<80xi32, #tpu.memory_space<hbm>>) dst(%arg10 : memref<80xi32, #tpu.memory_space<vmem>>)
      %add3A_108 = arith.constant 2 : i32
      %add3A_109 = arith.addi %mul3A_76, %add3A_108 : i32
      %dma_start3A_110 = arith.constant 0 : i32
      %dma_start3A_111 = arith.constant 0 : i32
      %dma_start3A_112 = tpu.memref_slice %arg14[%dma_start3A_110, %dma_start3A_111] : memref<10000x128xf32, #tpu.memory_space<vmem_shared>> -> memref<10000x128xf32, #tpu.memory_space<vmem_shared>>
      tpu.enqueue_indirect_dma source(%arg13 : memref<80x128xf32, #tpu.memory_space<vmem>>) target(%dma_start3A_112 : memref<10000x128xf32, #tpu.memory_space<vmem_shared>>) offsets(%arg10 : memref<80xi32, #tpu.memory_space<vmem>>) semaphore(%arg23 : memref<!tpu.dma_semaphore, #tpu.memory_space<semaphore_mem>>) {add = true}
      %dma_wait3A_113 = arith.constant 0 : i32
      %dma_wait3A_114 = arith.constant 0 : i32
      %dma_wait3A_115 = tpu.memref_slice %arg14[%dma_wait3A_113, %dma_wait3A_114] : memref<10000x128xf32, #tpu.memory_space<vmem_shared>> -> memref<10000x128xf32, #tpu.memory_space<vmem_shared>>
      tpu.wait_indirect_dma semaphore(%arg21 : memref<!tpu.dma_semaphore, #tpu.memory_space<semaphore_mem>>) src(%arg11 : memref<80x128xf32, #tpu.memory_space<vmem>>) dst(%dma_wait3A_115 : memref<10000x128xf32, #tpu.memory_space<vmem_shared>>)
      %add3A_116 = arith.constant 3 : i32
      %add3A_117 = arith.addi %mul3A_76, %add3A_116 : i32
      %add3A_118 = arith.constant 0 : i32
      %add3A_119 = arith.addi %add3A_117, %add3A_118 : i32
      %lt3A = arith.constant 125 : i32
      %lt3A_120 = arith.cmpi slt, %add3A_119, %lt3A : i32
      %convert_element_type3A_121 = arith.extui %lt3A_120 : i1 to i32
      %cond3A_122 = arith.constant 0 : i32
      %cond3A_123 = arith.cmpi ne, %convert_element_type3A_121, %cond3A_122 : i32
      scf.if %cond3A_123 {
        %add3A_148 = arith.constant 3 : i32
        %add3A_149 = arith.addi %mul3A_76, %add3A_148 : i32
        %add3A_150 = arith.constant 0 : i32
        %add3A_151 = arith.addi %add3A_149, %add3A_150 : i32
        %mul3A_152 = arith.constant 80 : i32
        %mul3A_153 = arith.muli %add3A_151, %mul3A_152 : i32
        %dma_start3A_154 = tpu.memref_slice %arg7[%mul3A_153] : memref<10000xi32, #tpu.memory_space<vmem>> -> memref<80xi32, #tpu.memory_space<vmem>>
        %dma_start3A_155 = arith.constant 0 : i32
        %dma_start3A_156 = arith.constant 0 : i32
        %dma_start3A_157 = tpu.memref_slice %arg2[%dma_start3A_155, %dma_start3A_156] : memref<10000x128xf32, #tpu.memory_space<hbm>> -> memref<10000x128xf32, #tpu.memory_space<hbm>>
        tpu.enqueue_indirect_dma source(%dma_start3A_157 : memref<10000x128xf32, #tpu.memory_space<hbm>>) target(%arg11 : memref<80x128xf32, #tpu.memory_space<vmem>>) offsets(%dma_start3A_154 : memref<80xi32, #tpu.memory_space<vmem>>) semaphore(%arg15 : memref<!tpu.dma_semaphore, #tpu.memory_space<semaphore_mem>>)
        %mul3A_158 = arith.constant 80 : i32
        %mul3A_159 = arith.muli %add3A_151, %mul3A_158 : i32
        %add3A_160 = arith.addi %mul3A_6, %mul3A_159 : i32
        %dma_start3A_161 = tpu.memref_slice %arg4[%add3A_160] : memref<320000xi32, #tpu.memory_space<hbm>> -> memref<80xi32, #tpu.memory_space<hbm>>
        %dma_start3A_162 = tpu.memref_slice %arg4[%add3A_160] : memref<320000xi32, #tpu.memory_space<hbm>> -> memref<80xi32, #tpu.memory_space<hbm>>
        tpu.enqueue_dma source(%dma_start3A_162 : memref<80xi32, #tpu.memory_space<hbm>>) target(%arg8 : memref<80xi32, #tpu.memory_space<vmem>>) target_semaphore(%arg18 : memref<!tpu.dma_semaphore, #tpu.memory_space<semaphore_mem>>)
      } else {
      }
      %dma_wait3A_124 = arith.constant 0 : i32
      %dma_wait3A_125 = arith.constant 0 : i32
      %dma_wait3A_126 = tpu.memref_slice %arg14[%dma_wait3A_124, %dma_wait3A_125] : memref<10000x128xf32, #tpu.memory_space<vmem_shared>> -> memref<10000x128xf32, #tpu.memory_space<vmem_shared>>
      tpu.wait_indirect_dma semaphore(%arg22 : memref<!tpu.dma_semaphore, #tpu.memory_space<semaphore_mem>>) src(%arg12 : memref<80x128xf32, #tpu.memory_space<vmem>>) dst(%dma_wait3A_126 : memref<10000x128xf32, #tpu.memory_space<vmem_shared>>)
      %add3A_127 = arith.constant 3 : i32
      %add3A_128 = arith.addi %mul3A_76, %add3A_127 : i32
      %add3A_129 = arith.constant 1 : i32
      %add3A_130 = arith.addi %add3A_128, %add3A_129 : i32
      %lt3A_131 = arith.constant 125 : i32
      %lt3A_132 = arith.cmpi slt, %add3A_130, %lt3A_131 : i32
      %convert_element_type3A_133 = arith.extui %lt3A_132 : i1 to i32
      %cond3A_134 = arith.constant 0 : i32
      %cond3A_135 = arith.cmpi ne, %convert_element_type3A_133, %cond3A_134 : i32
      scf.if %cond3A_135 {
        %add3A_148 = arith.constant 3 : i32
        %add3A_149 = arith.addi %mul3A_76, %add3A_148 : i32
        %add3A_150 = arith.constant 1 : i32
        %add3A_151 = arith.addi %add3A_149, %add3A_150 : i32
        %mul3A_152 = arith.constant 80 : i32
        %mul3A_153 = arith.muli %add3A_151, %mul3A_152 : i32
        %dma_start3A_154 = tpu.memref_slice %arg7[%mul3A_153] : memref<10000xi32, #tpu.memory_space<vmem>> -> memref<80xi32, #tpu.memory_space<vmem>>
        %dma_start3A_155 = arith.constant 0 : i32
        %dma_start3A_156 = arith.constant 0 : i32
        %dma_start3A_157 = tpu.memref_slice %arg2[%dma_start3A_155, %dma_start3A_156] : memref<10000x128xf32, #tpu.memory_space<hbm>> -> memref<10000x128xf32, #tpu.memory_space<hbm>>
        tpu.enqueue_indirect_dma source(%dma_start3A_157 : memref<10000x128xf32, #tpu.memory_space<hbm>>) target(%arg12 : memref<80x128xf32, #tpu.memory_space<vmem>>) offsets(%dma_start3A_154 : memref<80xi32, #tpu.memory_space<vmem>>) semaphore(%arg16 : memref<!tpu.dma_semaphore, #tpu.memory_space<semaphore_mem>>)
        %mul3A_158 = arith.constant 80 : i32
        %mul3A_159 = arith.muli %add3A_151, %mul3A_158 : i32
        %add3A_160 = arith.addi %mul3A_6, %mul3A_159 : i32
        %dma_start3A_161 = tpu.memref_slice %arg4[%add3A_160] : memref<320000xi32, #tpu.memory_space<hbm>> -> memref<80xi32, #tpu.memory_space<hbm>>
        %dma_start3A_162 = tpu.memref_slice %arg4[%add3A_160] : memref<320000xi32, #tpu.memory_space<hbm>> -> memref<80xi32, #tpu.memory_space<hbm>>
        tpu.enqueue_dma source(%dma_start3A_162 : memref<80xi32, #tpu.memory_space<hbm>>) target(%arg9 : memref<80xi32, #tpu.memory_space<vmem>>) target_semaphore(%arg19 : memref<!tpu.dma_semaphore, #tpu.memory_space<semaphore_mem>>)
      } else {
      }
      %dma_wait3A_136 = arith.constant 0 : i32
      %dma_wait3A_137 = arith.constant 0 : i32
      %dma_wait3A_138 = tpu.memref_slice %arg14[%dma_wait3A_136, %dma_wait3A_137] : memref<10000x128xf32, #tpu.memory_space<vmem_shared>> -> memref<10000x128xf32, #tpu.memory_space<vmem_shared>>
      tpu.wait_indirect_dma semaphore(%arg23 : memref<!tpu.dma_semaphore, #tpu.memory_space<semaphore_mem>>) src(%arg13 : memref<80x128xf32, #tpu.memory_space<vmem>>) dst(%dma_wait3A_138 : memref<10000x128xf32, #tpu.memory_space<vmem_shared>>)
      %add3A_139 = arith.constant 3 : i32
      %add3A_140 = arith.addi %mul3A_76, %add3A_139 : i32
      %add3A_141 = arith.constant 2 : i32
      %add3A_142 = arith.addi %add3A_140, %add3A_141 : i32
      %lt3A_143 = arith.constant 125 : i32
      %lt3A_144 = arith.cmpi slt, %add3A_142, %lt3A_143 : i32
      %convert_element_type3A_145 = arith.extui %lt3A_144 : i1 to i32
      %cond3A_146 = arith.constant 0 : i32
      %cond3A_147 = arith.cmpi ne, %convert_element_type3A_145, %cond3A_146 : i32
      scf.if %cond3A_147 {
        %add3A_148 = arith.constant 3 : i32
        %add3A_149 = arith.addi %mul3A_76, %add3A_148 : i32
        %add3A_150 = arith.constant 2 : i32
        %add3A_151 = arith.addi %add3A_149, %add3A_150 : i32
        %mul3A_152 = arith.constant 80 : i32
        %mul3A_153 = arith.muli %add3A_151, %mul3A_152 : i32
        %dma_start3A_154 = tpu.memref_slice %arg7[%mul3A_153] : memref<10000xi32, #tpu.memory_space<vmem>> -> memref<80xi32, #tpu.memory_space<vmem>>
        %dma_start3A_155 = arith.constant 0 : i32
        %dma_start3A_156 = arith.constant 0 : i32
        %dma_start3A_157 = tpu.memref_slice %arg2[%dma_start3A_155, %dma_start3A_156] : memref<10000x128xf32, #tpu.memory_space<hbm>> -> memref<10000x128xf32, #tpu.memory_space<hbm>>
        tpu.enqueue_indirect_dma source(%dma_start3A_157 : memref<10000x128xf32, #tpu.memory_space<hbm>>) target(%arg13 : memref<80x128xf32, #tpu.memory_space<vmem>>) offsets(%dma_start3A_154 : memref<80xi32, #tpu.memory_space<vmem>>) semaphore(%arg17 : memref<!tpu.dma_semaphore, #tpu.memory_space<semaphore_mem>>)
        %mul3A_158 = arith.constant 80 : i32
        %mul3A_159 = arith.muli %add3A_151, %mul3A_158 : i32
        %add3A_160 = arith.addi %mul3A_6, %mul3A_159 : i32
        %dma_start3A_161 = tpu.memref_slice %arg4[%add3A_160] : memref<320000xi32, #tpu.memory_space<hbm>> -> memref<80xi32, #tpu.memory_space<hbm>>
        %dma_start3A_162 = tpu.memref_slice %arg4[%add3A_160] : memref<320000xi32, #tpu.memory_space<hbm>> -> memref<80xi32, #tpu.memory_space<hbm>>
        tpu.enqueue_dma source(%dma_start3A_162 : memref<80xi32, #tpu.memory_space<hbm>>) target(%arg10 : memref<80xi32, #tpu.memory_space<vmem>>) target_semaphore(%arg20 : memref<!tpu.dma_semaphore, #tpu.memory_space<semaphore_mem>>)
      } else {
      }
    }
    %scan3A_37 = arith.constant 41 : i32
    %dma_wait3A = arith.constant 0 : i32
    %dma_wait3A_38 = tpu.memref_slice %arg7[%dma_wait3A] : memref<10000xi32, #tpu.memory_space<vmem>> -> memref<80xi32, #tpu.memory_space<vmem>>
    %dma_wait3A_39 = arith.constant 0 : i32
    %dma_wait3A_40 = arith.constant 0 : i32
    %dma_wait3A_41 = tpu.memref_slice %arg2[%dma_wait3A_39, %dma_wait3A_40] : memref<10000x128xf32, #tpu.memory_space<hbm>> -> memref<10000x128xf32, #tpu.memory_space<hbm>>
    tpu.wait_indirect_dma semaphore(%arg15 : memref<!tpu.dma_semaphore, #tpu.memory_space<semaphore_mem>>) src(%dma_wait3A_41 : memref<10000x128xf32, #tpu.memory_space<hbm>>) dst(%arg11 : memref<80x128xf32, #tpu.memory_space<vmem>>)
    %dma_wait3A_42 = tpu.memref_slice %arg4[%mul3A_6] : memref<320000xi32, #tpu.memory_space<hbm>> -> memref<80xi32, #tpu.memory_space<hbm>>
    %dma_wait3A_43 = tpu.memref_slice %arg4[%mul3A_6] : memref<320000xi32, #tpu.memory_space<hbm>> -> memref<80xi32, #tpu.memory_space<hbm>>
    tpu.wait_dma2 semaphore(%arg18 : memref<!tpu.dma_semaphore, #tpu.memory_space<semaphore_mem>>) src(%dma_wait3A_43 : memref<80xi32, #tpu.memory_space<hbm>>) dst(%arg8 : memref<80xi32, #tpu.memory_space<vmem>>)
    %dma_start3A_44 = arith.constant 0 : i32
    %dma_start3A_45 = arith.constant 0 : i32
    %dma_start3A_46 = tpu.memref_slice %arg14[%dma_start3A_44, %dma_start3A_45] : memref<10000x128xf32, #tpu.memory_space<vmem_shared>> -> memref<10000x128xf32, #tpu.memory_space<vmem_shared>>
    tpu.enqueue_indirect_dma source(%arg11 : memref<80x128xf32, #tpu.memory_space<vmem>>) target(%dma_start3A_46 : memref<10000x128xf32, #tpu.memory_space<vmem_shared>>) offsets(%arg8 : memref<80xi32, #tpu.memory_space<vmem>>) semaphore(%arg21 : memref<!tpu.dma_semaphore, #tpu.memory_space<semaphore_mem>>) {add = true}
    %dma_wait3A_47 = arith.constant 0 : i32
    %dma_wait3A_48 = arith.constant 0 : i32
    %dma_wait3A_49 = tpu.memref_slice %arg14[%dma_wait3A_47, %dma_wait3A_48] : memref<10000x128xf32, #tpu.memory_space<vmem_shared>> -> memref<10000x128xf32, #tpu.memory_space<vmem_shared>>
    tpu.wait_indirect_dma semaphore(%arg21 : memref<!tpu.dma_semaphore, #tpu.memory_space<semaphore_mem>>) src(%arg11 : memref<80x128xf32, #tpu.memory_space<vmem>>) dst(%dma_wait3A_49 : memref<10000x128xf32, #tpu.memory_space<vmem_shared>>)
    %dma_wait3A_50 = arith.constant 0 : i32
    %dma_wait3A_51 = tpu.memref_slice %arg7[%dma_wait3A_50] : memref<10000xi32, #tpu.memory_space<vmem>> -> memref<80xi32, #tpu.memory_space<vmem>>
    %dma_wait3A_52 = arith.constant 0 : i32
    %dma_wait3A_53 = arith.constant 0 : i32
    %dma_wait3A_54 = tpu.memref_slice %arg2[%dma_wait3A_52, %dma_wait3A_53] : memref<10000x128xf32, #tpu.memory_space<hbm>> -> memref<10000x128xf32, #tpu.memory_space<hbm>>
    tpu.wait_indirect_dma semaphore(%arg16 : memref<!tpu.dma_semaphore, #tpu.memory_space<semaphore_mem>>) src(%dma_wait3A_54 : memref<10000x128xf32, #tpu.memory_space<hbm>>) dst(%arg12 : memref<80x128xf32, #tpu.memory_space<vmem>>)
    %dma_wait3A_55 = tpu.memref_slice %arg4[%mul3A_6] : memref<320000xi32, #tpu.memory_space<hbm>> -> memref<80xi32, #tpu.memory_space<hbm>>
    %dma_wait3A_56 = tpu.memref_slice %arg4[%mul3A_6] : memref<320000xi32, #tpu.memory_space<hbm>> -> memref<80xi32, #tpu.memory_space<hbm>>
    tpu.wait_dma2 semaphore(%arg19 : memref<!tpu.dma_semaphore, #tpu.memory_space<semaphore_mem>>) src(%dma_wait3A_56 : memref<80xi32, #tpu.memory_space<hbm>>) dst(%arg9 : memref<80xi32, #tpu.memory_space<vmem>>)
    %dma_start3A_57 = arith.constant 0 : i32
    %dma_start3A_58 = arith.constant 0 : i32
    %dma_start3A_59 = tpu.memref_slice %arg14[%dma_start3A_57, %dma_start3A_58] : memref<10000x128xf32, #tpu.memory_space<vmem_shared>> -> memref<10000x128xf32, #tpu.memory_space<vmem_shared>>
    tpu.enqueue_indirect_dma source(%arg12 : memref<80x128xf32, #tpu.memory_space<vmem>>) target(%dma_start3A_59 : memref<10000x128xf32, #tpu.memory_space<vmem_shared>>) offsets(%arg9 : memref<80xi32, #tpu.memory_space<vmem>>) semaphore(%arg22 : memref<!tpu.dma_semaphore, #tpu.memory_space<semaphore_mem>>) {add = true}
    %dma_wait3A_60 = arith.constant 0 : i32
    %dma_wait3A_61 = arith.constant 0 : i32
    %dma_wait3A_62 = tpu.memref_slice %arg14[%dma_wait3A_60, %dma_wait3A_61] : memref<10000x128xf32, #tpu.memory_space<vmem_shared>> -> memref<10000x128xf32, #tpu.memory_space<vmem_shared>>
    tpu.wait_indirect_dma semaphore(%arg22 : memref<!tpu.dma_semaphore, #tpu.memory_space<semaphore_mem>>) src(%arg12 : memref<80x128xf32, #tpu.memory_space<vmem>>) dst(%dma_wait3A_62 : memref<10000x128xf32, #tpu.memory_space<vmem_shared>>)
    %barrier3A_63 = arith.constant 0 : index
    tpu.barrier barrier_id(%barrier3A_63)
    %mul3A_64 = arith.constant 10000 : i32
    %mul3A_65 = arith.muli %arg0, %mul3A_64 : i32
    %mul3A_66 = arith.constant 624 : i32
    %mul3A_67 = arith.muli %arg1, %mul3A_66 : i32
    %add3A_68 = arith.addi %mul3A_65, %mul3A_67 : i32
    "tpu.region"() ({
      %run_scoped3A = tpu.sem_alloc : memref<!tpu.dma_semaphore, #tpu.memory_space<semaphore_mem>>
      %dma_start3A_74 = arith.constant 0 : i32
      %dma_start3A_75 = tpu.memref_slice %arg6[%add3A_68, %dma_start3A_74] : memref<20000x128xf32, #tpu.memory_space<hbm>> -> memref<624x128xf32, #tpu.memory_space<hbm>>
      %dma_start3A_76 = arith.constant 0 : i32
      %dma_start3A_77 = tpu.memref_slice %arg14[%mul3A_67, %dma_start3A_76] : memref<10000x128xf32, #tpu.memory_space<vmem_shared>> -> memref<624x128xf32, #tpu.memory_space<vmem_shared>>
      tpu.enqueue_dma source(%dma_start3A_77 : memref<624x128xf32, #tpu.memory_space<vmem_shared>>) target(%dma_start3A_75 : memref<624x128xf32, #tpu.memory_space<hbm>>) target_semaphore(%run_scoped3A : memref<!tpu.dma_semaphore, #tpu.memory_space<semaphore_mem>>)
      %dma_wait3A_78 = arith.constant 0 : i32
      %dma_wait3A_79 = tpu.memref_slice %arg6[%add3A_68, %dma_wait3A_78] : memref<20000x128xf32, #tpu.memory_space<hbm>> -> memref<624x128xf32, #tpu.memory_space<hbm>>
      %dma_wait3A_80 = arith.constant 0 : i32
      %dma_wait3A_81 = tpu.memref_slice %arg14[%mul3A_67, %dma_wait3A_80] : memref<10000x128xf32, #tpu.memory_space<vmem_shared>> -> memref<624x128xf32, #tpu.memory_space<vmem_shared>>
      tpu.wait_dma2 semaphore(%run_scoped3A : memref<!tpu.dma_semaphore, #tpu.memory_space<semaphore_mem>>) src(%dma_wait3A_81 : memref<624x128xf32, #tpu.memory_space<vmem_shared>>) dst(%dma_wait3A_79 : memref<624x128xf32, #tpu.memory_space<hbm>>)
      tpu.yield
    }) : () -> ()
    %eq3A_69 = arith.constant 15 : i32
    %eq3A_70 = arith.cmpi eq, %arg1, %eq3A_69 : i32
    %convert_element_type3A_71 = arith.extui %eq3A_70 : i1 to i32
    %cond3A_72 = arith.constant 0 : i32
    %cond3A_73 = arith.cmpi ne, %convert_element_type3A_71, %cond3A_72 : i32
    scf.if %cond3A_73 {
      %add3A_74 = arith.constant 9984 : i32
      %add3A_75 = arith.addi %mul3A_65, %add3A_74 : i32
      "tpu.region"() ({
        %run_scoped3A = tpu.sem_alloc : memref<!tpu.dma_semaphore, #tpu.memory_space<semaphore_mem>>
        %dma_start3A_76 = arith.constant 0 : i32
        %dma_start3A_77 = tpu.memref_slice %arg6[%add3A_75, %dma_start3A_76] : memref<20000x128xf32, #tpu.memory_space<hbm>> -> memref<16x128xf32, #tpu.memory_space<hbm>>
        %dma_start3A_78 = arith.constant 9984 : i32
        %dma_start3A_79 = arith.constant 0 : i32
        %dma_start3A_80 = tpu.memref_slice %arg14[%dma_start3A_78, %dma_start3A_79] : memref<10000x128xf32, #tpu.memory_space<vmem_shared>> -> memref<16x128xf32, #tpu.memory_space<vmem_shared>>
        tpu.enqueue_dma source(%dma_start3A_80 : memref<16x128xf32, #tpu.memory_space<vmem_shared>>) target(%dma_start3A_77 : memref<16x128xf32, #tpu.memory_space<hbm>>) target_semaphore(%run_scoped3A : memref<!tpu.dma_semaphore, #tpu.memory_space<semaphore_mem>>)
        %dma_wait3A_81 = arith.constant 0 : i32
        %dma_wait3A_82 = tpu.memref_slice %arg6[%add3A_75, %dma_wait3A_81] : memref<20000x128xf32, #tpu.memory_space<hbm>> -> memref<16x128xf32, #tpu.memory_space<hbm>>
        %dma_wait3A_83 = arith.constant 9984 : i32
        %dma_wait3A_84 = arith.constant 0 : i32
        %dma_wait3A_85 = tpu.memref_slice %arg14[%dma_wait3A_83, %dma_wait3A_84] : memref<10000x128xf32, #tpu.memory_space<vmem_shared>> -> memref<16x128xf32, #tpu.memory_space<vmem_shared>>
        tpu.wait_dma2 semaphore(%run_scoped3A : memref<!tpu.dma_semaphore, #tpu.memory_space<semaphore_mem>>) src(%dma_wait3A_85 : memref<16x128xf32, #tpu.memory_space<vmem_shared>>) dst(%dma_wait3A_82 : memref<16x128xf32, #tpu.memory_space<hbm>>)
        tpu.yield
      }) : () -> ()
    } else {
    }
    return
  }
}

#map = affine_map<(d0, d1) -> (0, 0)>
#map1 = affine_map<(d0, d1) -> (0)>
module attributes {stable_mosaic.version = 14 : i64} {
  func.func @_pass_b_body(%arg0: i32, %arg1: i32, %arg2: memref<10000x128xf32, #tpu.memory_space<hbm>>, %arg3: memref<320000xi32, #tpu.memory_space<hbm>>, %arg4: memref<320000xi32, #tpu.memory_space<hbm>>, %arg5: memref<624x128xf32, #tpu.memory_space<hbm>>, %arg6: memref<20000x128xf32, #tpu.memory_space<hbm>>, %arg7: memref<10000xi32, #tpu.memory_space<vmem>>, %arg8: memref<80xi32, #tpu.memory_space<vmem>>, %arg9: memref<80xi32, #tpu.memory_space<vmem>>, %arg10: memref<80xi32, #tpu.memory_space<vmem>>, %arg11: memref<80x128xf32, #tpu.memory_space<vmem>>, %arg12: memref<80x128xf32, #tpu.memory_space<vmem>>, %arg13: memref<80x128xf32, #tpu.memory_space<vmem>>, %arg14: memref<10000x128xf32, #tpu.memory_space<vmem_shared>>, %arg15: memref<!tpu.dma_semaphore, #tpu.memory_space<semaphore_mem>>, %arg16: memref<!tpu.dma_semaphore, #tpu.memory_space<semaphore_mem>>, %arg17: memref<!tpu.dma_semaphore, #tpu.memory_space<semaphore_mem>>, %arg18: memref<!tpu.dma_semaphore, #tpu.memory_space<semaphore_mem>>, %arg19: memref<!tpu.dma_semaphore, #tpu.memory_space<semaphore_mem>>, %arg20: memref<!tpu.dma_semaphore, #tpu.memory_space<semaphore_mem>>, %arg21: memref<!tpu.dma_semaphore, #tpu.memory_space<semaphore_mem>>, %arg22: memref<!tpu.dma_semaphore, #tpu.memory_space<semaphore_mem>>, %arg23: memref<!tpu.dma_semaphore, #tpu.memory_space<semaphore_mem>>) attributes {dimension_semantics = [#tpu.dimension_semantics<core_parallel>, #tpu.dimension_semantics<subcore_parallel>], iteration_bounds = array<i64: 2, 16>, scalar_prefetch = 0 : i64, scratch_operands = 17 : i64, tpu.core_type = #tpu.core_type<sc_vector_subcore>, window_params = [{transform_indices = #map}, {transform_indices = #map1}, {transform_indices = #map1}, {transform_indices = #map}, {transform_indices = #map}]} {
    %mul3A = arith.constant 16 : i32
    %mul3A_0 = arith.muli %arg0, %mul3A : i32
    %add3A = arith.addi %mul3A_0, %arg1 : i32
    %mul3A_1 = arith.constant 624 : i32
    %mul3A_2 = arith.muli %arg1, %mul3A_1 : i32
    "tpu.region"() ({
      %run_scoped3A = tpu.sem_alloc : memref<!tpu.dma_semaphore, #tpu.memory_space<semaphore_mem>>
      %dma_start3A_74 = arith.constant 0 : i32
      %dma_start3A_75 = tpu.memref_slice %arg14[%mul3A_2, %dma_start3A_74] : memref<10000x128xf32, #tpu.memory_space<vmem_shared>> -> memref<624x128xf32, #tpu.memory_space<vmem_shared>>
      tpu.enqueue_dma source(%arg5 : memref<624x128xf32, #tpu.memory_space<hbm>>) target(%dma_start3A_75 : memref<624x128xf32, #tpu.memory_space<vmem_shared>>) target_semaphore(%run_scoped3A : memref<!tpu.dma_semaphore, #tpu.memory_space<semaphore_mem>>)
      %dma_wait3A_76 = arith.constant 0 : i32
      %dma_wait3A_77 = tpu.memref_slice %arg14[%mul3A_2, %dma_wait3A_76] : memref<10000x128xf32, #tpu.memory_space<vmem_shared>> -> memref<624x128xf32, #tpu.memory_space<vmem_shared>>
      tpu.wait_dma2 semaphore(%run_scoped3A : memref<!tpu.dma_semaphore, #tpu.memory_space<semaphore_mem>>) src(%arg5 : memref<624x128xf32, #tpu.memory_space<hbm>>) dst(%dma_wait3A_77 : memref<624x128xf32, #tpu.memory_space<vmem_shared>>)
      tpu.yield
    }) : () -> ()
    %eq3A = arith.constant 15 : i32
    %eq3A_3 = arith.cmpi eq, %arg1, %eq3A : i32
    %convert_element_type3A = arith.extui %eq3A_3 : i1 to i32
    %cond3A = arith.constant 0 : i32
    %cond3A_4 = arith.cmpi ne, %convert_element_type3A, %cond3A : i32
    scf.if %cond3A_4 {
      "tpu.region"() ({
        %run_scoped3A = tpu.sem_alloc : memref<!tpu.dma_semaphore, #tpu.memory_space<semaphore_mem>>
        %dma_start3A_74 = arith.constant 9984 : i32
        %dma_start3A_75 = arith.constant 0 : i32
        %dma_start3A_76 = tpu.memref_slice %arg14[%dma_start3A_74, %dma_start3A_75] : memref<10000x128xf32, #tpu.memory_space<vmem_shared>> -> memref<16x128xf32, #tpu.memory_space<vmem_shared>>
        %dma_start3A_77 = arith.constant 0 : i32
        %dma_start3A_78 = arith.constant 0 : i32
        %dma_start3A_79 = tpu.memref_slice %arg5[%dma_start3A_77, %dma_start3A_78] : memref<624x128xf32, #tpu.memory_space<hbm>> -> memref<16x128xf32, #tpu.memory_space<hbm>>
        tpu.enqueue_dma source(%dma_start3A_79 : memref<16x128xf32, #tpu.memory_space<hbm>>) target(%dma_start3A_76 : memref<16x128xf32, #tpu.memory_space<vmem_shared>>) target_semaphore(%run_scoped3A : memref<!tpu.dma_semaphore, #tpu.memory_space<semaphore_mem>>)
        %dma_wait3A_80 = arith.constant 9984 : i32
        %dma_wait3A_81 = arith.constant 0 : i32
        %dma_wait3A_82 = tpu.memref_slice %arg14[%dma_wait3A_80, %dma_wait3A_81] : memref<10000x128xf32, #tpu.memory_space<vmem_shared>> -> memref<16x128xf32, #tpu.memory_space<vmem_shared>>
        %dma_wait3A_83 = arith.constant 0 : i32
        %dma_wait3A_84 = arith.constant 0 : i32
        %dma_wait3A_85 = tpu.memref_slice %arg5[%dma_wait3A_83, %dma_wait3A_84] : memref<624x128xf32, #tpu.memory_space<hbm>> -> memref<16x128xf32, #tpu.memory_space<hbm>>
        tpu.wait_dma2 semaphore(%run_scoped3A : memref<!tpu.dma_semaphore, #tpu.memory_space<semaphore_mem>>) src(%dma_wait3A_85 : memref<16x128xf32, #tpu.memory_space<hbm>>) dst(%dma_wait3A_82 : memref<16x128xf32, #tpu.memory_space<vmem_shared>>)
        tpu.yield
      }) : () -> ()
    } else {
    }
    %mul3A_5 = arith.constant 10000 : i32
    %mul3A_6 = arith.muli %add3A, %mul3A_5 : i32
    "tpu.region"() ({
      %run_scoped3A = tpu.sem_alloc : memref<!tpu.dma_semaphore, #tpu.memory_space<semaphore_mem>>
      %dma_start3A_74 = tpu.memref_slice %arg3[%mul3A_6] : memref<320000xi32, #tpu.memory_space<hbm>> -> memref<10000xi32, #tpu.memory_space<hbm>>
      %dma_start3A_75 = tpu.memref_slice %arg3[%mul3A_6] : memref<320000xi32, #tpu.memory_space<hbm>> -> memref<10000xi32, #tpu.memory_space<hbm>>
      tpu.enqueue_dma source(%dma_start3A_75 : memref<10000xi32, #tpu.memory_space<hbm>>) target(%arg7 : memref<10000xi32, #tpu.memory_space<vmem>>) target_semaphore(%run_scoped3A : memref<!tpu.dma_semaphore, #tpu.memory_space<semaphore_mem>>)
      %dma_wait3A_76 = tpu.memref_slice %arg3[%mul3A_6] : memref<320000xi32, #tpu.memory_space<hbm>> -> memref<10000xi32, #tpu.memory_space<hbm>>
      %dma_wait3A_77 = tpu.memref_slice %arg3[%mul3A_6] : memref<320000xi32, #tpu.memory_space<hbm>> -> memref<10000xi32, #tpu.memory_space<hbm>>
      tpu.wait_dma2 semaphore(%run_scoped3A : memref<!tpu.dma_semaphore, #tpu.memory_space<semaphore_mem>>) src(%dma_wait3A_77 : memref<10000xi32, #tpu.memory_space<hbm>>) dst(%arg7 : memref<10000xi32, #tpu.memory_space<vmem>>)
      tpu.yield
    }) : () -> ()
    %barrier3A = arith.constant 0 : index
    tpu.barrier barrier_id(%barrier3A)
    %dma_start3A = arith.constant 0 : i32
    %dma_start3A_7 = tpu.memref_slice %arg7[%dma_start3A] : memref<10000xi32, #tpu.memory_space<vmem>> -> memref<80xi32, #tpu.memory_space<vmem>>
    %dma_start3A_8 = arith.constant 0 : i32
    %dma_start3A_9 = arith.constant 0 : i32
    %dma_start3A_10 = tpu.memref_slice %arg2[%dma_start3A_8, %dma_start3A_9] : memref<10000x128xf32, #tpu.memory_space<hbm>> -> memref<10000x128xf32, #tpu.memory_space<hbm>>
    tpu.enqueue_indirect_dma source(%dma_start3A_10 : memref<10000x128xf32, #tpu.memory_space<hbm>>) target(%arg11 : memref<80x128xf32, #tpu.memory_space<vmem>>) offsets(%dma_start3A_7 : memref<80xi32, #tpu.memory_space<vmem>>) semaphore(%arg15 : memref<!tpu.dma_semaphore, #tpu.memory_space<semaphore_mem>>)
    %add3A_11 = arith.constant 0 : i32
    %add3A_12 = arith.addi %mul3A_6, %add3A_11 : i32
    %dma_start3A_13 = tpu.memref_slice %arg4[%add3A_12] : memref<320000xi32, #tpu.memory_space<hbm>> -> memref<80xi32, #tpu.memory_space<hbm>>
    %dma_start3A_14 = tpu.memref_slice %arg4[%add3A_12] : memref<320000xi32, #tpu.memory_space<hbm>> -> memref<80xi32, #tpu.memory_space<hbm>>
    tpu.enqueue_dma source(%dma_start3A_14 : memref<80xi32, #tpu.memory_space<hbm>>) target(%arg8 : memref<80xi32, #tpu.memory_space<vmem>>) target_semaphore(%arg18 : memref<!tpu.dma_semaphore, #tpu.memory_space<semaphore_mem>>)
    %dma_start3A_15 = arith.constant 80 : i32
    %dma_start3A_16 = tpu.memref_slice %arg7[%dma_start3A_15] : memref<10000xi32, #tpu.memory_space<vmem>> -> memref<80xi32, #tpu.memory_space<vmem>>
    %dma_start3A_17 = arith.constant 0 : i32
    %dma_start3A_18 = arith.constant 0 : i32
    %dma_start3A_19 = tpu.memref_slice %arg2[%dma_start3A_17, %dma_start3A_18] : memref<10000x128xf32, #tpu.memory_space<hbm>> -> memref<10000x128xf32, #tpu.memory_space<hbm>>
    tpu.enqueue_indirect_dma source(%dma_start3A_19 : memref<10000x128xf32, #tpu.memory_space<hbm>>) target(%arg12 : memref<80x128xf32, #tpu.memory_space<vmem>>) offsets(%dma_start3A_16 : memref<80xi32, #tpu.memory_space<vmem>>) semaphore(%arg16 : memref<!tpu.dma_semaphore, #tpu.memory_space<semaphore_mem>>)
    %add3A_20 = arith.constant 80 : i32
    %add3A_21 = arith.addi %mul3A_6, %add3A_20 : i32
    %dma_start3A_22 = tpu.memref_slice %arg4[%add3A_21] : memref<320000xi32, #tpu.memory_space<hbm>> -> memref<80xi32, #tpu.memory_space<hbm>>
    %dma_start3A_23 = tpu.memref_slice %arg4[%add3A_21] : memref<320000xi32, #tpu.memory_space<hbm>> -> memref<80xi32, #tpu.memory_space<hbm>>
    tpu.enqueue_dma source(%dma_start3A_23 : memref<80xi32, #tpu.memory_space<hbm>>) target(%arg9 : memref<80xi32, #tpu.memory_space<vmem>>) target_semaphore(%arg19 : memref<!tpu.dma_semaphore, #tpu.memory_space<semaphore_mem>>)
    %dma_start3A_24 = arith.constant 160 : i32
    %dma_start3A_25 = tpu.memref_slice %arg7[%dma_start3A_24] : memref<10000xi32, #tpu.memory_space<vmem>> -> memref<80xi32, #tpu.memory_space<vmem>>
    %dma_start3A_26 = arith.constant 0 : i32
    %dma_start3A_27 = arith.constant 0 : i32
    %dma_start3A_28 = tpu.memref_slice %arg2[%dma_start3A_26, %dma_start3A_27] : memref<10000x128xf32, #tpu.memory_space<hbm>> -> memref<10000x128xf32, #tpu.memory_space<hbm>>
    tpu.enqueue_indirect_dma source(%dma_start3A_28 : memref<10000x128xf32, #tpu.memory_space<hbm>>) target(%arg13 : memref<80x128xf32, #tpu.memory_space<vmem>>) offsets(%dma_start3A_25 : memref<80xi32, #tpu.memory_space<vmem>>) semaphore(%arg17 : memref<!tpu.dma_semaphore, #tpu.memory_space<semaphore_mem>>)
    %add3A_29 = arith.constant 160 : i32
    %add3A_30 = arith.addi %mul3A_6, %add3A_29 : i32
    %dma_start3A_31 = tpu.memref_slice %arg4[%add3A_30] : memref<320000xi32, #tpu.memory_space<hbm>> -> memref<80xi32, #tpu.memory_space<hbm>>
    %dma_start3A_32 = tpu.memref_slice %arg4[%add3A_30] : memref<320000xi32, #tpu.memory_space<hbm>> -> memref<80xi32, #tpu.memory_space<hbm>>
    tpu.enqueue_dma source(%dma_start3A_32 : memref<80xi32, #tpu.memory_space<hbm>>) target(%arg10 : memref<80xi32, #tpu.memory_space<vmem>>) target_semaphore(%arg20 : memref<!tpu.dma_semaphore, #tpu.memory_space<semaphore_mem>>)
    %scan3A = arith.constant 0 : i32
    %scan3A_33 = arith.constant 0 : i32
    %scan3A_34 = arith.constant 41 : i32
    %scan3A_35 = arith.addi %scan3A_33, %scan3A_34 : i32
    %scan3A_36 = arith.constant 1 : i32
    scf.for %scan3A_74 = %scan3A_33 to %scan3A_35 step %scan3A_36  : i32 {
      %mul3A_75 = arith.constant 3 : i32
      %mul3A_76 = arith.muli %mul3A_75, %scan3A_74 : i32
      %dma_wait3A_77 = arith.constant 0 : i32
      %dma_wait3A_78 = tpu.memref_slice %arg7[%dma_wait3A_77] : memref<10000xi32, #tpu.memory_space<vmem>> -> memref<80xi32, #tpu.memory_space<vmem>>
      %dma_wait3A_79 = arith.constant 0 : i32
      %dma_wait3A_80 = arith.constant 0 : i32
      %dma_wait3A_81 = tpu.memref_slice %arg2[%dma_wait3A_79, %dma_wait3A_80] : memref<10000x128xf32, #tpu.memory_space<hbm>> -> memref<10000x128xf32, #tpu.memory_space<hbm>>
      tpu.wait_indirect_dma semaphore(%arg15 : memref<!tpu.dma_semaphore, #tpu.memory_space<semaphore_mem>>) src(%dma_wait3A_81 : memref<10000x128xf32, #tpu.memory_space<hbm>>) dst(%arg11 : memref<80x128xf32, #tpu.memory_space<vmem>>)
      %dma_wait3A_82 = tpu.memref_slice %arg4[%mul3A_6] : memref<320000xi32, #tpu.memory_space<hbm>> -> memref<80xi32, #tpu.memory_space<hbm>>
      %dma_wait3A_83 = tpu.memref_slice %arg4[%mul3A_6] : memref<320000xi32, #tpu.memory_space<hbm>> -> memref<80xi32, #tpu.memory_space<hbm>>
      tpu.wait_dma2 semaphore(%arg18 : memref<!tpu.dma_semaphore, #tpu.memory_space<semaphore_mem>>) src(%dma_wait3A_83 : memref<80xi32, #tpu.memory_space<hbm>>) dst(%arg8 : memref<80xi32, #tpu.memory_space<vmem>>)
      %add3A_84 = arith.constant 0 : i32
      %add3A_85 = arith.addi %mul3A_76, %add3A_84 : i32
      %dma_start3A_86 = arith.constant 0 : i32
      %dma_start3A_87 = arith.constant 0 : i32
      %dma_start3A_88 = tpu.memref_slice %arg14[%dma_start3A_86, %dma_start3A_87] : memref<10000x128xf32, #tpu.memory_space<vmem_shared>> -> memref<10000x128xf32, #tpu.memory_space<vmem_shared>>
      tpu.enqueue_indirect_dma source(%arg11 : memref<80x128xf32, #tpu.memory_space<vmem>>) target(%dma_start3A_88 : memref<10000x128xf32, #tpu.memory_space<vmem_shared>>) offsets(%arg8 : memref<80xi32, #tpu.memory_space<vmem>>) semaphore(%arg21 : memref<!tpu.dma_semaphore, #tpu.memory_space<semaphore_mem>>) {add = true}
      %dma_wait3A_89 = arith.constant 0 : i32
      %dma_wait3A_90 = tpu.memref_slice %arg7[%dma_wait3A_89] : memref<10000xi32, #tpu.memory_space<vmem>> -> memref<80xi32, #tpu.memory_space<vmem>>
      %dma_wait3A_91 = arith.constant 0 : i32
      %dma_wait3A_92 = arith.constant 0 : i32
      %dma_wait3A_93 = tpu.memref_slice %arg2[%dma_wait3A_91, %dma_wait3A_92] : memref<10000x128xf32, #tpu.memory_space<hbm>> -> memref<10000x128xf32, #tpu.memory_space<hbm>>
      tpu.wait_indirect_dma semaphore(%arg16 : memref<!tpu.dma_semaphore, #tpu.memory_space<semaphore_mem>>) src(%dma_wait3A_93 : memref<10000x128xf32, #tpu.memory_space<hbm>>) dst(%arg12 : memref<80x128xf32, #tpu.memory_space<vmem>>)
      %dma_wait3A_94 = tpu.memref_slice %arg4[%mul3A_6] : memref<320000xi32, #tpu.memory_space<hbm>> -> memref<80xi32, #tpu.memory_space<hbm>>
      %dma_wait3A_95 = tpu.memref_slice %arg4[%mul3A_6] : memref<320000xi32, #tpu.memory_space<hbm>> -> memref<80xi32, #tpu.memory_space<hbm>>
      tpu.wait_dma2 semaphore(%arg19 : memref<!tpu.dma_semaphore, #tpu.memory_space<semaphore_mem>>) src(%dma_wait3A_95 : memref<80xi32, #tpu.memory_space<hbm>>) dst(%arg9 : memref<80xi32, #tpu.memory_space<vmem>>)
      %add3A_96 = arith.constant 1 : i32
      %add3A_97 = arith.addi %mul3A_76, %add3A_96 : i32
      %dma_start3A_98 = arith.constant 0 : i32
      %dma_start3A_99 = arith.constant 0 : i32
      %dma_start3A_100 = tpu.memref_slice %arg14[%dma_start3A_98, %dma_start3A_99] : memref<10000x128xf32, #tpu.memory_space<vmem_shared>> -> memref<10000x128xf32, #tpu.memory_space<vmem_shared>>
      tpu.enqueue_indirect_dma source(%arg12 : memref<80x128xf32, #tpu.memory_space<vmem>>) target(%dma_start3A_100 : memref<10000x128xf32, #tpu.memory_space<vmem_shared>>) offsets(%arg9 : memref<80xi32, #tpu.memory_space<vmem>>) semaphore(%arg22 : memref<!tpu.dma_semaphore, #tpu.memory_space<semaphore_mem>>) {add = true}
      %dma_wait3A_101 = arith.constant 0 : i32
      %dma_wait3A_102 = tpu.memref_slice %arg7[%dma_wait3A_101] : memref<10000xi32, #tpu.memory_space<vmem>> -> memref<80xi32, #tpu.memory_space<vmem>>
      %dma_wait3A_103 = arith.constant 0 : i32
      %dma_wait3A_104 = arith.constant 0 : i32
      %dma_wait3A_105 = tpu.memref_slice %arg2[%dma_wait3A_103, %dma_wait3A_104] : memref<10000x128xf32, #tpu.memory_space<hbm>> -> memref<10000x128xf32, #tpu.memory_space<hbm>>
      tpu.wait_indirect_dma semaphore(%arg17 : memref<!tpu.dma_semaphore, #tpu.memory_space<semaphore_mem>>) src(%dma_wait3A_105 : memref<10000x128xf32, #tpu.memory_space<hbm>>) dst(%arg13 : memref<80x128xf32, #tpu.memory_space<vmem>>)
      %dma_wait3A_106 = tpu.memref_slice %arg4[%mul3A_6] : memref<320000xi32, #tpu.memory_space<hbm>> -> memref<80xi32, #tpu.memory_space<hbm>>
      %dma_wait3A_107 = tpu.memref_slice %arg4[%mul3A_6] : memref<320000xi32, #tpu.memory_space<hbm>> -> memref<80xi32, #tpu.memory_space<hbm>>
      tpu.wait_dma2 semaphore(%arg20 : memref<!tpu.dma_semaphore, #tpu.memory_space<semaphore_mem>>) src(%dma_wait3A_107 : memref<80xi32, #tpu.memory_space<hbm>>) dst(%arg10 : memref<80xi32, #tpu.memory_space<vmem>>)
      %add3A_108 = arith.constant 2 : i32
      %add3A_109 = arith.addi %mul3A_76, %add3A_108 : i32
      %dma_start3A_110 = arith.constant 0 : i32
      %dma_start3A_111 = arith.constant 0 : i32
      %dma_start3A_112 = tpu.memref_slice %arg14[%dma_start3A_110, %dma_start3A_111] : memref<10000x128xf32, #tpu.memory_space<vmem_shared>> -> memref<10000x128xf32, #tpu.memory_space<vmem_shared>>
      tpu.enqueue_indirect_dma source(%arg13 : memref<80x128xf32, #tpu.memory_space<vmem>>) target(%dma_start3A_112 : memref<10000x128xf32, #tpu.memory_space<vmem_shared>>) offsets(%arg10 : memref<80xi32, #tpu.memory_space<vmem>>) semaphore(%arg23 : memref<!tpu.dma_semaphore, #tpu.memory_space<semaphore_mem>>) {add = true}
      %dma_wait3A_113 = arith.constant 0 : i32
      %dma_wait3A_114 = arith.constant 0 : i32
      %dma_wait3A_115 = tpu.memref_slice %arg14[%dma_wait3A_113, %dma_wait3A_114] : memref<10000x128xf32, #tpu.memory_space<vmem_shared>> -> memref<10000x128xf32, #tpu.memory_space<vmem_shared>>
      tpu.wait_indirect_dma semaphore(%arg21 : memref<!tpu.dma_semaphore, #tpu.memory_space<semaphore_mem>>) src(%arg11 : memref<80x128xf32, #tpu.memory_space<vmem>>) dst(%dma_wait3A_115 : memref<10000x128xf32, #tpu.memory_space<vmem_shared>>)
      %add3A_116 = arith.constant 3 : i32
      %add3A_117 = arith.addi %mul3A_76, %add3A_116 : i32
      %add3A_118 = arith.constant 0 : i32
      %add3A_119 = arith.addi %add3A_117, %add3A_118 : i32
      %lt3A = arith.constant 125 : i32
      %lt3A_120 = arith.cmpi slt, %add3A_119, %lt3A : i32
      %convert_element_type3A_121 = arith.extui %lt3A_120 : i1 to i32
      %cond3A_122 = arith.constant 0 : i32
      %cond3A_123 = arith.cmpi ne, %convert_element_type3A_121, %cond3A_122 : i32
      scf.if %cond3A_123 {
        %add3A_148 = arith.constant 3 : i32
        %add3A_149 = arith.addi %mul3A_76, %add3A_148 : i32
        %add3A_150 = arith.constant 0 : i32
        %add3A_151 = arith.addi %add3A_149, %add3A_150 : i32
        %mul3A_152 = arith.constant 80 : i32
        %mul3A_153 = arith.muli %add3A_151, %mul3A_152 : i32
        %dma_start3A_154 = tpu.memref_slice %arg7[%mul3A_153] : memref<10000xi32, #tpu.memory_space<vmem>> -> memref<80xi32, #tpu.memory_space<vmem>>
        %dma_start3A_155 = arith.constant 0 : i32
        %dma_start3A_156 = arith.constant 0 : i32
        %dma_start3A_157 = tpu.memref_slice %arg2[%dma_start3A_155, %dma_start3A_156] : memref<10000x128xf32, #tpu.memory_space<hbm>> -> memref<10000x128xf32, #tpu.memory_space<hbm>>
        tpu.enqueue_indirect_dma source(%dma_start3A_157 : memref<10000x128xf32, #tpu.memory_space<hbm>>) target(%arg11 : memref<80x128xf32, #tpu.memory_space<vmem>>) offsets(%dma_start3A_154 : memref<80xi32, #tpu.memory_space<vmem>>) semaphore(%arg15 : memref<!tpu.dma_semaphore, #tpu.memory_space<semaphore_mem>>)
        %mul3A_158 = arith.constant 80 : i32
        %mul3A_159 = arith.muli %add3A_151, %mul3A_158 : i32
        %add3A_160 = arith.addi %mul3A_6, %mul3A_159 : i32
        %dma_start3A_161 = tpu.memref_slice %arg4[%add3A_160] : memref<320000xi32, #tpu.memory_space<hbm>> -> memref<80xi32, #tpu.memory_space<hbm>>
        %dma_start3A_162 = tpu.memref_slice %arg4[%add3A_160] : memref<320000xi32, #tpu.memory_space<hbm>> -> memref<80xi32, #tpu.memory_space<hbm>>
        tpu.enqueue_dma source(%dma_start3A_162 : memref<80xi32, #tpu.memory_space<hbm>>) target(%arg8 : memref<80xi32, #tpu.memory_space<vmem>>) target_semaphore(%arg18 : memref<!tpu.dma_semaphore, #tpu.memory_space<semaphore_mem>>)
      } else {
      }
      %dma_wait3A_124 = arith.constant 0 : i32
      %dma_wait3A_125 = arith.constant 0 : i32
      %dma_wait3A_126 = tpu.memref_slice %arg14[%dma_wait3A_124, %dma_wait3A_125] : memref<10000x128xf32, #tpu.memory_space<vmem_shared>> -> memref<10000x128xf32, #tpu.memory_space<vmem_shared>>
      tpu.wait_indirect_dma semaphore(%arg22 : memref<!tpu.dma_semaphore, #tpu.memory_space<semaphore_mem>>) src(%arg12 : memref<80x128xf32, #tpu.memory_space<vmem>>) dst(%dma_wait3A_126 : memref<10000x128xf32, #tpu.memory_space<vmem_shared>>)
      %add3A_127 = arith.constant 3 : i32
      %add3A_128 = arith.addi %mul3A_76, %add3A_127 : i32
      %add3A_129 = arith.constant 1 : i32
      %add3A_130 = arith.addi %add3A_128, %add3A_129 : i32
      %lt3A_131 = arith.constant 125 : i32
      %lt3A_132 = arith.cmpi slt, %add3A_130, %lt3A_131 : i32
      %convert_element_type3A_133 = arith.extui %lt3A_132 : i1 to i32
      %cond3A_134 = arith.constant 0 : i32
      %cond3A_135 = arith.cmpi ne, %convert_element_type3A_133, %cond3A_134 : i32
      scf.if %cond3A_135 {
        %add3A_148 = arith.constant 3 : i32
        %add3A_149 = arith.addi %mul3A_76, %add3A_148 : i32
        %add3A_150 = arith.constant 1 : i32
        %add3A_151 = arith.addi %add3A_149, %add3A_150 : i32
        %mul3A_152 = arith.constant 80 : i32
        %mul3A_153 = arith.muli %add3A_151, %mul3A_152 : i32
        %dma_start3A_154 = tpu.memref_slice %arg7[%mul3A_153] : memref<10000xi32, #tpu.memory_space<vmem>> -> memref<80xi32, #tpu.memory_space<vmem>>
        %dma_start3A_155 = arith.constant 0 : i32
        %dma_start3A_156 = arith.constant 0 : i32
        %dma_start3A_157 = tpu.memref_slice %arg2[%dma_start3A_155, %dma_start3A_156] : memref<10000x128xf32, #tpu.memory_space<hbm>> -> memref<10000x128xf32, #tpu.memory_space<hbm>>
        tpu.enqueue_indirect_dma source(%dma_start3A_157 : memref<10000x128xf32, #tpu.memory_space<hbm>>) target(%arg12 : memref<80x128xf32, #tpu.memory_space<vmem>>) offsets(%dma_start3A_154 : memref<80xi32, #tpu.memory_space<vmem>>) semaphore(%arg16 : memref<!tpu.dma_semaphore, #tpu.memory_space<semaphore_mem>>)
        %mul3A_158 = arith.constant 80 : i32
        %mul3A_159 = arith.muli %add3A_151, %mul3A_158 : i32
        %add3A_160 = arith.addi %mul3A_6, %mul3A_159 : i32
        %dma_start3A_161 = tpu.memref_slice %arg4[%add3A_160] : memref<320000xi32, #tpu.memory_space<hbm>> -> memref<80xi32, #tpu.memory_space<hbm>>
        %dma_start3A_162 = tpu.memref_slice %arg4[%add3A_160] : memref<320000xi32, #tpu.memory_space<hbm>> -> memref<80xi32, #tpu.memory_space<hbm>>
        tpu.enqueue_dma source(%dma_start3A_162 : memref<80xi32, #tpu.memory_space<hbm>>) target(%arg9 : memref<80xi32, #tpu.memory_space<vmem>>) target_semaphore(%arg19 : memref<!tpu.dma_semaphore, #tpu.memory_space<semaphore_mem>>)
      } else {
      }
      %dma_wait3A_136 = arith.constant 0 : i32
      %dma_wait3A_137 = arith.constant 0 : i32
      %dma_wait3A_138 = tpu.memref_slice %arg14[%dma_wait3A_136, %dma_wait3A_137] : memref<10000x128xf32, #tpu.memory_space<vmem_shared>> -> memref<10000x128xf32, #tpu.memory_space<vmem_shared>>
      tpu.wait_indirect_dma semaphore(%arg23 : memref<!tpu.dma_semaphore, #tpu.memory_space<semaphore_mem>>) src(%arg13 : memref<80x128xf32, #tpu.memory_space<vmem>>) dst(%dma_wait3A_138 : memref<10000x128xf32, #tpu.memory_space<vmem_shared>>)
      %add3A_139 = arith.constant 3 : i32
      %add3A_140 = arith.addi %mul3A_76, %add3A_139 : i32
      %add3A_141 = arith.constant 2 : i32
      %add3A_142 = arith.addi %add3A_140, %add3A_141 : i32
      %lt3A_143 = arith.constant 125 : i32
      %lt3A_144 = arith.cmpi slt, %add3A_142, %lt3A_143 : i32
      %convert_element_type3A_145 = arith.extui %lt3A_144 : i1 to i32
      %cond3A_146 = arith.constant 0 : i32
      %cond3A_147 = arith.cmpi ne, %convert_element_type3A_145, %cond3A_146 : i32
      scf.if %cond3A_147 {
        %add3A_148 = arith.constant 3 : i32
        %add3A_149 = arith.addi %mul3A_76, %add3A_148 : i32
        %add3A_150 = arith.constant 2 : i32
        %add3A_151 = arith.addi %add3A_149, %add3A_150 : i32
        %mul3A_152 = arith.constant 80 : i32
        %mul3A_153 = arith.muli %add3A_151, %mul3A_152 : i32
        %dma_start3A_154 = tpu.memref_slice %arg7[%mul3A_153] : memref<10000xi32, #tpu.memory_space<vmem>> -> memref<80xi32, #tpu.memory_space<vmem>>
        %dma_start3A_155 = arith.constant 0 : i32
        %dma_start3A_156 = arith.constant 0 : i32
        %dma_start3A_157 = tpu.memref_slice %arg2[%dma_start3A_155, %dma_start3A_156] : memref<10000x128xf32, #tpu.memory_space<hbm>> -> memref<10000x128xf32, #tpu.memory_space<hbm>>
        tpu.enqueue_indirect_dma source(%dma_start3A_157 : memref<10000x128xf32, #tpu.memory_space<hbm>>) target(%arg13 : memref<80x128xf32, #tpu.memory_space<vmem>>) offsets(%dma_start3A_154 : memref<80xi32, #tpu.memory_space<vmem>>) semaphore(%arg17 : memref<!tpu.dma_semaphore, #tpu.memory_space<semaphore_mem>>)
        %mul3A_158 = arith.constant 80 : i32
        %mul3A_159 = arith.muli %add3A_151, %mul3A_158 : i32
        %add3A_160 = arith.addi %mul3A_6, %mul3A_159 : i32
        %dma_start3A_161 = tpu.memref_slice %arg4[%add3A_160] : memref<320000xi32, #tpu.memory_space<hbm>> -> memref<80xi32, #tpu.memory_space<hbm>>
        %dma_start3A_162 = tpu.memref_slice %arg4[%add3A_160] : memref<320000xi32, #tpu.memory_space<hbm>> -> memref<80xi32, #tpu.memory_space<hbm>>
        tpu.enqueue_dma source(%dma_start3A_162 : memref<80xi32, #tpu.memory_space<hbm>>) target(%arg10 : memref<80xi32, #tpu.memory_space<vmem>>) target_semaphore(%arg20 : memref<!tpu.dma_semaphore, #tpu.memory_space<semaphore_mem>>)
      } else {
      }
    }
    %scan3A_37 = arith.constant 41 : i32
    %dma_wait3A = arith.constant 0 : i32
    %dma_wait3A_38 = tpu.memref_slice %arg7[%dma_wait3A] : memref<10000xi32, #tpu.memory_space<vmem>> -> memref<80xi32, #tpu.memory_space<vmem>>
    %dma_wait3A_39 = arith.constant 0 : i32
    %dma_wait3A_40 = arith.constant 0 : i32
    %dma_wait3A_41 = tpu.memref_slice %arg2[%dma_wait3A_39, %dma_wait3A_40] : memref<10000x128xf32, #tpu.memory_space<hbm>> -> memref<10000x128xf32, #tpu.memory_space<hbm>>
    tpu.wait_indirect_dma semaphore(%arg15 : memref<!tpu.dma_semaphore, #tpu.memory_space<semaphore_mem>>) src(%dma_wait3A_41 : memref<10000x128xf32, #tpu.memory_space<hbm>>) dst(%arg11 : memref<80x128xf32, #tpu.memory_space<vmem>>)
    %dma_wait3A_42 = tpu.memref_slice %arg4[%mul3A_6] : memref<320000xi32, #tpu.memory_space<hbm>> -> memref<80xi32, #tpu.memory_space<hbm>>
    %dma_wait3A_43 = tpu.memref_slice %arg4[%mul3A_6] : memref<320000xi32, #tpu.memory_space<hbm>> -> memref<80xi32, #tpu.memory_space<hbm>>
    tpu.wait_dma2 semaphore(%arg18 : memref<!tpu.dma_semaphore, #tpu.memory_space<semaphore_mem>>) src(%dma_wait3A_43 : memref<80xi32, #tpu.memory_space<hbm>>) dst(%arg8 : memref<80xi32, #tpu.memory_space<vmem>>)
    %dma_start3A_44 = arith.constant 0 : i32
    %dma_start3A_45 = arith.constant 0 : i32
    %dma_start3A_46 = tpu.memref_slice %arg14[%dma_start3A_44, %dma_start3A_45] : memref<10000x128xf32, #tpu.memory_space<vmem_shared>> -> memref<10000x128xf32, #tpu.memory_space<vmem_shared>>
    tpu.enqueue_indirect_dma source(%arg11 : memref<80x128xf32, #tpu.memory_space<vmem>>) target(%dma_start3A_46 : memref<10000x128xf32, #tpu.memory_space<vmem_shared>>) offsets(%arg8 : memref<80xi32, #tpu.memory_space<vmem>>) semaphore(%arg21 : memref<!tpu.dma_semaphore, #tpu.memory_space<semaphore_mem>>) {add = true}
    %dma_wait3A_47 = arith.constant 0 : i32
    %dma_wait3A_48 = arith.constant 0 : i32
    %dma_wait3A_49 = tpu.memref_slice %arg14[%dma_wait3A_47, %dma_wait3A_48] : memref<10000x128xf32, #tpu.memory_space<vmem_shared>> -> memref<10000x128xf32, #tpu.memory_space<vmem_shared>>
    tpu.wait_indirect_dma semaphore(%arg21 : memref<!tpu.dma_semaphore, #tpu.memory_space<semaphore_mem>>) src(%arg11 : memref<80x128xf32, #tpu.memory_space<vmem>>) dst(%dma_wait3A_49 : memref<10000x128xf32, #tpu.memory_space<vmem_shared>>)
    %dma_wait3A_50 = arith.constant 0 : i32
    %dma_wait3A_51 = tpu.memref_slice %arg7[%dma_wait3A_50] : memref<10000xi32, #tpu.memory_space<vmem>> -> memref<80xi32, #tpu.memory_space<vmem>>
    %dma_wait3A_52 = arith.constant 0 : i32
    %dma_wait3A_53 = arith.constant 0 : i32
    %dma_wait3A_54 = tpu.memref_slice %arg2[%dma_wait3A_52, %dma_wait3A_53] : memref<10000x128xf32, #tpu.memory_space<hbm>> -> memref<10000x128xf32, #tpu.memory_space<hbm>>
    tpu.wait_indirect_dma semaphore(%arg16 : memref<!tpu.dma_semaphore, #tpu.memory_space<semaphore_mem>>) src(%dma_wait3A_54 : memref<10000x128xf32, #tpu.memory_space<hbm>>) dst(%arg12 : memref<80x128xf32, #tpu.memory_space<vmem>>)
    %dma_wait3A_55 = tpu.memref_slice %arg4[%mul3A_6] : memref<320000xi32, #tpu.memory_space<hbm>> -> memref<80xi32, #tpu.memory_space<hbm>>
    %dma_wait3A_56 = tpu.memref_slice %arg4[%mul3A_6] : memref<320000xi32, #tpu.memory_space<hbm>> -> memref<80xi32, #tpu.memory_space<hbm>>
    tpu.wait_dma2 semaphore(%arg19 : memref<!tpu.dma_semaphore, #tpu.memory_space<semaphore_mem>>) src(%dma_wait3A_56 : memref<80xi32, #tpu.memory_space<hbm>>) dst(%arg9 : memref<80xi32, #tpu.memory_space<vmem>>)
    %dma_start3A_57 = arith.constant 0 : i32
    %dma_start3A_58 = arith.constant 0 : i32
    %dma_start3A_59 = tpu.memref_slice %arg14[%dma_start3A_57, %dma_start3A_58] : memref<10000x128xf32, #tpu.memory_space<vmem_shared>> -> memref<10000x128xf32, #tpu.memory_space<vmem_shared>>
    tpu.enqueue_indirect_dma source(%arg12 : memref<80x128xf32, #tpu.memory_space<vmem>>) target(%dma_start3A_59 : memref<10000x128xf32, #tpu.memory_space<vmem_shared>>) offsets(%arg9 : memref<80xi32, #tpu.memory_space<vmem>>) semaphore(%arg22 : memref<!tpu.dma_semaphore, #tpu.memory_space<semaphore_mem>>) {add = true}
    %dma_wait3A_60 = arith.constant 0 : i32
    %dma_wait3A_61 = arith.constant 0 : i32
    %dma_wait3A_62 = tpu.memref_slice %arg14[%dma_wait3A_60, %dma_wait3A_61] : memref<10000x128xf32, #tpu.memory_space<vmem_shared>> -> memref<10000x128xf32, #tpu.memory_space<vmem_shared>>
    tpu.wait_indirect_dma semaphore(%arg22 : memref<!tpu.dma_semaphore, #tpu.memory_space<semaphore_mem>>) src(%arg12 : memref<80x128xf32, #tpu.memory_space<vmem>>) dst(%dma_wait3A_62 : memref<10000x128xf32, #tpu.memory_space<vmem_shared>>)
    %barrier3A_63 = arith.constant 0 : index
    tpu.barrier barrier_id(%barrier3A_63)
    %mul3A_64 = arith.constant 10000 : i32
    %mul3A_65 = arith.muli %arg0, %mul3A_64 : i32
    %mul3A_66 = arith.constant 624 : i32
    %mul3A_67 = arith.muli %arg1, %mul3A_66 : i32
    %add3A_68 = arith.addi %mul3A_65, %mul3A_67 : i32
    "tpu.region"() ({
      %run_scoped3A = tpu.sem_alloc : memref<!tpu.dma_semaphore, #tpu.memory_space<semaphore_mem>>
      %dma_start3A_74 = arith.constant 0 : i32
      %dma_start3A_75 = tpu.memref_slice %arg6[%add3A_68, %dma_start3A_74] : memref<20000x128xf32, #tpu.memory_space<hbm>> -> memref<624x128xf32, #tpu.memory_space<hbm>>
      %dma_start3A_76 = arith.constant 0 : i32
      %dma_start3A_77 = tpu.memref_slice %arg14[%mul3A_67, %dma_start3A_76] : memref<10000x128xf32, #tpu.memory_space<vmem_shared>> -> memref<624x128xf32, #tpu.memory_space<vmem_shared>>
      tpu.enqueue_dma source(%dma_start3A_77 : memref<624x128xf32, #tpu.memory_space<vmem_shared>>) target(%dma_start3A_75 : memref<624x128xf32, #tpu.memory_space<hbm>>) target_semaphore(%run_scoped3A : memref<!tpu.dma_semaphore, #tpu.memory_space<semaphore_mem>>)
      %dma_wait3A_78 = arith.constant 0 : i32
      %dma_wait3A_79 = tpu.memref_slice %arg6[%add3A_68, %dma_wait3A_78] : memref<20000x128xf32, #tpu.memory_space<hbm>> -> memref<624x128xf32, #tpu.memory_space<hbm>>
      %dma_wait3A_80 = arith.constant 0 : i32
      %dma_wait3A_81 = tpu.memref_slice %arg14[%mul3A_67, %dma_wait3A_80] : memref<10000x128xf32, #tpu.memory_space<vmem_shared>> -> memref<624x128xf32, #tpu.memory_space<vmem_shared>>
      tpu.wait_dma2 semaphore(%run_scoped3A : memref<!tpu.dma_semaphore, #tpu.memory_space<semaphore_mem>>) src(%dma_wait3A_81 : memref<624x128xf32, #tpu.memory_space<vmem_shared>>) dst(%dma_wait3A_79 : memref<624x128xf32, #tpu.memory_space<hbm>>)
      tpu.yield
    }) : () -> ()
    %eq3A_69 = arith.constant 15 : i32
    %eq3A_70 = arith.cmpi eq, %arg1, %eq3A_69 : i32
    %convert_element_type3A_71 = arith.extui %eq3A_70 : i1 to i32
    %cond3A_72 = arith.constant 0 : i32
    %cond3A_73 = arith.cmpi ne, %convert_element_type3A_71, %cond3A_72 : i32
    scf.if %cond3A_73 {
      %add3A_74 = arith.constant 9984 : i32
      %add3A_75 = arith.addi %mul3A_65, %add3A_74 : i32
      "tpu.region"() ({
        %run_scoped3A = tpu.sem_alloc : memref<!tpu.dma_semaphore, #tpu.memory_space<semaphore_mem>>
        %dma_start3A_76 = arith.constant 0 : i32
        %dma_start3A_77 = tpu.memref_slice %arg6[%add3A_75, %dma_start3A_76] : memref<20000x128xf32, #tpu.memory_space<hbm>> -> memref<16x128xf32, #tpu.memory_space<hbm>>
        %dma_start3A_78 = arith.constant 9984 : i32
        %dma_start3A_79 = arith.constant 0 : i32
        %dma_start3A_80 = tpu.memref_slice %arg14[%dma_start3A_78, %dma_start3A_79] : memref<10000x128xf32, #tpu.memory_space<vmem_shared>> -> memref<16x128xf32, #tpu.memory_space<vmem_shared>>
        tpu.enqueue_dma source(%dma_start3A_80 : memref<16x128xf32, #tpu.memory_space<vmem_shared>>) target(%dma_start3A_77 : memref<16x128xf32, #tpu.memory_space<hbm>>) target_semaphore(%run_scoped3A : memref<!tpu.dma_semaphore, #tpu.memory_space<semaphore_mem>>)
        %dma_wait3A_81 = arith.constant 0 : i32
        %dma_wait3A_82 = tpu.memref_slice %arg6[%add3A_75, %dma_wait3A_81] : memref<20000x128xf32, #tpu.memory_space<hbm>> -> memref<16x128xf32, #tpu.memory_space<hbm>>
        %dma_wait3A_83 = arith.constant 9984 : i32
        %dma_wait3A_84 = arith.constant 0 : i32
        %dma_wait3A_85 = tpu.memref_slice %arg14[%dma_wait3A_83, %dma_wait3A_84] : memref<10000x128xf32, #tpu.memory_space<vmem_shared>> -> memref<16x128xf32, #tpu.memory_space<vmem_shared>>
        tpu.wait_dma2 semaphore(%run_scoped3A : memref<!tpu.dma_semaphore, #tpu.memory_space<semaphore_mem>>) src(%dma_wait3A_85 : memref<16x128xf32, #tpu.memory_space<vmem_shared>>) dst(%dma_wait3A_82 : memref<16x128xf32, #tpu.memory_space<hbm>>)
        tpu.yield
      }) : () -> ()
    } else {
    }
    return
  }
}

#map = affine_map<(d0, d1) -> (0, 0)>
#map1 = affine_map<(d0, d1) -> (0)>
module attributes {stable_mosaic.version = 14 : i64} {
  func.func @_pass_a_body(%arg0: i32, %arg1: i32, %arg2: memref<320000x128xf32, #tpu.memory_space<hbm>>, %arg3: memref<320000xi32, #tpu.memory_space<hbm>>, %arg4: memref<624x128xf32, #tpu.memory_space<hbm>>, %arg5: memref<20000x128xf32, #tpu.memory_space<hbm>>, %arg6: memref<80xi32, #tpu.memory_space<vmem>>, %arg7: memref<80xi32, #tpu.memory_space<vmem>>, %arg8: memref<80xi32, #tpu.memory_space<vmem>>, %arg9: memref<80x128xf32, #tpu.memory_space<vmem>>, %arg10: memref<80x128xf32, #tpu.memory_space<vmem>>, %arg11: memref<80x128xf32, #tpu.memory_space<vmem>>, %arg12: memref<10000x128xf32, #tpu.memory_space<vmem_shared>>, %arg13: memref<!tpu.dma_semaphore, #tpu.memory_space<semaphore_mem>>, %arg14: memref<!tpu.dma_semaphore, #tpu.memory_space<semaphore_mem>>, %arg15: memref<!tpu.dma_semaphore, #tpu.memory_space<semaphore_mem>>, %arg16: memref<!tpu.dma_semaphore, #tpu.memory_space<semaphore_mem>>, %arg17: memref<!tpu.dma_semaphore, #tpu.memory_space<semaphore_mem>>, %arg18: memref<!tpu.dma_semaphore, #tpu.memory_space<semaphore_mem>>, %arg19: memref<!tpu.dma_semaphore, #tpu.memory_space<semaphore_mem>>, %arg20: memref<!tpu.dma_semaphore, #tpu.memory_space<semaphore_mem>>, %arg21: memref<!tpu.dma_semaphore, #tpu.memory_space<semaphore_mem>>) attributes {dimension_semantics = [#tpu.dimension_semantics<core_parallel>, #tpu.dimension_semantics<subcore_parallel>], iteration_bounds = array<i64: 2, 16>, scalar_prefetch = 0 : i64, scratch_operands = 16 : i64, tpu.core_type = #tpu.core_type<sc_vector_subcore>, window_params = [{transform_indices = #map}, {transform_indices = #map1}, {transform_indices = #map}, {transform_indices = #map}]} {
    %mul3A = arith.constant 16 : i32
    %mul3A_0 = arith.muli %arg0, %mul3A : i32
    %add3A = arith.addi %mul3A_0, %arg1 : i32
    %mul3A_1 = arith.constant 624 : i32
    %mul3A_2 = arith.muli %arg1, %mul3A_1 : i32
    "tpu.region"() ({
      %run_scoped3A = tpu.sem_alloc : memref<!tpu.dma_semaphore, #tpu.memory_space<semaphore_mem>>
      %dma_start3A_75 = arith.constant 0 : i32
      %dma_start3A_76 = tpu.memref_slice %arg12[%mul3A_2, %dma_start3A_75] : memref<10000x128xf32, #tpu.memory_space<vmem_shared>> -> memref<624x128xf32, #tpu.memory_space<vmem_shared>>
      tpu.enqueue_dma source(%arg4 : memref<624x128xf32, #tpu.memory_space<hbm>>) target(%dma_start3A_76 : memref<624x128xf32, #tpu.memory_space<vmem_shared>>) target_semaphore(%run_scoped3A : memref<!tpu.dma_semaphore, #tpu.memory_space<semaphore_mem>>)
      %dma_wait3A_77 = arith.constant 0 : i32
      %dma_wait3A_78 = tpu.memref_slice %arg12[%mul3A_2, %dma_wait3A_77] : memref<10000x128xf32, #tpu.memory_space<vmem_shared>> -> memref<624x128xf32, #tpu.memory_space<vmem_shared>>
      tpu.wait_dma2 semaphore(%run_scoped3A : memref<!tpu.dma_semaphore, #tpu.memory_space<semaphore_mem>>) src(%arg4 : memref<624x128xf32, #tpu.memory_space<hbm>>) dst(%dma_wait3A_78 : memref<624x128xf32, #tpu.memory_space<vmem_shared>>)
      tpu.yield
    }) : () -> ()
    %eq3A = arith.constant 15 : i32
    %eq3A_3 = arith.cmpi eq, %arg1, %eq3A : i32
    %convert_element_type3A = arith.extui %eq3A_3 : i1 to i32
    %cond3A = arith.constant 0 : i32
    %cond3A_4 = arith.cmpi ne, %convert_element_type3A, %cond3A : i32
    scf.if %cond3A_4 {
      "tpu.region"() ({
        %run_scoped3A = tpu.sem_alloc : memref<!tpu.dma_semaphore, #tpu.memory_space<semaphore_mem>>
        %dma_start3A_75 = arith.constant 9984 : i32
        %dma_start3A_76 = arith.constant 0 : i32
        %dma_start3A_77 = tpu.memref_slice %arg12[%dma_start3A_75, %dma_start3A_76] : memref<10000x128xf32, #tpu.memory_space<vmem_shared>> -> memref<16x128xf32, #tpu.memory_space<vmem_shared>>
        %dma_start3A_78 = arith.constant 0 : i32
        %dma_start3A_79 = arith.constant 0 : i32
        %dma_start3A_80 = tpu.memref_slice %arg4[%dma_start3A_78, %dma_start3A_79] : memref<624x128xf32, #tpu.memory_space<hbm>> -> memref<16x128xf32, #tpu.memory_space<hbm>>
        tpu.enqueue_dma source(%dma_start3A_80 : memref<16x128xf32, #tpu.memory_space<hbm>>) target(%dma_start3A_77 : memref<16x128xf32, #tpu.memory_space<vmem_shared>>) target_semaphore(%run_scoped3A : memref<!tpu.dma_semaphore, #tpu.memory_space<semaphore_mem>>)
        %dma_wait3A_81 = arith.constant 9984 : i32
        %dma_wait3A_82 = arith.constant 0 : i32
        %dma_wait3A_83 = tpu.memref_slice %arg12[%dma_wait3A_81, %dma_wait3A_82] : memref<10000x128xf32, #tpu.memory_space<vmem_shared>> -> memref<16x128xf32, #tpu.memory_space<vmem_shared>>
        %dma_wait3A_84 = arith.constant 0 : i32
        %dma_wait3A_85 = arith.constant 0 : i32
        %dma_wait3A_86 = tpu.memref_slice %arg4[%dma_wait3A_84, %dma_wait3A_85] : memref<624x128xf32, #tpu.memory_space<hbm>> -> memref<16x128xf32, #tpu.memory_space<hbm>>
        tpu.wait_dma2 semaphore(%run_scoped3A : memref<!tpu.dma_semaphore, #tpu.memory_space<semaphore_mem>>) src(%dma_wait3A_86 : memref<16x128xf32, #tpu.memory_space<hbm>>) dst(%dma_wait3A_83 : memref<16x128xf32, #tpu.memory_space<vmem_shared>>)
        tpu.yield
      }) : () -> ()
    } else {
    }
    %barrier3A = arith.constant 0 : index
    tpu.barrier barrier_id(%barrier3A)
    %mul3A_5 = arith.constant 10000 : i32
    %mul3A_6 = arith.muli %add3A, %mul3A_5 : i32
    %add3A_7 = arith.constant 0 : i32
    %add3A_8 = arith.addi %mul3A_6, %add3A_7 : i32
    %dma_start3A = arith.constant 0 : i32
    %dma_start3A_9 = tpu.memref_slice %arg2[%add3A_8, %dma_start3A] : memref<320000x128xf32, #tpu.memory_space<hbm>> -> memref<80x128xf32, #tpu.memory_space<hbm>>
    %dma_start3A_10 = arith.constant 0 : i32
    %dma_start3A_11 = tpu.memref_slice %arg2[%add3A_8, %dma_start3A_10] : memref<320000x128xf32, #tpu.memory_space<hbm>> -> memref<80x128xf32, #tpu.memory_space<hbm>>
    tpu.enqueue_dma source(%dma_start3A_11 : memref<80x128xf32, #tpu.memory_space<hbm>>) target(%arg9 : memref<80x128xf32, #tpu.memory_space<vmem>>) target_semaphore(%arg13 : memref<!tpu.dma_semaphore, #tpu.memory_space<semaphore_mem>>)
    %add3A_12 = arith.constant 0 : i32
    %add3A_13 = arith.addi %mul3A_6, %add3A_12 : i32
    %dma_start3A_14 = tpu.memref_slice %arg3[%add3A_13] : memref<320000xi32, #tpu.memory_space<hbm>> -> memref<80xi32, #tpu.memory_space<hbm>>
    %dma_start3A_15 = tpu.memref_slice %arg3[%add3A_13] : memref<320000xi32, #tpu.memory_space<hbm>> -> memref<80xi32, #tpu.memory_space<hbm>>
    tpu.enqueue_dma source(%dma_start3A_15 : memref<80xi32, #tpu.memory_space<hbm>>) target(%arg6 : memref<80xi32, #tpu.memory_space<vmem>>) target_semaphore(%arg16 : memref<!tpu.dma_semaphore, #tpu.memory_space<semaphore_mem>>)
    %add3A_16 = arith.constant 80 : i32
    %add3A_17 = arith.addi %mul3A_6, %add3A_16 : i32
    %dma_start3A_18 = arith.constant 0 : i32
    %dma_start3A_19 = tpu.memref_slice %arg2[%add3A_17, %dma_start3A_18] : memref<320000x128xf32, #tpu.memory_space<hbm>> -> memref<80x128xf32, #tpu.memory_space<hbm>>
    %dma_start3A_20 = arith.constant 0 : i32
    %dma_start3A_21 = tpu.memref_slice %arg2[%add3A_17, %dma_start3A_20] : memref<320000x128xf32, #tpu.memory_space<hbm>> -> memref<80x128xf32, #tpu.memory_space<hbm>>
    tpu.enqueue_dma source(%dma_start3A_21 : memref<80x128xf32, #tpu.memory_space<hbm>>) target(%arg10 : memref<80x128xf32, #tpu.memory_space<vmem>>) target_semaphore(%arg14 : memref<!tpu.dma_semaphore, #tpu.memory_space<semaphore_mem>>)
    %add3A_22 = arith.constant 80 : i32
    %add3A_23 = arith.addi %mul3A_6, %add3A_22 : i32
    %dma_start3A_24 = tpu.memref_slice %arg3[%add3A_23] : memref<320000xi32, #tpu.memory_space<hbm>> -> memref<80xi32, #tpu.memory_space<hbm>>
    %dma_start3A_25 = tpu.memref_slice %arg3[%add3A_23] : memref<320000xi32, #tpu.memory_space<hbm>> -> memref<80xi32, #tpu.memory_space<hbm>>
    tpu.enqueue_dma source(%dma_start3A_25 : memref<80xi32, #tpu.memory_space<hbm>>) target(%arg7 : memref<80xi32, #tpu.memory_space<vmem>>) target_semaphore(%arg17 : memref<!tpu.dma_semaphore, #tpu.memory_space<semaphore_mem>>)
    %add3A_26 = arith.constant 160 : i32
    %add3A_27 = arith.addi %mul3A_6, %add3A_26 : i32
    %dma_start3A_28 = arith.constant 0 : i32
    %dma_start3A_29 = tpu.memref_slice %arg2[%add3A_27, %dma_start3A_28] : memref<320000x128xf32, #tpu.memory_space<hbm>> -> memref<80x128xf32, #tpu.memory_space<hbm>>
    %dma_start3A_30 = arith.constant 0 : i32
    %dma_start3A_31 = tpu.memref_slice %arg2[%add3A_27, %dma_start3A_30] : memref<320000x128xf32, #tpu.memory_space<hbm>> -> memref<80x128xf32, #tpu.memory_space<hbm>>
    tpu.enqueue_dma source(%dma_start3A_31 : memref<80x128xf32, #tpu.memory_space<hbm>>) target(%arg11 : memref<80x128xf32, #tpu.memory_space<vmem>>) target_semaphore(%arg15 : memref<!tpu.dma_semaphore, #tpu.memory_space<semaphore_mem>>)
    %add3A_32 = arith.constant 160 : i32
    %add3A_33 = arith.addi %mul3A_6, %add3A_32 : i32
    %dma_start3A_34 = tpu.memref_slice %arg3[%add3A_33] : memref<320000xi32, #tpu.memory_space<hbm>> -> memref<80xi32, #tpu.memory_space<hbm>>
    %dma_start3A_35 = tpu.memref_slice %arg3[%add3A_33] : memref<320000xi32, #tpu.memory_space<hbm>> -> memref<80xi32, #tpu.memory_space<hbm>>
    tpu.enqueue_dma source(%dma_start3A_35 : memref<80xi32, #tpu.memory_space<hbm>>) target(%arg8 : memref<80xi32, #tpu.memory_space<vmem>>) target_semaphore(%arg18 : memref<!tpu.dma_semaphore, #tpu.memory_space<semaphore_mem>>)
    %scan3A = arith.constant 0 : i32
    %scan3A_36 = arith.constant 0 : i32
    %scan3A_37 = arith.constant 41 : i32
    %scan3A_38 = arith.addi %scan3A_36, %scan3A_37 : i32
    %scan3A_39 = arith.constant 1 : i32
    scf.for %scan3A_75 = %scan3A_36 to %scan3A_38 step %scan3A_39  : i32 {
      %mul3A_76 = arith.constant 3 : i32
      %mul3A_77 = arith.muli %mul3A_76, %scan3A_75 : i32
      %dma_wait3A_78 = arith.constant 0 : i32
      %dma_wait3A_79 = tpu.memref_slice %arg2[%mul3A_6, %dma_wait3A_78] : memref<320000x128xf32, #tpu.memory_space<hbm>> -> memref<80x128xf32, #tpu.memory_space<hbm>>
      %dma_wait3A_80 = arith.constant 0 : i32
      %dma_wait3A_81 = tpu.memref_slice %arg2[%mul3A_6, %dma_wait3A_80] : memref<320000x128xf32, #tpu.memory_space<hbm>> -> memref<80x128xf32, #tpu.memory_space<hbm>>
      tpu.wait_dma2 semaphore(%arg13 : memref<!tpu.dma_semaphore, #tpu.memory_space<semaphore_mem>>) src(%dma_wait3A_81 : memref<80x128xf32, #tpu.memory_space<hbm>>) dst(%arg9 : memref<80x128xf32, #tpu.memory_space<vmem>>)
      %dma_wait3A_82 = tpu.memref_slice %arg3[%mul3A_6] : memref<320000xi32, #tpu.memory_space<hbm>> -> memref<80xi32, #tpu.memory_space<hbm>>
      %dma_wait3A_83 = tpu.memref_slice %arg3[%mul3A_6] : memref<320000xi32, #tpu.memory_space<hbm>> -> memref<80xi32, #tpu.memory_space<hbm>>
      tpu.wait_dma2 semaphore(%arg16 : memref<!tpu.dma_semaphore, #tpu.memory_space<semaphore_mem>>) src(%dma_wait3A_83 : memref<80xi32, #tpu.memory_space<hbm>>) dst(%arg6 : memref<80xi32, #tpu.memory_space<vmem>>)
      %add3A_84 = arith.constant 0 : i32
      %add3A_85 = arith.addi %mul3A_77, %add3A_84 : i32
      %dma_start3A_86 = arith.constant 0 : i32
      %dma_start3A_87 = arith.constant 0 : i32
      %dma_start3A_88 = tpu.memref_slice %arg12[%dma_start3A_86, %dma_start3A_87] : memref<10000x128xf32, #tpu.memory_space<vmem_shared>> -> memref<10000x128xf32, #tpu.memory_space<vmem_shared>>
      tpu.enqueue_indirect_dma source(%arg9 : memref<80x128xf32, #tpu.memory_space<vmem>>) target(%dma_start3A_88 : memref<10000x128xf32, #tpu.memory_space<vmem_shared>>) offsets(%arg6 : memref<80xi32, #tpu.memory_space<vmem>>) semaphore(%arg19 : memref<!tpu.dma_semaphore, #tpu.memory_space<semaphore_mem>>) {add = true}
      %dma_wait3A_89 = arith.constant 0 : i32
      %dma_wait3A_90 = tpu.memref_slice %arg2[%mul3A_6, %dma_wait3A_89] : memref<320000x128xf32, #tpu.memory_space<hbm>> -> memref<80x128xf32, #tpu.memory_space<hbm>>
      %dma_wait3A_91 = arith.constant 0 : i32
      %dma_wait3A_92 = tpu.memref_slice %arg2[%mul3A_6, %dma_wait3A_91] : memref<320000x128xf32, #tpu.memory_space<hbm>> -> memref<80x128xf32, #tpu.memory_space<hbm>>
      tpu.wait_dma2 semaphore(%arg14 : memref<!tpu.dma_semaphore, #tpu.memory_space<semaphore_mem>>) src(%dma_wait3A_92 : memref<80x128xf32, #tpu.memory_space<hbm>>) dst(%arg10 : memref<80x128xf32, #tpu.memory_space<vmem>>)
      %dma_wait3A_93 = tpu.memref_slice %arg3[%mul3A_6] : memref<320000xi32, #tpu.memory_space<hbm>> -> memref<80xi32, #tpu.memory_space<hbm>>
      %dma_wait3A_94 = tpu.memref_slice %arg3[%mul3A_6] : memref<320000xi32, #tpu.memory_space<hbm>> -> memref<80xi32, #tpu.memory_space<hbm>>
      tpu.wait_dma2 semaphore(%arg17 : memref<!tpu.dma_semaphore, #tpu.memory_space<semaphore_mem>>) src(%dma_wait3A_94 : memref<80xi32, #tpu.memory_space<hbm>>) dst(%arg7 : memref<80xi32, #tpu.memory_space<vmem>>)
      %add3A_95 = arith.constant 1 : i32
      %add3A_96 = arith.addi %mul3A_77, %add3A_95 : i32
      %dma_start3A_97 = arith.constant 0 : i32
      %dma_start3A_98 = arith.constant 0 : i32
      %dma_start3A_99 = tpu.memref_slice %arg12[%dma_start3A_97, %dma_start3A_98] : memref<10000x128xf32, #tpu.memory_space<vmem_shared>> -> memref<10000x128xf32, #tpu.memory_space<vmem_shared>>
      tpu.enqueue_indirect_dma source(%arg10 : memref<80x128xf32, #tpu.memory_space<vmem>>) target(%dma_start3A_99 : memref<10000x128xf32, #tpu.memory_space<vmem_shared>>) offsets(%arg7 : memref<80xi32, #tpu.memory_space<vmem>>) semaphore(%arg20 : memref<!tpu.dma_semaphore, #tpu.memory_space<semaphore_mem>>) {add = true}
      %dma_wait3A_100 = arith.constant 0 : i32
      %dma_wait3A_101 = tpu.memref_slice %arg2[%mul3A_6, %dma_wait3A_100] : memref<320000x128xf32, #tpu.memory_space<hbm>> -> memref<80x128xf32, #tpu.memory_space<hbm>>
      %dma_wait3A_102 = arith.constant 0 : i32
      %dma_wait3A_103 = tpu.memref_slice %arg2[%mul3A_6, %dma_wait3A_102] : memref<320000x128xf32, #tpu.memory_space<hbm>> -> memref<80x128xf32, #tpu.memory_space<hbm>>
      tpu.wait_dma2 semaphore(%arg15 : memref<!tpu.dma_semaphore, #tpu.memory_space<semaphore_mem>>) src(%dma_wait3A_103 : memref<80x128xf32, #tpu.memory_space<hbm>>) dst(%arg11 : memref<80x128xf32, #tpu.memory_space<vmem>>)
      %dma_wait3A_104 = tpu.memref_slice %arg3[%mul3A_6] : memref<320000xi32, #tpu.memory_space<hbm>> -> memref<80xi32, #tpu.memory_space<hbm>>
      %dma_wait3A_105 = tpu.memref_slice %arg3[%mul3A_6] : memref<320000xi32, #tpu.memory_space<hbm>> -> memref<80xi32, #tpu.memory_space<hbm>>
      tpu.wait_dma2 semaphore(%arg18 : memref<!tpu.dma_semaphore, #tpu.memory_space<semaphore_mem>>) src(%dma_wait3A_105 : memref<80xi32, #tpu.memory_space<hbm>>) dst(%arg8 : memref<80xi32, #tpu.memory_space<vmem>>)
      %add3A_106 = arith.constant 2 : i32
      %add3A_107 = arith.addi %mul3A_77, %add3A_106 : i32
      %dma_start3A_108 = arith.constant 0 : i32
      %dma_start3A_109 = arith.constant 0 : i32
      %dma_start3A_110 = tpu.memref_slice %arg12[%dma_start3A_108, %dma_start3A_109] : memref<10000x128xf32, #tpu.memory_space<vmem_shared>> -> memref<10000x128xf32, #tpu.memory_space<vmem_shared>>
      tpu.enqueue_indirect_dma source(%arg11 : memref<80x128xf32, #tpu.memory_space<vmem>>) target(%dma_start3A_110 : memref<10000x128xf32, #tpu.memory_space<vmem_shared>>) offsets(%arg8 : memref<80xi32, #tpu.memory_space<vmem>>) semaphore(%arg21 : memref<!tpu.dma_semaphore, #tpu.memory_space<semaphore_mem>>) {add = true}
      %dma_wait3A_111 = arith.constant 0 : i32
      %dma_wait3A_112 = arith.constant 0 : i32
      %dma_wait3A_113 = tpu.memref_slice %arg12[%dma_wait3A_111, %dma_wait3A_112] : memref<10000x128xf32, #tpu.memory_space<vmem_shared>> -> memref<10000x128xf32, #tpu.memory_space<vmem_shared>>
      tpu.wait_indirect_dma semaphore(%arg19 : memref<!tpu.dma_semaphore, #tpu.memory_space<semaphore_mem>>) src(%arg9 : memref<80x128xf32, #tpu.memory_space<vmem>>) dst(%dma_wait3A_113 : memref<10000x128xf32, #tpu.memory_space<vmem_shared>>)
      %add3A_114 = arith.constant 3 : i32
      %add3A_115 = arith.addi %mul3A_77, %add3A_114 : i32
      %add3A_116 = arith.constant 0 : i32
      %add3A_117 = arith.addi %add3A_115, %add3A_116 : i32
      %lt3A = arith.constant 125 : i32
      %lt3A_118 = arith.cmpi slt, %add3A_117, %lt3A : i32
      %convert_element_type3A_119 = arith.extui %lt3A_118 : i1 to i32
      %cond3A_120 = arith.constant 0 : i32
      %cond3A_121 = arith.cmpi ne, %convert_element_type3A_119, %cond3A_120 : i32
      scf.if %cond3A_121 {
        %add3A_146 = arith.constant 3 : i32
        %add3A_147 = arith.addi %mul3A_77, %add3A_146 : i32
        %add3A_148 = arith.constant 0 : i32
        %add3A_149 = arith.addi %add3A_147, %add3A_148 : i32
        %mul3A_150 = arith.constant 80 : i32
        %mul3A_151 = arith.muli %add3A_149, %mul3A_150 : i32
        %add3A_152 = arith.addi %mul3A_6, %mul3A_151 : i32
        %dma_start3A_153 = arith.constant 0 : i32
        %dma_start3A_154 = tpu.memref_slice %arg2[%add3A_152, %dma_start3A_153] : memref<320000x128xf32, #tpu.memory_space<hbm>> -> memref<80x128xf32, #tpu.memory_space<hbm>>
        %dma_start3A_155 = arith.constant 0 : i32
        %dma_start3A_156 = tpu.memref_slice %arg2[%add3A_152, %dma_start3A_155] : memref<320000x128xf32, #tpu.memory_space<hbm>> -> memref<80x128xf32, #tpu.memory_space<hbm>>
        tpu.enqueue_dma source(%dma_start3A_156 : memref<80x128xf32, #tpu.memory_space<hbm>>) target(%arg9 : memref<80x128xf32, #tpu.memory_space<vmem>>) target_semaphore(%arg13 : memref<!tpu.dma_semaphore, #tpu.memory_space<semaphore_mem>>)
        %mul3A_157 = arith.constant 80 : i32
        %mul3A_158 = arith.muli %add3A_149, %mul3A_157 : i32
        %add3A_159 = arith.addi %mul3A_6, %mul3A_158 : i32
        %dma_start3A_160 = tpu.memref_slice %arg3[%add3A_159] : memref<320000xi32, #tpu.memory_space<hbm>> -> memref<80xi32, #tpu.memory_space<hbm>>
        %dma_start3A_161 = tpu.memref_slice %arg3[%add3A_159] : memref<320000xi32, #tpu.memory_space<hbm>> -> memref<80xi32, #tpu.memory_space<hbm>>
        tpu.enqueue_dma source(%dma_start3A_161 : memref<80xi32, #tpu.memory_space<hbm>>) target(%arg6 : memref<80xi32, #tpu.memory_space<vmem>>) target_semaphore(%arg16 : memref<!tpu.dma_semaphore, #tpu.memory_space<semaphore_mem>>)
      } else {
      }
      %dma_wait3A_122 = arith.constant 0 : i32
      %dma_wait3A_123 = arith.constant 0 : i32
      %dma_wait3A_124 = tpu.memref_slice %arg12[%dma_wait3A_122, %dma_wait3A_123] : memref<10000x128xf32, #tpu.memory_space<vmem_shared>> -> memref<10000x128xf32, #tpu.memory_space<vmem_shared>>
      tpu.wait_indirect_dma semaphore(%arg20 : memref<!tpu.dma_semaphore, #tpu.memory_space<semaphore_mem>>) src(%arg10 : memref<80x128xf32, #tpu.memory_space<vmem>>) dst(%dma_wait3A_124 : memref<10000x128xf32, #tpu.memory_space<vmem_shared>>)
      %add3A_125 = arith.constant 3 : i32
      %add3A_126 = arith.addi %mul3A_77, %add3A_125 : i32
      %add3A_127 = arith.constant 1 : i32
      %add3A_128 = arith.addi %add3A_126, %add3A_127 : i32
      %lt3A_129 = arith.constant 125 : i32
      %lt3A_130 = arith.cmpi slt, %add3A_128, %lt3A_129 : i32
      %convert_element_type3A_131 = arith.extui %lt3A_130 : i1 to i32
      %cond3A_132 = arith.constant 0 : i32
      %cond3A_133 = arith.cmpi ne, %convert_element_type3A_131, %cond3A_132 : i32
      scf.if %cond3A_133 {
        %add3A_146 = arith.constant 3 : i32
        %add3A_147 = arith.addi %mul3A_77, %add3A_146 : i32
        %add3A_148 = arith.constant 1 : i32
        %add3A_149 = arith.addi %add3A_147, %add3A_148 : i32
        %mul3A_150 = arith.constant 80 : i32
        %mul3A_151 = arith.muli %add3A_149, %mul3A_150 : i32
        %add3A_152 = arith.addi %mul3A_6, %mul3A_151 : i32
        %dma_start3A_153 = arith.constant 0 : i32
        %dma_start3A_154 = tpu.memref_slice %arg2[%add3A_152, %dma_start3A_153] : memref<320000x128xf32, #tpu.memory_space<hbm>> -> memref<80x128xf32, #tpu.memory_space<hbm>>
        %dma_start3A_155 = arith.constant 0 : i32
        %dma_start3A_156 = tpu.memref_slice %arg2[%add3A_152, %dma_start3A_155] : memref<320000x128xf32, #tpu.memory_space<hbm>> -> memref<80x128xf32, #tpu.memory_space<hbm>>
        tpu.enqueue_dma source(%dma_start3A_156 : memref<80x128xf32, #tpu.memory_space<hbm>>) target(%arg10 : memref<80x128xf32, #tpu.memory_space<vmem>>) target_semaphore(%arg14 : memref<!tpu.dma_semaphore, #tpu.memory_space<semaphore_mem>>)
        %mul3A_157 = arith.constant 80 : i32
        %mul3A_158 = arith.muli %add3A_149, %mul3A_157 : i32
        %add3A_159 = arith.addi %mul3A_6, %mul3A_158 : i32
        %dma_start3A_160 = tpu.memref_slice %arg3[%add3A_159] : memref<320000xi32, #tpu.memory_space<hbm>> -> memref<80xi32, #tpu.memory_space<hbm>>
        %dma_start3A_161 = tpu.memref_slice %arg3[%add3A_159] : memref<320000xi32, #tpu.memory_space<hbm>> -> memref<80xi32, #tpu.memory_space<hbm>>
        tpu.enqueue_dma source(%dma_start3A_161 : memref<80xi32, #tpu.memory_space<hbm>>) target(%arg7 : memref<80xi32, #tpu.memory_space<vmem>>) target_semaphore(%arg17 : memref<!tpu.dma_semaphore, #tpu.memory_space<semaphore_mem>>)
      } else {
      }
      %dma_wait3A_134 = arith.constant 0 : i32
      %dma_wait3A_135 = arith.constant 0 : i32
      %dma_wait3A_136 = tpu.memref_slice %arg12[%dma_wait3A_134, %dma_wait3A_135] : memref<10000x128xf32, #tpu.memory_space<vmem_shared>> -> memref<10000x128xf32, #tpu.memory_space<vmem_shared>>
      tpu.wait_indirect_dma semaphore(%arg21 : memref<!tpu.dma_semaphore, #tpu.memory_space<semaphore_mem>>) src(%arg11 : memref<80x128xf32, #tpu.memory_space<vmem>>) dst(%dma_wait3A_136 : memref<10000x128xf32, #tpu.memory_space<vmem_shared>>)
      %add3A_137 = arith.constant 3 : i32
      %add3A_138 = arith.addi %mul3A_77, %add3A_137 : i32
      %add3A_139 = arith.constant 2 : i32
      %add3A_140 = arith.addi %add3A_138, %add3A_139 : i32
      %lt3A_141 = arith.constant 125 : i32
      %lt3A_142 = arith.cmpi slt, %add3A_140, %lt3A_141 : i32
      %convert_element_type3A_143 = arith.extui %lt3A_142 : i1 to i32
      %cond3A_144 = arith.constant 0 : i32
      %cond3A_145 = arith.cmpi ne, %convert_element_type3A_143, %cond3A_144 : i32
      scf.if %cond3A_145 {
        %add3A_146 = arith.constant 3 : i32
        %add3A_147 = arith.addi %mul3A_77, %add3A_146 : i32
        %add3A_148 = arith.constant 2 : i32
        %add3A_149 = arith.addi %add3A_147, %add3A_148 : i32
        %mul3A_150 = arith.constant 80 : i32
        %mul3A_151 = arith.muli %add3A_149, %mul3A_150 : i32
        %add3A_152 = arith.addi %mul3A_6, %mul3A_151 : i32
        %dma_start3A_153 = arith.constant 0 : i32
        %dma_start3A_154 = tpu.memref_slice %arg2[%add3A_152, %dma_start3A_153] : memref<320000x128xf32, #tpu.memory_space<hbm>> -> memref<80x128xf32, #tpu.memory_space<hbm>>
        %dma_start3A_155 = arith.constant 0 : i32
        %dma_start3A_156 = tpu.memref_slice %arg2[%add3A_152, %dma_start3A_155] : memref<320000x128xf32, #tpu.memory_space<hbm>> -> memref<80x128xf32, #tpu.memory_space<hbm>>
        tpu.enqueue_dma source(%dma_start3A_156 : memref<80x128xf32, #tpu.memory_space<hbm>>) target(%arg11 : memref<80x128xf32, #tpu.memory_space<vmem>>) target_semaphore(%arg15 : memref<!tpu.dma_semaphore, #tpu.memory_space<semaphore_mem>>)
        %mul3A_157 = arith.constant 80 : i32
        %mul3A_158 = arith.muli %add3A_149, %mul3A_157 : i32
        %add3A_159 = arith.addi %mul3A_6, %mul3A_158 : i32
        %dma_start3A_160 = tpu.memref_slice %arg3[%add3A_159] : memref<320000xi32, #tpu.memory_space<hbm>> -> memref<80xi32, #tpu.memory_space<hbm>>
        %dma_start3A_161 = tpu.memref_slice %arg3[%add3A_159] : memref<320000xi32, #tpu.memory_space<hbm>> -> memref<80xi32, #tpu.memory_space<hbm>>
        tpu.enqueue_dma source(%dma_start3A_161 : memref<80xi32, #tpu.memory_space<hbm>>) target(%arg8 : memref<80xi32, #tpu.memory_space<vmem>>) target_semaphore(%arg18 : memref<!tpu.dma_semaphore, #tpu.memory_space<semaphore_mem>>)
      } else {
      }
    }
    %scan3A_40 = arith.constant 41 : i32
    %dma_wait3A = arith.constant 0 : i32
    %dma_wait3A_41 = tpu.memref_slice %arg2[%mul3A_6, %dma_wait3A] : memref<320000x128xf32, #tpu.memory_space<hbm>> -> memref<80x128xf32, #tpu.memory_space<hbm>>
    %dma_wait3A_42 = arith.constant 0 : i32
    %dma_wait3A_43 = tpu.memref_slice %arg2[%mul3A_6, %dma_wait3A_42] : memref<320000x128xf32, #tpu.memory_space<hbm>> -> memref<80x128xf32, #tpu.memory_space<hbm>>
    tpu.wait_dma2 semaphore(%arg13 : memref<!tpu.dma_semaphore, #tpu.memory_space<semaphore_mem>>) src(%dma_wait3A_43 : memref<80x128xf32, #tpu.memory_space<hbm>>) dst(%arg9 : memref<80x128xf32, #tpu.memory_space<vmem>>)
    %dma_wait3A_44 = tpu.memref_slice %arg3[%mul3A_6] : memref<320000xi32, #tpu.memory_space<hbm>> -> memref<80xi32, #tpu.memory_space<hbm>>
    %dma_wait3A_45 = tpu.memref_slice %arg3[%mul3A_6] : memref<320000xi32, #tpu.memory_space<hbm>> -> memref<80xi32, #tpu.memory_space<hbm>>
    tpu.wait_dma2 semaphore(%arg16 : memref<!tpu.dma_semaphore, #tpu.memory_space<semaphore_mem>>) src(%dma_wait3A_45 : memref<80xi32, #tpu.memory_space<hbm>>) dst(%arg6 : memref<80xi32, #tpu.memory_space<vmem>>)
    %dma_start3A_46 = arith.constant 0 : i32
    %dma_start3A_47 = arith.constant 0 : i32
    %dma_start3A_48 = tpu.memref_slice %arg12[%dma_start3A_46, %dma_start3A_47] : memref<10000x128xf32, #tpu.memory_space<vmem_shared>> -> memref<10000x128xf32, #tpu.memory_space<vmem_shared>>
    tpu.enqueue_indirect_dma source(%arg9 : memref<80x128xf32, #tpu.memory_space<vmem>>) target(%dma_start3A_48 : memref<10000x128xf32, #tpu.memory_space<vmem_shared>>) offsets(%arg6 : memref<80xi32, #tpu.memory_space<vmem>>) semaphore(%arg19 : memref<!tpu.dma_semaphore, #tpu.memory_space<semaphore_mem>>) {add = true}
    %dma_wait3A_49 = arith.constant 0 : i32
    %dma_wait3A_50 = arith.constant 0 : i32
    %dma_wait3A_51 = tpu.memref_slice %arg12[%dma_wait3A_49, %dma_wait3A_50] : memref<10000x128xf32, #tpu.memory_space<vmem_shared>> -> memref<10000x128xf32, #tpu.memory_space<vmem_shared>>
    tpu.wait_indirect_dma semaphore(%arg19 : memref<!tpu.dma_semaphore, #tpu.memory_space<semaphore_mem>>) src(%arg9 : memref<80x128xf32, #tpu.memory_space<vmem>>) dst(%dma_wait3A_51 : memref<10000x128xf32, #tpu.memory_space<vmem_shared>>)
    %dma_wait3A_52 = arith.constant 0 : i32
    %dma_wait3A_53 = tpu.memref_slice %arg2[%mul3A_6, %dma_wait3A_52] : memref<320000x128xf32, #tpu.memory_space<hbm>> -> memref<80x128xf32, #tpu.memory_space<hbm>>
    %dma_wait3A_54 = arith.constant 0 : i32
    %dma_wait3A_55 = tpu.memref_slice %arg2[%mul3A_6, %dma_wait3A_54] : memref<320000x128xf32, #tpu.memory_space<hbm>> -> memref<80x128xf32, #tpu.memory_space<hbm>>
    tpu.wait_dma2 semaphore(%arg14 : memref<!tpu.dma_semaphore, #tpu.memory_space<semaphore_mem>>) src(%dma_wait3A_55 : memref<80x128xf32, #tpu.memory_space<hbm>>) dst(%arg10 : memref<80x128xf32, #tpu.memory_space<vmem>>)
    %dma_wait3A_56 = tpu.memref_slice %arg3[%mul3A_6] : memref<320000xi32, #tpu.memory_space<hbm>> -> memref<80xi32, #tpu.memory_space<hbm>>
    %dma_wait3A_57 = tpu.memref_slice %arg3[%mul3A_6] : memref<320000xi32, #tpu.memory_space<hbm>> -> memref<80xi32, #tpu.memory_space<hbm>>
    tpu.wait_dma2 semaphore(%arg17 : memref<!tpu.dma_semaphore, #tpu.memory_space<semaphore_mem>>) src(%dma_wait3A_57 : memref<80xi32, #tpu.memory_space<hbm>>) dst(%arg7 : memref<80xi32, #tpu.memory_space<vmem>>)
    %dma_start3A_58 = arith.constant 0 : i32
    %dma_start3A_59 = arith.constant 0 : i32
    %dma_start3A_60 = tpu.memref_slice %arg12[%dma_start3A_58, %dma_start3A_59] : memref<10000x128xf32, #tpu.memory_space<vmem_shared>> -> memref<10000x128xf32, #tpu.memory_space<vmem_shared>>
    tpu.enqueue_indirect_dma source(%arg10 : memref<80x128xf32, #tpu.memory_space<vmem>>) target(%dma_start3A_60 : memref<10000x128xf32, #tpu.memory_space<vmem_shared>>) offsets(%arg7 : memref<80xi32, #tpu.memory_space<vmem>>) semaphore(%arg20 : memref<!tpu.dma_semaphore, #tpu.memory_space<semaphore_mem>>) {add = true}
    %dma_wait3A_61 = arith.constant 0 : i32
    %dma_wait3A_62 = arith.constant 0 : i32
    %dma_wait3A_63 = tpu.memref_slice %arg12[%dma_wait3A_61, %dma_wait3A_62] : memref<10000x128xf32, #tpu.memory_space<vmem_shared>> -> memref<10000x128xf32, #tpu.memory_space<vmem_shared>>
    tpu.wait_indirect_dma semaphore(%arg20 : memref<!tpu.dma_semaphore, #tpu.memory_space<semaphore_mem>>) src(%arg10 : memref<80x128xf32, #tpu.memory_space<vmem>>) dst(%dma_wait3A_63 : memref<10000x128xf32, #tpu.memory_space<vmem_shared>>)
    %barrier3A_64 = arith.constant 0 : index
    tpu.barrier barrier_id(%barrier3A_64)
    %mul3A_65 = arith.constant 10000 : i32
    %mul3A_66 = arith.muli %arg0, %mul3A_65 : i32
    %mul3A_67 = arith.constant 624 : i32
    %mul3A_68 = arith.muli %arg1, %mul3A_67 : i32
    %add3A_69 = arith.addi %mul3A_66, %mul3A_68 : i32
    "tpu.region"() ({
      %run_scoped3A = tpu.sem_alloc : memref<!tpu.dma_semaphore, #tpu.memory_space<semaphore_mem>>
      %dma_start3A_75 = arith.constant 0 : i32
      %dma_start3A_76 = tpu.memref_slice %arg5[%add3A_69, %dma_start3A_75] : memref<20000x128xf32, #tpu.memory_space<hbm>> -> memref<624x128xf32, #tpu.memory_space<hbm>>
      %dma_start3A_77 = arith.constant 0 : i32
      %dma_start3A_78 = tpu.memref_slice %arg12[%mul3A_68, %dma_start3A_77] : memref<10000x128xf32, #tpu.memory_space<vmem_shared>> -> memref<624x128xf32, #tpu.memory_space<vmem_shared>>
      tpu.enqueue_dma source(%dma_start3A_78 : memref<624x128xf32, #tpu.memory_space<vmem_shared>>) target(%dma_start3A_76 : memref<624x128xf32, #tpu.memory_space<hbm>>) target_semaphore(%run_scoped3A : memref<!tpu.dma_semaphore, #tpu.memory_space<semaphore_mem>>)
      %dma_wait3A_79 = arith.constant 0 : i32
      %dma_wait3A_80 = tpu.memref_slice %arg5[%add3A_69, %dma_wait3A_79] : memref<20000x128xf32, #tpu.memory_space<hbm>> -> memref<624x128xf32, #tpu.memory_space<hbm>>
      %dma_wait3A_81 = arith.constant 0 : i32
      %dma_wait3A_82 = tpu.memref_slice %arg12[%mul3A_68, %dma_wait3A_81] : memref<10000x128xf32, #tpu.memory_space<vmem_shared>> -> memref<624x128xf32, #tpu.memory_space<vmem_shared>>
      tpu.wait_dma2 semaphore(%run_scoped3A : memref<!tpu.dma_semaphore, #tpu.memory_space<semaphore_mem>>) src(%dma_wait3A_82 : memref<624x128xf32, #tpu.memory_space<vmem_shared>>) dst(%dma_wait3A_80 : memref<624x128xf32, #tpu.memory_space<hbm>>)
      tpu.yield
    }) : () -> ()
    %eq3A_70 = arith.constant 15 : i32
    %eq3A_71 = arith.cmpi eq, %arg1, %eq3A_70 : i32
    %convert_element_type3A_72 = arith.extui %eq3A_71 : i1 to i32
    %cond3A_73 = arith.constant 0 : i32
    %cond3A_74 = arith.cmpi ne, %convert_element_type3A_72, %cond3A_73 : i32
    scf.if %cond3A_74 {
      %add3A_75 = arith.constant 9984 : i32
      %add3A_76 = arith.addi %mul3A_66, %add3A_75 : i32
      "tpu.region"() ({
        %run_scoped3A = tpu.sem_alloc : memref<!tpu.dma_semaphore, #tpu.memory_space<semaphore_mem>>
        %dma_start3A_77 = arith.constant 0 : i32
        %dma_start3A_78 = tpu.memref_slice %arg5[%add3A_76, %dma_start3A_77] : memref<20000x128xf32, #tpu.memory_space<hbm>> -> memref<16x128xf32, #tpu.memory_space<hbm>>
        %dma_start3A_79 = arith.constant 9984 : i32
        %dma_start3A_80 = arith.constant 0 : i32
        %dma_start3A_81 = tpu.memref_slice %arg12[%dma_start3A_79, %dma_start3A_80] : memref<10000x128xf32, #tpu.memory_space<vmem_shared>> -> memref<16x128xf32, #tpu.memory_space<vmem_shared>>
        tpu.enqueue_dma source(%dma_start3A_81 : memref<16x128xf32, #tpu.memory_space<vmem_shared>>) target(%dma_start3A_78 : memref<16x128xf32, #tpu.memory_space<hbm>>) target_semaphore(%run_scoped3A : memref<!tpu.dma_semaphore, #tpu.memory_space<semaphore_mem>>)
        %dma_wait3A_82 = arith.constant 0 : i32
        %dma_wait3A_83 = tpu.memref_slice %arg5[%add3A_76, %dma_wait3A_82] : memref<20000x128xf32, #tpu.memory_space<hbm>> -> memref<16x128xf32, #tpu.memory_space<hbm>>
        %dma_wait3A_84 = arith.constant 9984 : i32
        %dma_wait3A_85 = arith.constant 0 : i32
        %dma_wait3A_86 = tpu.memref_slice %arg12[%dma_wait3A_84, %dma_wait3A_85] : memref<10000x128xf32, #tpu.memory_space<vmem_shared>> -> memref<16x128xf32, #tpu.memory_space<vmem_shared>>
        tpu.wait_dma2 semaphore(%run_scoped3A : memref<!tpu.dma_semaphore, #tpu.memory_space<semaphore_mem>>) src(%dma_wait3A_86 : memref<16x128xf32, #tpu.memory_space<vmem_shared>>) dst(%dma_wait3A_83 : memref<16x128xf32, #tpu.memory_space<hbm>>)
        tpu.yield
      }) : () -> ()
    } else {
    }
    return
  }
}

#map = affine_map<(d0, d1) -> (0, 0)>
#map1 = affine_map<(d0, d1) -> (0)>
module attributes {stable_mosaic.version = 14 : i64} {
  func.func @_pass_b_body(%arg0: i32, %arg1: i32, %arg2: memref<10000x128xf32, #tpu.memory_space<hbm>>, %arg3: memref<320000xi32, #tpu.memory_space<hbm>>, %arg4: memref<320000xi32, #tpu.memory_space<hbm>>, %arg5: memref<624x128xf32, #tpu.memory_space<hbm>>, %arg6: memref<20000x128xf32, #tpu.memory_space<hbm>>, %arg7: memref<10000xi32, #tpu.memory_space<vmem>>, %arg8: memref<80xi32, #tpu.memory_space<vmem>>, %arg9: memref<80xi32, #tpu.memory_space<vmem>>, %arg10: memref<80xi32, #tpu.memory_space<vmem>>, %arg11: memref<80x128xf32, #tpu.memory_space<vmem>>, %arg12: memref<80x128xf32, #tpu.memory_space<vmem>>, %arg13: memref<80x128xf32, #tpu.memory_space<vmem>>, %arg14: memref<10000x128xf32, #tpu.memory_space<vmem_shared>>, %arg15: memref<!tpu.dma_semaphore, #tpu.memory_space<semaphore_mem>>, %arg16: memref<!tpu.dma_semaphore, #tpu.memory_space<semaphore_mem>>, %arg17: memref<!tpu.dma_semaphore, #tpu.memory_space<semaphore_mem>>, %arg18: memref<!tpu.dma_semaphore, #tpu.memory_space<semaphore_mem>>, %arg19: memref<!tpu.dma_semaphore, #tpu.memory_space<semaphore_mem>>, %arg20: memref<!tpu.dma_semaphore, #tpu.memory_space<semaphore_mem>>, %arg21: memref<!tpu.dma_semaphore, #tpu.memory_space<semaphore_mem>>, %arg22: memref<!tpu.dma_semaphore, #tpu.memory_space<semaphore_mem>>, %arg23: memref<!tpu.dma_semaphore, #tpu.memory_space<semaphore_mem>>) attributes {dimension_semantics = [#tpu.dimension_semantics<core_parallel>, #tpu.dimension_semantics<subcore_parallel>], iteration_bounds = array<i64: 2, 16>, scalar_prefetch = 0 : i64, scratch_operands = 17 : i64, tpu.core_type = #tpu.core_type<sc_vector_subcore>, window_params = [{transform_indices = #map}, {transform_indices = #map1}, {transform_indices = #map1}, {transform_indices = #map}, {transform_indices = #map}]} {
    %mul3A = arith.constant 16 : i32
    %mul3A_0 = arith.muli %arg0, %mul3A : i32
    %add3A = arith.addi %mul3A_0, %arg1 : i32
    %mul3A_1 = arith.constant 624 : i32
    %mul3A_2 = arith.muli %arg1, %mul3A_1 : i32
    "tpu.region"() ({
      %run_scoped3A = tpu.sem_alloc : memref<!tpu.dma_semaphore, #tpu.memory_space<semaphore_mem>>
      %dma_start3A_74 = arith.constant 0 : i32
      %dma_start3A_75 = tpu.memref_slice %arg14[%mul3A_2, %dma_start3A_74] : memref<10000x128xf32, #tpu.memory_space<vmem_shared>> -> memref<624x128xf32, #tpu.memory_space<vmem_shared>>
      tpu.enqueue_dma source(%arg5 : memref<624x128xf32, #tpu.memory_space<hbm>>) target(%dma_start3A_75 : memref<624x128xf32, #tpu.memory_space<vmem_shared>>) target_semaphore(%run_scoped3A : memref<!tpu.dma_semaphore, #tpu.memory_space<semaphore_mem>>)
      %dma_wait3A_76 = arith.constant 0 : i32
      %dma_wait3A_77 = tpu.memref_slice %arg14[%mul3A_2, %dma_wait3A_76] : memref<10000x128xf32, #tpu.memory_space<vmem_shared>> -> memref<624x128xf32, #tpu.memory_space<vmem_shared>>
      tpu.wait_dma2 semaphore(%run_scoped3A : memref<!tpu.dma_semaphore, #tpu.memory_space<semaphore_mem>>) src(%arg5 : memref<624x128xf32, #tpu.memory_space<hbm>>) dst(%dma_wait3A_77 : memref<624x128xf32, #tpu.memory_space<vmem_shared>>)
      tpu.yield
    }) : () -> ()
    %eq3A = arith.constant 15 : i32
    %eq3A_3 = arith.cmpi eq, %arg1, %eq3A : i32
    %convert_element_type3A = arith.extui %eq3A_3 : i1 to i32
    %cond3A = arith.constant 0 : i32
    %cond3A_4 = arith.cmpi ne, %convert_element_type3A, %cond3A : i32
    scf.if %cond3A_4 {
      "tpu.region"() ({
        %run_scoped3A = tpu.sem_alloc : memref<!tpu.dma_semaphore, #tpu.memory_space<semaphore_mem>>
        %dma_start3A_74 = arith.constant 9984 : i32
        %dma_start3A_75 = arith.constant 0 : i32
        %dma_start3A_76 = tpu.memref_slice %arg14[%dma_start3A_74, %dma_start3A_75] : memref<10000x128xf32, #tpu.memory_space<vmem_shared>> -> memref<16x128xf32, #tpu.memory_space<vmem_shared>>
        %dma_start3A_77 = arith.constant 0 : i32
        %dma_start3A_78 = arith.constant 0 : i32
        %dma_start3A_79 = tpu.memref_slice %arg5[%dma_start3A_77, %dma_start3A_78] : memref<624x128xf32, #tpu.memory_space<hbm>> -> memref<16x128xf32, #tpu.memory_space<hbm>>
        tpu.enqueue_dma source(%dma_start3A_79 : memref<16x128xf32, #tpu.memory_space<hbm>>) target(%dma_start3A_76 : memref<16x128xf32, #tpu.memory_space<vmem_shared>>) target_semaphore(%run_scoped3A : memref<!tpu.dma_semaphore, #tpu.memory_space<semaphore_mem>>)
        %dma_wait3A_80 = arith.constant 9984 : i32
        %dma_wait3A_81 = arith.constant 0 : i32
        %dma_wait3A_82 = tpu.memref_slice %arg14[%dma_wait3A_80, %dma_wait3A_81] : memref<10000x128xf32, #tpu.memory_space<vmem_shared>> -> memref<16x128xf32, #tpu.memory_space<vmem_shared>>
        %dma_wait3A_83 = arith.constant 0 : i32
        %dma_wait3A_84 = arith.constant 0 : i32
        %dma_wait3A_85 = tpu.memref_slice %arg5[%dma_wait3A_83, %dma_wait3A_84] : memref<624x128xf32, #tpu.memory_space<hbm>> -> memref<16x128xf32, #tpu.memory_space<hbm>>
        tpu.wait_dma2 semaphore(%run_scoped3A : memref<!tpu.dma_semaphore, #tpu.memory_space<semaphore_mem>>) src(%dma_wait3A_85 : memref<16x128xf32, #tpu.memory_space<hbm>>) dst(%dma_wait3A_82 : memref<16x128xf32, #tpu.memory_space<vmem_shared>>)
        tpu.yield
      }) : () -> ()
    } else {
    }
    %mul3A_5 = arith.constant 10000 : i32
    %mul3A_6 = arith.muli %add3A, %mul3A_5 : i32
    "tpu.region"() ({
      %run_scoped3A = tpu.sem_alloc : memref<!tpu.dma_semaphore, #tpu.memory_space<semaphore_mem>>
      %dma_start3A_74 = tpu.memref_slice %arg3[%mul3A_6] : memref<320000xi32, #tpu.memory_space<hbm>> -> memref<10000xi32, #tpu.memory_space<hbm>>
      %dma_start3A_75 = tpu.memref_slice %arg3[%mul3A_6] : memref<320000xi32, #tpu.memory_space<hbm>> -> memref<10000xi32, #tpu.memory_space<hbm>>
      tpu.enqueue_dma source(%dma_start3A_75 : memref<10000xi32, #tpu.memory_space<hbm>>) target(%arg7 : memref<10000xi32, #tpu.memory_space<vmem>>) target_semaphore(%run_scoped3A : memref<!tpu.dma_semaphore, #tpu.memory_space<semaphore_mem>>)
      %dma_wait3A_76 = tpu.memref_slice %arg3[%mul3A_6] : memref<320000xi32, #tpu.memory_space<hbm>> -> memref<10000xi32, #tpu.memory_space<hbm>>
      %dma_wait3A_77 = tpu.memref_slice %arg3[%mul3A_6] : memref<320000xi32, #tpu.memory_space<hbm>> -> memref<10000xi32, #tpu.memory_space<hbm>>
      tpu.wait_dma2 semaphore(%run_scoped3A : memref<!tpu.dma_semaphore, #tpu.memory_space<semaphore_mem>>) src(%dma_wait3A_77 : memref<10000xi32, #tpu.memory_space<hbm>>) dst(%arg7 : memref<10000xi32, #tpu.memory_space<vmem>>)
      tpu.yield
    }) : () -> ()
    %barrier3A = arith.constant 0 : index
    tpu.barrier barrier_id(%barrier3A)
    %dma_start3A = arith.constant 0 : i32
    %dma_start3A_7 = tpu.memref_slice %arg7[%dma_start3A] : memref<10000xi32, #tpu.memory_space<vmem>> -> memref<80xi32, #tpu.memory_space<vmem>>
    %dma_start3A_8 = arith.constant 0 : i32
    %dma_start3A_9 = arith.constant 0 : i32
    %dma_start3A_10 = tpu.memref_slice %arg2[%dma_start3A_8, %dma_start3A_9] : memref<10000x128xf32, #tpu.memory_space<hbm>> -> memref<10000x128xf32, #tpu.memory_space<hbm>>
    tpu.enqueue_indirect_dma source(%dma_start3A_10 : memref<10000x128xf32, #tpu.memory_space<hbm>>) target(%arg11 : memref<80x128xf32, #tpu.memory_space<vmem>>) offsets(%dma_start3A_7 : memref<80xi32, #tpu.memory_space<vmem>>) semaphore(%arg15 : memref<!tpu.dma_semaphore, #tpu.memory_space<semaphore_mem>>)
    %add3A_11 = arith.constant 0 : i32
    %add3A_12 = arith.addi %mul3A_6, %add3A_11 : i32
    %dma_start3A_13 = tpu.memref_slice %arg4[%add3A_12] : memref<320000xi32, #tpu.memory_space<hbm>> -> memref<80xi32, #tpu.memory_space<hbm>>
    %dma_start3A_14 = tpu.memref_slice %arg4[%add3A_12] : memref<320000xi32, #tpu.memory_space<hbm>> -> memref<80xi32, #tpu.memory_space<hbm>>
    tpu.enqueue_dma source(%dma_start3A_14 : memref<80xi32, #tpu.memory_space<hbm>>) target(%arg8 : memref<80xi32, #tpu.memory_space<vmem>>) target_semaphore(%arg18 : memref<!tpu.dma_semaphore, #tpu.memory_space<semaphore_mem>>)
    %dma_start3A_15 = arith.constant 80 : i32
    %dma_start3A_16 = tpu.memref_slice %arg7[%dma_start3A_15] : memref<10000xi32, #tpu.memory_space<vmem>> -> memref<80xi32, #tpu.memory_space<vmem>>
    %dma_start3A_17 = arith.constant 0 : i32
    %dma_start3A_18 = arith.constant 0 : i32
    %dma_start3A_19 = tpu.memref_slice %arg2[%dma_start3A_17, %dma_start3A_18] : memref<10000x128xf32, #tpu.memory_space<hbm>> -> memref<10000x128xf32, #tpu.memory_space<hbm>>
    tpu.enqueue_indirect_dma source(%dma_start3A_19 : memref<10000x128xf32, #tpu.memory_space<hbm>>) target(%arg12 : memref<80x128xf32, #tpu.memory_space<vmem>>) offsets(%dma_start3A_16 : memref<80xi32, #tpu.memory_space<vmem>>) semaphore(%arg16 : memref<!tpu.dma_semaphore, #tpu.memory_space<semaphore_mem>>)
    %add3A_20 = arith.constant 80 : i32
    %add3A_21 = arith.addi %mul3A_6, %add3A_20 : i32
    %dma_start3A_22 = tpu.memref_slice %arg4[%add3A_21] : memref<320000xi32, #tpu.memory_space<hbm>> -> memref<80xi32, #tpu.memory_space<hbm>>
    %dma_start3A_23 = tpu.memref_slice %arg4[%add3A_21] : memref<320000xi32, #tpu.memory_space<hbm>> -> memref<80xi32, #tpu.memory_space<hbm>>
    tpu.enqueue_dma source(%dma_start3A_23 : memref<80xi32, #tpu.memory_space<hbm>>) target(%arg9 : memref<80xi32, #tpu.memory_space<vmem>>) target_semaphore(%arg19 : memref<!tpu.dma_semaphore, #tpu.memory_space<semaphore_mem>>)
    %dma_start3A_24 = arith.constant 160 : i32
    %dma_start3A_25 = tpu.memref_slice %arg7[%dma_start3A_24] : memref<10000xi32, #tpu.memory_space<vmem>> -> memref<80xi32, #tpu.memory_space<vmem>>
    %dma_start3A_26 = arith.constant 0 : i32
    %dma_start3A_27 = arith.constant 0 : i32
    %dma_start3A_28 = tpu.memref_slice %arg2[%dma_start3A_26, %dma_start3A_27] : memref<10000x128xf32, #tpu.memory_space<hbm>> -> memref<10000x128xf32, #tpu.memory_space<hbm>>
    tpu.enqueue_indirect_dma source(%dma_start3A_28 : memref<10000x128xf32, #tpu.memory_space<hbm>>) target(%arg13 : memref<80x128xf32, #tpu.memory_space<vmem>>) offsets(%dma_start3A_25 : memref<80xi32, #tpu.memory_space<vmem>>) semaphore(%arg17 : memref<!tpu.dma_semaphore, #tpu.memory_space<semaphore_mem>>)
    %add3A_29 = arith.constant 160 : i32
    %add3A_30 = arith.addi %mul3A_6, %add3A_29 : i32
    %dma_start3A_31 = tpu.memref_slice %arg4[%add3A_30] : memref<320000xi32, #tpu.memory_space<hbm>> -> memref<80xi32, #tpu.memory_space<hbm>>
    %dma_start3A_32 = tpu.memref_slice %arg4[%add3A_30] : memref<320000xi32, #tpu.memory_space<hbm>> -> memref<80xi32, #tpu.memory_space<hbm>>
    tpu.enqueue_dma source(%dma_start3A_32 : memref<80xi32, #tpu.memory_space<hbm>>) target(%arg10 : memref<80xi32, #tpu.memory_space<vmem>>) target_semaphore(%arg20 : memref<!tpu.dma_semaphore, #tpu.memory_space<semaphore_mem>>)
    %scan3A = arith.constant 0 : i32
    %scan3A_33 = arith.constant 0 : i32
    %scan3A_34 = arith.constant 41 : i32
    %scan3A_35 = arith.addi %scan3A_33, %scan3A_34 : i32
    %scan3A_36 = arith.constant 1 : i32
    scf.for %scan3A_74 = %scan3A_33 to %scan3A_35 step %scan3A_36  : i32 {
      %mul3A_75 = arith.constant 3 : i32
      %mul3A_76 = arith.muli %mul3A_75, %scan3A_74 : i32
      %dma_wait3A_77 = arith.constant 0 : i32
      %dma_wait3A_78 = tpu.memref_slice %arg7[%dma_wait3A_77] : memref<10000xi32, #tpu.memory_space<vmem>> -> memref<80xi32, #tpu.memory_space<vmem>>
      %dma_wait3A_79 = arith.constant 0 : i32
      %dma_wait3A_80 = arith.constant 0 : i32
      %dma_wait3A_81 = tpu.memref_slice %arg2[%dma_wait3A_79, %dma_wait3A_80] : memref<10000x128xf32, #tpu.memory_space<hbm>> -> memref<10000x128xf32, #tpu.memory_space<hbm>>
      tpu.wait_indirect_dma semaphore(%arg15 : memref<!tpu.dma_semaphore, #tpu.memory_space<semaphore_mem>>) src(%dma_wait3A_81 : memref<10000x128xf32, #tpu.memory_space<hbm>>) dst(%arg11 : memref<80x128xf32, #tpu.memory_space<vmem>>)
      %dma_wait3A_82 = tpu.memref_slice %arg4[%mul3A_6] : memref<320000xi32, #tpu.memory_space<hbm>> -> memref<80xi32, #tpu.memory_space<hbm>>
      %dma_wait3A_83 = tpu.memref_slice %arg4[%mul3A_6] : memref<320000xi32, #tpu.memory_space<hbm>> -> memref<80xi32, #tpu.memory_space<hbm>>
      tpu.wait_dma2 semaphore(%arg18 : memref<!tpu.dma_semaphore, #tpu.memory_space<semaphore_mem>>) src(%dma_wait3A_83 : memref<80xi32, #tpu.memory_space<hbm>>) dst(%arg8 : memref<80xi32, #tpu.memory_space<vmem>>)
      %add3A_84 = arith.constant 0 : i32
      %add3A_85 = arith.addi %mul3A_76, %add3A_84 : i32
      %dma_start3A_86 = arith.constant 0 : i32
      %dma_start3A_87 = arith.constant 0 : i32
      %dma_start3A_88 = tpu.memref_slice %arg14[%dma_start3A_86, %dma_start3A_87] : memref<10000x128xf32, #tpu.memory_space<vmem_shared>> -> memref<10000x128xf32, #tpu.memory_space<vmem_shared>>
      tpu.enqueue_indirect_dma source(%arg11 : memref<80x128xf32, #tpu.memory_space<vmem>>) target(%dma_start3A_88 : memref<10000x128xf32, #tpu.memory_space<vmem_shared>>) offsets(%arg8 : memref<80xi32, #tpu.memory_space<vmem>>) semaphore(%arg21 : memref<!tpu.dma_semaphore, #tpu.memory_space<semaphore_mem>>) {add = true}
      %dma_wait3A_89 = arith.constant 0 : i32
      %dma_wait3A_90 = tpu.memref_slice %arg7[%dma_wait3A_89] : memref<10000xi32, #tpu.memory_space<vmem>> -> memref<80xi32, #tpu.memory_space<vmem>>
      %dma_wait3A_91 = arith.constant 0 : i32
      %dma_wait3A_92 = arith.constant 0 : i32
      %dma_wait3A_93 = tpu.memref_slice %arg2[%dma_wait3A_91, %dma_wait3A_92] : memref<10000x128xf32, #tpu.memory_space<hbm>> -> memref<10000x128xf32, #tpu.memory_space<hbm>>
      tpu.wait_indirect_dma semaphore(%arg16 : memref<!tpu.dma_semaphore, #tpu.memory_space<semaphore_mem>>) src(%dma_wait3A_93 : memref<10000x128xf32, #tpu.memory_space<hbm>>) dst(%arg12 : memref<80x128xf32, #tpu.memory_space<vmem>>)
      %dma_wait3A_94 = tpu.memref_slice %arg4[%mul3A_6] : memref<320000xi32, #tpu.memory_space<hbm>> -> memref<80xi32, #tpu.memory_space<hbm>>
      %dma_wait3A_95 = tpu.memref_slice %arg4[%mul3A_6] : memref<320000xi32, #tpu.memory_space<hbm>> -> memref<80xi32, #tpu.memory_space<hbm>>
      tpu.wait_dma2 semaphore(%arg19 : memref<!tpu.dma_semaphore, #tpu.memory_space<semaphore_mem>>) src(%dma_wait3A_95 : memref<80xi32, #tpu.memory_space<hbm>>) dst(%arg9 : memref<80xi32, #tpu.memory_space<vmem>>)
      %add3A_96 = arith.constant 1 : i32
      %add3A_97 = arith.addi %mul3A_76, %add3A_96 : i32
      %dma_start3A_98 = arith.constant 0 : i32
      %dma_start3A_99 = arith.constant 0 : i32
      %dma_start3A_100 = tpu.memref_slice %arg14[%dma_start3A_98, %dma_start3A_99] : memref<10000x128xf32, #tpu.memory_space<vmem_shared>> -> memref<10000x128xf32, #tpu.memory_space<vmem_shared>>
      tpu.enqueue_indirect_dma source(%arg12 : memref<80x128xf32, #tpu.memory_space<vmem>>) target(%dma_start3A_100 : memref<10000x128xf32, #tpu.memory_space<vmem_shared>>) offsets(%arg9 : memref<80xi32, #tpu.memory_space<vmem>>) semaphore(%arg22 : memref<!tpu.dma_semaphore, #tpu.memory_space<semaphore_mem>>) {add = true}
      %dma_wait3A_101 = arith.constant 0 : i32
      %dma_wait3A_102 = tpu.memref_slice %arg7[%dma_wait3A_101] : memref<10000xi32, #tpu.memory_space<vmem>> -> memref<80xi32, #tpu.memory_space<vmem>>
      %dma_wait3A_103 = arith.constant 0 : i32
      %dma_wait3A_104 = arith.constant 0 : i32
      %dma_wait3A_105 = tpu.memref_slice %arg2[%dma_wait3A_103, %dma_wait3A_104] : memref<10000x128xf32, #tpu.memory_space<hbm>> -> memref<10000x128xf32, #tpu.memory_space<hbm>>
      tpu.wait_indirect_dma semaphore(%arg17 : memref<!tpu.dma_semaphore, #tpu.memory_space<semaphore_mem>>) src(%dma_wait3A_105 : memref<10000x128xf32, #tpu.memory_space<hbm>>) dst(%arg13 : memref<80x128xf32, #tpu.memory_space<vmem>>)
      %dma_wait3A_106 = tpu.memref_slice %arg4[%mul3A_6] : memref<320000xi32, #tpu.memory_space<hbm>> -> memref<80xi32, #tpu.memory_space<hbm>>
      %dma_wait3A_107 = tpu.memref_slice %arg4[%mul3A_6] : memref<320000xi32, #tpu.memory_space<hbm>> -> memref<80xi32, #tpu.memory_space<hbm>>
      tpu.wait_dma2 semaphore(%arg20 : memref<!tpu.dma_semaphore, #tpu.memory_space<semaphore_mem>>) src(%dma_wait3A_107 : memref<80xi32, #tpu.memory_space<hbm>>) dst(%arg10 : memref<80xi32, #tpu.memory_space<vmem>>)
      %add3A_108 = arith.constant 2 : i32
      %add3A_109 = arith.addi %mul3A_76, %add3A_108 : i32
      %dma_start3A_110 = arith.constant 0 : i32
      %dma_start3A_111 = arith.constant 0 : i32
      %dma_start3A_112 = tpu.memref_slice %arg14[%dma_start3A_110, %dma_start3A_111] : memref<10000x128xf32, #tpu.memory_space<vmem_shared>> -> memref<10000x128xf32, #tpu.memory_space<vmem_shared>>
      tpu.enqueue_indirect_dma source(%arg13 : memref<80x128xf32, #tpu.memory_space<vmem>>) target(%dma_start3A_112 : memref<10000x128xf32, #tpu.memory_space<vmem_shared>>) offsets(%arg10 : memref<80xi32, #tpu.memory_space<vmem>>) semaphore(%arg23 : memref<!tpu.dma_semaphore, #tpu.memory_space<semaphore_mem>>) {add = true}
      %dma_wait3A_113 = arith.constant 0 : i32
      %dma_wait3A_114 = arith.constant 0 : i32
      %dma_wait3A_115 = tpu.memref_slice %arg14[%dma_wait3A_113, %dma_wait3A_114] : memref<10000x128xf32, #tpu.memory_space<vmem_shared>> -> memref<10000x128xf32, #tpu.memory_space<vmem_shared>>
      tpu.wait_indirect_dma semaphore(%arg21 : memref<!tpu.dma_semaphore, #tpu.memory_space<semaphore_mem>>) src(%arg11 : memref<80x128xf32, #tpu.memory_space<vmem>>) dst(%dma_wait3A_115 : memref<10000x128xf32, #tpu.memory_space<vmem_shared>>)
      %add3A_116 = arith.constant 3 : i32
      %add3A_117 = arith.addi %mul3A_76, %add3A_116 : i32
      %add3A_118 = arith.constant 0 : i32
      %add3A_119 = arith.addi %add3A_117, %add3A_118 : i32
      %lt3A = arith.constant 125 : i32
      %lt3A_120 = arith.cmpi slt, %add3A_119, %lt3A : i32
      %convert_element_type3A_121 = arith.extui %lt3A_120 : i1 to i32
      %cond3A_122 = arith.constant 0 : i32
      %cond3A_123 = arith.cmpi ne, %convert_element_type3A_121, %cond3A_122 : i32
      scf.if %cond3A_123 {
        %add3A_148 = arith.constant 3 : i32
        %add3A_149 = arith.addi %mul3A_76, %add3A_148 : i32
        %add3A_150 = arith.constant 0 : i32
        %add3A_151 = arith.addi %add3A_149, %add3A_150 : i32
        %mul3A_152 = arith.constant 80 : i32
        %mul3A_153 = arith.muli %add3A_151, %mul3A_152 : i32
        %dma_start3A_154 = tpu.memref_slice %arg7[%mul3A_153] : memref<10000xi32, #tpu.memory_space<vmem>> -> memref<80xi32, #tpu.memory_space<vmem>>
        %dma_start3A_155 = arith.constant 0 : i32
        %dma_start3A_156 = arith.constant 0 : i32
        %dma_start3A_157 = tpu.memref_slice %arg2[%dma_start3A_155, %dma_start3A_156] : memref<10000x128xf32, #tpu.memory_space<hbm>> -> memref<10000x128xf32, #tpu.memory_space<hbm>>
        tpu.enqueue_indirect_dma source(%dma_start3A_157 : memref<10000x128xf32, #tpu.memory_space<hbm>>) target(%arg11 : memref<80x128xf32, #tpu.memory_space<vmem>>) offsets(%dma_start3A_154 : memref<80xi32, #tpu.memory_space<vmem>>) semaphore(%arg15 : memref<!tpu.dma_semaphore, #tpu.memory_space<semaphore_mem>>)
        %mul3A_158 = arith.constant 80 : i32
        %mul3A_159 = arith.muli %add3A_151, %mul3A_158 : i32
        %add3A_160 = arith.addi %mul3A_6, %mul3A_159 : i32
        %dma_start3A_161 = tpu.memref_slice %arg4[%add3A_160] : memref<320000xi32, #tpu.memory_space<hbm>> -> memref<80xi32, #tpu.memory_space<hbm>>
        %dma_start3A_162 = tpu.memref_slice %arg4[%add3A_160] : memref<320000xi32, #tpu.memory_space<hbm>> -> memref<80xi32, #tpu.memory_space<hbm>>
        tpu.enqueue_dma source(%dma_start3A_162 : memref<80xi32, #tpu.memory_space<hbm>>) target(%arg8 : memref<80xi32, #tpu.memory_space<vmem>>) target_semaphore(%arg18 : memref<!tpu.dma_semaphore, #tpu.memory_space<semaphore_mem>>)
      } else {
      }
      %dma_wait3A_124 = arith.constant 0 : i32
      %dma_wait3A_125 = arith.constant 0 : i32
      %dma_wait3A_126 = tpu.memref_slice %arg14[%dma_wait3A_124, %dma_wait3A_125] : memref<10000x128xf32, #tpu.memory_space<vmem_shared>> -> memref<10000x128xf32, #tpu.memory_space<vmem_shared>>
      tpu.wait_indirect_dma semaphore(%arg22 : memref<!tpu.dma_semaphore, #tpu.memory_space<semaphore_mem>>) src(%arg12 : memref<80x128xf32, #tpu.memory_space<vmem>>) dst(%dma_wait3A_126 : memref<10000x128xf32, #tpu.memory_space<vmem_shared>>)
      %add3A_127 = arith.constant 3 : i32
      %add3A_128 = arith.addi %mul3A_76, %add3A_127 : i32
      %add3A_129 = arith.constant 1 : i32
      %add3A_130 = arith.addi %add3A_128, %add3A_129 : i32
      %lt3A_131 = arith.constant 125 : i32
      %lt3A_132 = arith.cmpi slt, %add3A_130, %lt3A_131 : i32
      %convert_element_type3A_133 = arith.extui %lt3A_132 : i1 to i32
      %cond3A_134 = arith.constant 0 : i32
      %cond3A_135 = arith.cmpi ne, %convert_element_type3A_133, %cond3A_134 : i32
      scf.if %cond3A_135 {
        %add3A_148 = arith.constant 3 : i32
        %add3A_149 = arith.addi %mul3A_76, %add3A_148 : i32
        %add3A_150 = arith.constant 1 : i32
        %add3A_151 = arith.addi %add3A_149, %add3A_150 : i32
        %mul3A_152 = arith.constant 80 : i32
        %mul3A_153 = arith.muli %add3A_151, %mul3A_152 : i32
        %dma_start3A_154 = tpu.memref_slice %arg7[%mul3A_153] : memref<10000xi32, #tpu.memory_space<vmem>> -> memref<80xi32, #tpu.memory_space<vmem>>
        %dma_start3A_155 = arith.constant 0 : i32
        %dma_start3A_156 = arith.constant 0 : i32
        %dma_start3A_157 = tpu.memref_slice %arg2[%dma_start3A_155, %dma_start3A_156] : memref<10000x128xf32, #tpu.memory_space<hbm>> -> memref<10000x128xf32, #tpu.memory_space<hbm>>
        tpu.enqueue_indirect_dma source(%dma_start3A_157 : memref<10000x128xf32, #tpu.memory_space<hbm>>) target(%arg12 : memref<80x128xf32, #tpu.memory_space<vmem>>) offsets(%dma_start3A_154 : memref<80xi32, #tpu.memory_space<vmem>>) semaphore(%arg16 : memref<!tpu.dma_semaphore, #tpu.memory_space<semaphore_mem>>)
        %mul3A_158 = arith.constant 80 : i32
        %mul3A_159 = arith.muli %add3A_151, %mul3A_158 : i32
        %add3A_160 = arith.addi %mul3A_6, %mul3A_159 : i32
        %dma_start3A_161 = tpu.memref_slice %arg4[%add3A_160] : memref<320000xi32, #tpu.memory_space<hbm>> -> memref<80xi32, #tpu.memory_space<hbm>>
        %dma_start3A_162 = tpu.memref_slice %arg4[%add3A_160] : memref<320000xi32, #tpu.memory_space<hbm>> -> memref<80xi32, #tpu.memory_space<hbm>>
        tpu.enqueue_dma source(%dma_start3A_162 : memref<80xi32, #tpu.memory_space<hbm>>) target(%arg9 : memref<80xi32, #tpu.memory_space<vmem>>) target_semaphore(%arg19 : memref<!tpu.dma_semaphore, #tpu.memory_space<semaphore_mem>>)
      } else {
      }
      %dma_wait3A_136 = arith.constant 0 : i32
      %dma_wait3A_137 = arith.constant 0 : i32
      %dma_wait3A_138 = tpu.memref_slice %arg14[%dma_wait3A_136, %dma_wait3A_137] : memref<10000x128xf32, #tpu.memory_space<vmem_shared>> -> memref<10000x128xf32, #tpu.memory_space<vmem_shared>>
      tpu.wait_indirect_dma semaphore(%arg23 : memref<!tpu.dma_semaphore, #tpu.memory_space<semaphore_mem>>) src(%arg13 : memref<80x128xf32, #tpu.memory_space<vmem>>) dst(%dma_wait3A_138 : memref<10000x128xf32, #tpu.memory_space<vmem_shared>>)
      %add3A_139 = arith.constant 3 : i32
      %add3A_140 = arith.addi %mul3A_76, %add3A_139 : i32
      %add3A_141 = arith.constant 2 : i32
      %add3A_142 = arith.addi %add3A_140, %add3A_141 : i32
      %lt3A_143 = arith.constant 125 : i32
      %lt3A_144 = arith.cmpi slt, %add3A_142, %lt3A_143 : i32
      %convert_element_type3A_145 = arith.extui %lt3A_144 : i1 to i32
      %cond3A_146 = arith.constant 0 : i32
      %cond3A_147 = arith.cmpi ne, %convert_element_type3A_145, %cond3A_146 : i32
      scf.if %cond3A_147 {
        %add3A_148 = arith.constant 3 : i32
        %add3A_149 = arith.addi %mul3A_76, %add3A_148 : i32
        %add3A_150 = arith.constant 2 : i32
        %add3A_151 = arith.addi %add3A_149, %add3A_150 : i32
        %mul3A_152 = arith.constant 80 : i32
        %mul3A_153 = arith.muli %add3A_151, %mul3A_152 : i32
        %dma_start3A_154 = tpu.memref_slice %arg7[%mul3A_153] : memref<10000xi32, #tpu.memory_space<vmem>> -> memref<80xi32, #tpu.memory_space<vmem>>
        %dma_start3A_155 = arith.constant 0 : i32
        %dma_start3A_156 = arith.constant 0 : i32
        %dma_start3A_157 = tpu.memref_slice %arg2[%dma_start3A_155, %dma_start3A_156] : memref<10000x128xf32, #tpu.memory_space<hbm>> -> memref<10000x128xf32, #tpu.memory_space<hbm>>
        tpu.enqueue_indirect_dma source(%dma_start3A_157 : memref<10000x128xf32, #tpu.memory_space<hbm>>) target(%arg13 : memref<80x128xf32, #tpu.memory_space<vmem>>) offsets(%dma_start3A_154 : memref<80xi32, #tpu.memory_space<vmem>>) semaphore(%arg17 : memref<!tpu.dma_semaphore, #tpu.memory_space<semaphore_mem>>)
        %mul3A_158 = arith.constant 80 : i32
        %mul3A_159 = arith.muli %add3A_151, %mul3A_158 : i32
        %add3A_160 = arith.addi %mul3A_6, %mul3A_159 : i32
        %dma_start3A_161 = tpu.memref_slice %arg4[%add3A_160] : memref<320000xi32, #tpu.memory_space<hbm>> -> memref<80xi32, #tpu.memory_space<hbm>>
        %dma_start3A_162 = tpu.memref_slice %arg4[%add3A_160] : memref<320000xi32, #tpu.memory_space<hbm>> -> memref<80xi32, #tpu.memory_space<hbm>>
        tpu.enqueue_dma source(%dma_start3A_162 : memref<80xi32, #tpu.memory_space<hbm>>) target(%arg10 : memref<80xi32, #tpu.memory_space<vmem>>) target_semaphore(%arg20 : memref<!tpu.dma_semaphore, #tpu.memory_space<semaphore_mem>>)
      } else {
      }
    }
    %scan3A_37 = arith.constant 41 : i32
    %dma_wait3A = arith.constant 0 : i32
    %dma_wait3A_38 = tpu.memref_slice %arg7[%dma_wait3A] : memref<10000xi32, #tpu.memory_space<vmem>> -> memref<80xi32, #tpu.memory_space<vmem>>
    %dma_wait3A_39 = arith.constant 0 : i32
    %dma_wait3A_40 = arith.constant 0 : i32
    %dma_wait3A_41 = tpu.memref_slice %arg2[%dma_wait3A_39, %dma_wait3A_40] : memref<10000x128xf32, #tpu.memory_space<hbm>> -> memref<10000x128xf32, #tpu.memory_space<hbm>>
    tpu.wait_indirect_dma semaphore(%arg15 : memref<!tpu.dma_semaphore, #tpu.memory_space<semaphore_mem>>) src(%dma_wait3A_41 : memref<10000x128xf32, #tpu.memory_space<hbm>>) dst(%arg11 : memref<80x128xf32, #tpu.memory_space<vmem>>)
    %dma_wait3A_42 = tpu.memref_slice %arg4[%mul3A_6] : memref<320000xi32, #tpu.memory_space<hbm>> -> memref<80xi32, #tpu.memory_space<hbm>>
    %dma_wait3A_43 = tpu.memref_slice %arg4[%mul3A_6] : memref<320000xi32, #tpu.memory_space<hbm>> -> memref<80xi32, #tpu.memory_space<hbm>>
    tpu.wait_dma2 semaphore(%arg18 : memref<!tpu.dma_semaphore, #tpu.memory_space<semaphore_mem>>) src(%dma_wait3A_43 : memref<80xi32, #tpu.memory_space<hbm>>) dst(%arg8 : memref<80xi32, #tpu.memory_space<vmem>>)
    %dma_start3A_44 = arith.constant 0 : i32
    %dma_start3A_45 = arith.constant 0 : i32
    %dma_start3A_46 = tpu.memref_slice %arg14[%dma_start3A_44, %dma_start3A_45] : memref<10000x128xf32, #tpu.memory_space<vmem_shared>> -> memref<10000x128xf32, #tpu.memory_space<vmem_shared>>
    tpu.enqueue_indirect_dma source(%arg11 : memref<80x128xf32, #tpu.memory_space<vmem>>) target(%dma_start3A_46 : memref<10000x128xf32, #tpu.memory_space<vmem_shared>>) offsets(%arg8 : memref<80xi32, #tpu.memory_space<vmem>>) semaphore(%arg21 : memref<!tpu.dma_semaphore, #tpu.memory_space<semaphore_mem>>) {add = true}
    %dma_wait3A_47 = arith.constant 0 : i32
    %dma_wait3A_48 = arith.constant 0 : i32
    %dma_wait3A_49 = tpu.memref_slice %arg14[%dma_wait3A_47, %dma_wait3A_48] : memref<10000x128xf32, #tpu.memory_space<vmem_shared>> -> memref<10000x128xf32, #tpu.memory_space<vmem_shared>>
    tpu.wait_indirect_dma semaphore(%arg21 : memref<!tpu.dma_semaphore, #tpu.memory_space<semaphore_mem>>) src(%arg11 : memref<80x128xf32, #tpu.memory_space<vmem>>) dst(%dma_wait3A_49 : memref<10000x128xf32, #tpu.memory_space<vmem_shared>>)
    %dma_wait3A_50 = arith.constant 0 : i32
    %dma_wait3A_51 = tpu.memref_slice %arg7[%dma_wait3A_50] : memref<10000xi32, #tpu.memory_space<vmem>> -> memref<80xi32, #tpu.memory_space<vmem>>
    %dma_wait3A_52 = arith.constant 0 : i32
    %dma_wait3A_53 = arith.constant 0 : i32
    %dma_wait3A_54 = tpu.memref_slice %arg2[%dma_wait3A_52, %dma_wait3A_53] : memref<10000x128xf32, #tpu.memory_space<hbm>> -> memref<10000x128xf32, #tpu.memory_space<hbm>>
    tpu.wait_indirect_dma semaphore(%arg16 : memref<!tpu.dma_semaphore, #tpu.memory_space<semaphore_mem>>) src(%dma_wait3A_54 : memref<10000x128xf32, #tpu.memory_space<hbm>>) dst(%arg12 : memref<80x128xf32, #tpu.memory_space<vmem>>)
    %dma_wait3A_55 = tpu.memref_slice %arg4[%mul3A_6] : memref<320000xi32, #tpu.memory_space<hbm>> -> memref<80xi32, #tpu.memory_space<hbm>>
    %dma_wait3A_56 = tpu.memref_slice %arg4[%mul3A_6] : memref<320000xi32, #tpu.memory_space<hbm>> -> memref<80xi32, #tpu.memory_space<hbm>>
    tpu.wait_dma2 semaphore(%arg19 : memref<!tpu.dma_semaphore, #tpu.memory_space<semaphore_mem>>) src(%dma_wait3A_56 : memref<80xi32, #tpu.memory_space<hbm>>) dst(%arg9 : memref<80xi32, #tpu.memory_space<vmem>>)
    %dma_start3A_57 = arith.constant 0 : i32
    %dma_start3A_58 = arith.constant 0 : i32
    %dma_start3A_59 = tpu.memref_slice %arg14[%dma_start3A_57, %dma_start3A_58] : memref<10000x128xf32, #tpu.memory_space<vmem_shared>> -> memref<10000x128xf32, #tpu.memory_space<vmem_shared>>
    tpu.enqueue_indirect_dma source(%arg12 : memref<80x128xf32, #tpu.memory_space<vmem>>) target(%dma_start3A_59 : memref<10000x128xf32, #tpu.memory_space<vmem_shared>>) offsets(%arg9 : memref<80xi32, #tpu.memory_space<vmem>>) semaphore(%arg22 : memref<!tpu.dma_semaphore, #tpu.memory_space<semaphore_mem>>) {add = true}
    %dma_wait3A_60 = arith.constant 0 : i32
    %dma_wait3A_61 = arith.constant 0 : i32
    %dma_wait3A_62 = tpu.memref_slice %arg14[%dma_wait3A_60, %dma_wait3A_61] : memref<10000x128xf32, #tpu.memory_space<vmem_shared>> -> memref<10000x128xf32, #tpu.memory_space<vmem_shared>>
    tpu.wait_indirect_dma semaphore(%arg22 : memref<!tpu.dma_semaphore, #tpu.memory_space<semaphore_mem>>) src(%arg12 : memref<80x128xf32, #tpu.memory_space<vmem>>) dst(%dma_wait3A_62 : memref<10000x128xf32, #tpu.memory_space<vmem_shared>>)
    %barrier3A_63 = arith.constant 0 : index
    tpu.barrier barrier_id(%barrier3A_63)
    %mul3A_64 = arith.constant 10000 : i32
    %mul3A_65 = arith.muli %arg0, %mul3A_64 : i32
    %mul3A_66 = arith.constant 624 : i32
    %mul3A_67 = arith.muli %arg1, %mul3A_66 : i32
    %add3A_68 = arith.addi %mul3A_65, %mul3A_67 : i32
    "tpu.region"() ({
      %run_scoped3A = tpu.sem_alloc : memref<!tpu.dma_semaphore, #tpu.memory_space<semaphore_mem>>
      %dma_start3A_74 = arith.constant 0 : i32
      %dma_start3A_75 = tpu.memref_slice %arg6[%add3A_68, %dma_start3A_74] : memref<20000x128xf32, #tpu.memory_space<hbm>> -> memref<624x128xf32, #tpu.memory_space<hbm>>
      %dma_start3A_76 = arith.constant 0 : i32
      %dma_start3A_77 = tpu.memref_slice %arg14[%mul3A_67, %dma_start3A_76] : memref<10000x128xf32, #tpu.memory_space<vmem_shared>> -> memref<624x128xf32, #tpu.memory_space<vmem_shared>>
      tpu.enqueue_dma source(%dma_start3A_77 : memref<624x128xf32, #tpu.memory_space<vmem_shared>>) target(%dma_start3A_75 : memref<624x128xf32, #tpu.memory_space<hbm>>) target_semaphore(%run_scoped3A : memref<!tpu.dma_semaphore, #tpu.memory_space<semaphore_mem>>)
      %dma_wait3A_78 = arith.constant 0 : i32
      %dma_wait3A_79 = tpu.memref_slice %arg6[%add3A_68, %dma_wait3A_78] : memref<20000x128xf32, #tpu.memory_space<hbm>> -> memref<624x128xf32, #tpu.memory_space<hbm>>
      %dma_wait3A_80 = arith.constant 0 : i32
      %dma_wait3A_81 = tpu.memref_slice %arg14[%mul3A_67, %dma_wait3A_80] : memref<10000x128xf32, #tpu.memory_space<vmem_shared>> -> memref<624x128xf32, #tpu.memory_space<vmem_shared>>
      tpu.wait_dma2 semaphore(%run_scoped3A : memref<!tpu.dma_semaphore, #tpu.memory_space<semaphore_mem>>) src(%dma_wait3A_81 : memref<624x128xf32, #tpu.memory_space<vmem_shared>>) dst(%dma_wait3A_79 : memref<624x128xf32, #tpu.memory_space<hbm>>)
      tpu.yield
    }) : () -> ()
    %eq3A_69 = arith.constant 15 : i32
    %eq3A_70 = arith.cmpi eq, %arg1, %eq3A_69 : i32
    %convert_element_type3A_71 = arith.extui %eq3A_70 : i1 to i32
    %cond3A_72 = arith.constant 0 : i32
    %cond3A_73 = arith.cmpi ne, %convert_element_type3A_71, %cond3A_72 : i32
    scf.if %cond3A_73 {
      %add3A_74 = arith.constant 9984 : i32
      %add3A_75 = arith.addi %mul3A_65, %add3A_74 : i32
      "tpu.region"() ({
        %run_scoped3A = tpu.sem_alloc : memref<!tpu.dma_semaphore, #tpu.memory_space<semaphore_mem>>
        %dma_start3A_76 = arith.constant 0 : i32
        %dma_start3A_77 = tpu.memref_slice %arg6[%add3A_75, %dma_start3A_76] : memref<20000x128xf32, #tpu.memory_space<hbm>> -> memref<16x128xf32, #tpu.memory_space<hbm>>
        %dma_start3A_78 = arith.constant 9984 : i32
        %dma_start3A_79 = arith.constant 0 : i32
        %dma_start3A_80 = tpu.memref_slice %arg14[%dma_start3A_78, %dma_start3A_79] : memref<10000x128xf32, #tpu.memory_space<vmem_shared>> -> memref<16x128xf32, #tpu.memory_space<vmem_shared>>
        tpu.enqueue_dma source(%dma_start3A_80 : memref<16x128xf32, #tpu.memory_space<vmem_shared>>) target(%dma_start3A_77 : memref<16x128xf32, #tpu.memory_space<hbm>>) target_semaphore(%run_scoped3A : memref<!tpu.dma_semaphore, #tpu.memory_space<semaphore_mem>>)
        %dma_wait3A_81 = arith.constant 0 : i32
        %dma_wait3A_82 = tpu.memref_slice %arg6[%add3A_75, %dma_wait3A_81] : memref<20000x128xf32, #tpu.memory_space<hbm>> -> memref<16x128xf32, #tpu.memory_space<hbm>>
        %dma_wait3A_83 = arith.constant 9984 : i32
        %dma_wait3A_84 = arith.constant 0 : i32
        %dma_wait3A_85 = tpu.memref_slice %arg14[%dma_wait3A_83, %dma_wait3A_84] : memref<10000x128xf32, #tpu.memory_space<vmem_shared>> -> memref<16x128xf32, #tpu.memory_space<vmem_shared>>
        tpu.wait_dma2 semaphore(%run_scoped3A : memref<!tpu.dma_semaphore, #tpu.memory_space<semaphore_mem>>) src(%dma_wait3A_85 : memref<16x128xf32, #tpu.memory_space<vmem_shared>>) dst(%dma_wait3A_82 : memref<16x128xf32, #tpu.memory_space<hbm>>)
        tpu.yield
      }) : () -> ()
    } else {
    }
    return
  }
}

module attributes {stable_mosaic.version = 14 : i64} {
  func.func @_tc1_body(%arg0: i32, %arg1: memref<400x128xf32, #tpu.memory_space<vmem>>, %arg2: memref<128x128xf32, #tpu.memory_space<vmem>>, %arg3: memref<400x128xf32, #tpu.memory_space<vmem>>, %arg4: memref<400x128xf32, #tpu.memory_space<vmem>>, %arg5: memref<400x128xf32, #tpu.memory_space<vmem>>) attributes {dimension_semantics = [#tpu.dimension_semantics<arbitrary>], iteration_bounds = array<i64: 25>, scalar_prefetch = 0 : i64, scratch_operands = 0 : i64, tpu.core_type = #tpu.core_type<tc>, window_params = [{transform_indices = @transform_0, window_bounds = array<i64: 400, 128>}, {pipeline_mode = #tpu.pipeline_mode<synchronous>, transform_indices = @transform_1, window_bounds = array<i64: 128, 128>}, {transform_indices = @transform_2, window_bounds = array<i64: 400, 128>}, {transform_indices = @transform_3, window_bounds = array<i64: 400, 128>}, {transform_indices = @transform_4, window_bounds = array<i64: 400, 128>}]} {
    %get3A = arith.constant 0 : index
    %get3A_0 = arith.constant 0 : index
    %get3A_1 = vector.load %arg3[%get3A, %get3A_0] : memref<400x128xf32, #tpu.memory_space<vmem>>, vector<400x128xf32>
    %slice3A = vector.extract_strided_slice %get3A_1 {offsets = [0, 16], sizes = [400, 1], strides = [1, 1]} : vector<400x128xf32> to vector<400x1xf32>
    %get3A_2 = arith.constant 0 : index
    %get3A_3 = arith.constant 0 : index
    %get3A_4 = vector.load %arg4[%get3A_2, %get3A_3] : memref<400x128xf32, #tpu.memory_space<vmem>>, vector<400x128xf32>
    %slice3A_5 = vector.extract_strided_slice %get3A_4 {offsets = [0, 16], sizes = [400, 1], strides = [1, 1]} : vector<400x128xf32> to vector<400x1xf32>
    %add3A = arith.addf %slice3A, %slice3A_5 : vector<400x1xf32>
    %max3A = arith.constant 1.000000e+00 : f32
    %max3A_6 = vector.broadcast %max3A : f32 to vector<400x1xf32>
    %max3A_7 = arith.maximumf %add3A, %max3A_6 : vector<400x1xf32>
    %rsqrt3A = math.rsqrt %max3A_7 : vector<400x1xf32>
    %get3A_8 = arith.constant 0 : index
    %get3A_9 = arith.constant 0 : index
    %get3A_10 = vector.load %arg1[%get3A_8, %get3A_9] : memref<400x128xf32, #tpu.memory_space<vmem>>, vector<400x128xf32>
    %get3A_11 = arith.constant 0 : index
    %get3A_12 = arith.constant 0 : index
    %get3A_13 = vector.load %arg2[%get3A_11, %get3A_12] : memref<128x128xf32, #tpu.memory_space<vmem>>, vector<128x128xf32>
    %dot_general3A = arith.constant dense<0.000000e+00> : vector<400x128xf32>
    %dot_general3A_14 = tpu.matmul %get3A_10, %get3A_13, %dot_general3A {dimension_numbers = #tpu.dot_dimension_numbers<[1], [0], [0], [1], [0, 0, 1, 1], [], []>, transpose_lhs_hint = false} : vector<400x128xf32>, vector<128x128xf32>, vector<400x128xf32> -> vector<400x128xf32>
    %mul3A = vector.broadcast %rsqrt3A : vector<400x1xf32> to vector<400x128xf32>
    %mul3A_15 = arith.mulf %dot_general3A_14, %mul3A : vector<400x128xf32>
    %swap3A = arith.constant 0 : index
    %swap3A_16 = arith.constant 0 : index
    %swap3A_17 = vector.load %arg5[%swap3A, %swap3A_16] : memref<400x128xf32, #tpu.memory_space<vmem>>, vector<400x128xf32>
    tpu.vector_store %arg5[%swap3A, %swap3A_16], %mul3A_15 {strides = array<i32>} : memref<400x128xf32, #tpu.memory_space<vmem>>, vector<400x128xf32>,
    return
  }
  func.func @transform_0(%arg0: i32) -> (i32, i32) {
    %c0_i32 = arith.constant 0 : i32
    %c0_i32_0 = arith.constant 0 : i32
    return %arg0, %c0_i32 : i32, i32
  }
  func.func @transform_1(%arg0: i32) -> (i32, i32) {
    %c0_i32 = arith.constant 0 : i32
    %c0_i32_0 = arith.constant 0 : i32
    %c0_i32_1 = arith.constant 0 : i32
    return %c0_i32, %c0_i32_0 : i32, i32
  }
  func.func @transform_2(%arg0: i32) -> (i32, i32) {
    %c0_i32 = arith.constant 0 : i32
    %c0_i32_0 = arith.constant 0 : i32
    return %arg0, %c0_i32 : i32, i32
  }
  func.func @transform_3(%arg0: i32) -> (i32, i32) {
    %add3A = arith.constant 25 : i32
    %add3A_0 = arith.addi %arg0, %add3A : i32
    %c0_i32 = arith.constant 0 : i32
    %c0_i32_1 = arith.constant 0 : i32
    return %add3A_0, %c0_i32 : i32, i32
  }
  func.func @transform_4(%arg0: i32) -> (i32, i32) {
    %c0_i32 = arith.constant 0 : i32
    %c0_i32_0 = arith.constant 0 : i32
    return %arg0, %c0_i32 : i32, i32
  }
}

module attributes {stable_mosaic.version = 14 : i64} {
  func.func @_tc_mid_body(%arg0: i32, %arg1: memref<400x128xf32, #tpu.memory_space<vmem>>, %arg2: memref<400x128xf32, #tpu.memory_space<vmem>>, %arg3: memref<400x128xf32, #tpu.memory_space<vmem>>, %arg4: memref<400x128xf32, #tpu.memory_space<vmem>>, %arg5: memref<16x128xf32, #tpu.memory_space<vmem>>, %arg6: memref<1x128xf32, #tpu.memory_space<vmem>>, %arg7: memref<128x128xf32, #tpu.memory_space<vmem>>, %arg8: memref<400x128xf32, #tpu.memory_space<vmem>>) attributes {dimension_semantics = [#tpu.dimension_semantics<arbitrary>], iteration_bounds = array<i64: 25>, scalar_prefetch = 0 : i64, scratch_operands = 0 : i64, tpu.core_type = #tpu.core_type<tc>, window_params = [{transform_indices = @transform_0, window_bounds = array<i64: 400, 128>}, {transform_indices = @transform_1, window_bounds = array<i64: 400, 128>}, {transform_indices = @transform_2, window_bounds = array<i64: 400, 128>}, {transform_indices = @transform_3, window_bounds = array<i64: 400, 128>}, {pipeline_mode = #tpu.pipeline_mode<synchronous>, transform_indices = @transform_4, window_bounds = array<i64: 16, 128>}, {pipeline_mode = #tpu.pipeline_mode<synchronous>, transform_indices = @transform_5, window_bounds = array<i64: 1, 128>}, {pipeline_mode = #tpu.pipeline_mode<synchronous>, transform_indices = @transform_6, window_bounds = array<i64: 128, 128>}, {transform_indices = @transform_7, window_bounds = array<i64: 400, 128>}]} {
    %get3A = arith.constant 0 : index
    %get3A_0 = arith.constant 0 : index
    %get3A_1 = vector.load %arg3[%get3A, %get3A_0] : memref<400x128xf32, #tpu.memory_space<vmem>>, vector<400x128xf32>
    %slice3A = vector.extract_strided_slice %get3A_1 {offsets = [0, 16], sizes = [400, 1], strides = [1, 1]} : vector<400x128xf32> to vector<400x1xf32>
    %get3A_2 = arith.constant 0 : index
    %get3A_3 = arith.constant 0 : index
    %get3A_4 = vector.load %arg4[%get3A_2, %get3A_3] : memref<400x128xf32, #tpu.memory_space<vmem>>, vector<400x128xf32>
    %slice3A_5 = vector.extract_strided_slice %get3A_4 {offsets = [0, 16], sizes = [400, 1], strides = [1, 1]} : vector<400x128xf32> to vector<400x1xf32>
    %add3A = arith.addf %slice3A, %slice3A_5 : vector<400x1xf32>
    %max3A = arith.constant 1.000000e+00 : f32
    %max3A_6 = vector.broadcast %max3A : f32 to vector<400x1xf32>
    %max3A_7 = arith.maximumf %add3A, %max3A_6 : vector<400x1xf32>
    %rsqrt3A = math.rsqrt %max3A_7 : vector<400x1xf32>
    %get3A_8 = arith.constant 0 : index
    %get3A_9 = arith.constant 0 : index
    %get3A_10 = vector.load %arg3[%get3A_8, %get3A_9] : memref<400x128xf32, #tpu.memory_space<vmem>>, vector<400x128xf32>
    %slice3A_11 = vector.extract_strided_slice %get3A_10 {offsets = [0, 0], sizes = [400, 16], strides = [1, 1]} : vector<400x128xf32> to vector<400x16xf32>
    %get3A_12 = arith.constant 0 : index
    %get3A_13 = arith.constant 0 : index
    %get3A_14 = vector.load %arg4[%get3A_12, %get3A_13] : memref<400x128xf32, #tpu.memory_space<vmem>>, vector<400x128xf32>
    %slice3A_15 = vector.extract_strided_slice %get3A_14 {offsets = [0, 0], sizes = [400, 16], strides = [1, 1]} : vector<400x128xf32> to vector<400x16xf32>
    %add3A_16 = arith.addf %slice3A_11, %slice3A_15 : vector<400x16xf32>
    %get3A_17 = arith.constant 0 : index
    %get3A_18 = arith.constant 0 : index
    %get3A_19 = vector.load %arg5[%get3A_17, %get3A_18] : memref<16x128xf32, #tpu.memory_space<vmem>>, vector<16x128xf32>
    %dot_general3A = arith.constant dense<0.000000e+00> : vector<400x128xf32>
    %dot_general3A_20 = tpu.matmul %add3A_16, %get3A_19, %dot_general3A {dimension_numbers = #tpu.dot_dimension_numbers<[1], [0], [0], [1], [0, 0, 1, 1], [], []>, transpose_lhs_hint = false} : vector<400x16xf32>, vector<16x128xf32>, vector<400x128xf32> -> vector<400x128xf32>
    %get3A_21 = arith.constant 0 : index
    %get3A_22 = arith.constant 0 : index
    %get3A_23 = vector.load %arg1[%get3A_21, %get3A_22] : memref<400x128xf32, #tpu.memory_space<vmem>>, vector<400x128xf32>
    %get3A_24 = arith.constant 0 : index
    %get3A_25 = arith.constant 0 : index
    %get3A_26 = vector.load %arg2[%get3A_24, %get3A_25] : memref<400x128xf32, #tpu.memory_space<vmem>>, vector<400x128xf32>
    %add3A_27 = arith.addf %get3A_23, %get3A_26 : vector<400x128xf32>
    %mul3A = vector.broadcast %rsqrt3A : vector<400x1xf32> to vector<400x128xf32>
    %mul3A_28 = arith.mulf %add3A_27, %mul3A : vector<400x128xf32>
    %add3A_29 = arith.addf %mul3A_28, %dot_general3A_20 : vector<400x128xf32>
    %get3A_30 = arith.constant 0 : index
    %get3A_31 = arith.constant 0 : index
    %get3A_32 = vector.load %arg6[%get3A_30, %get3A_31] : memref<1x128xf32, #tpu.memory_space<vmem>>, vector<1x128xf32>
    %add3A_33 = vector.broadcast %get3A_32 : vector<1x128xf32> to vector<400x128xf32>
    %add3A_34 = arith.addf %add3A_29, %add3A_33 : vector<400x128xf32>
    %max3A_35 = arith.constant 0.000000e+00 : f32
    %max3A_36 = vector.broadcast %max3A_35 : f32 to vector<400x128xf32>
    %max3A_37 = arith.maximumf %add3A_34, %max3A_36 : vector<400x128xf32>
    %get3A_38 = arith.constant 0 : index
    %get3A_39 = arith.constant 0 : index
    %get3A_40 = vector.load %arg7[%get3A_38, %get3A_39] : memref<128x128xf32, #tpu.memory_space<vmem>>, vector<128x128xf32>
    %dot_general3A_41 = arith.constant dense<0.000000e+00> : vector<400x128xf32>
    %dot_general3A_42 = tpu.matmul %max3A_37, %get3A_40, %dot_general3A_41 {dimension_numbers = #tpu.dot_dimension_numbers<[1], [0], [0], [1], [0, 0, 1, 1], [], []>, transpose_lhs_hint = false} : vector<400x128xf32>, vector<128x128xf32>, vector<400x128xf32> -> vector<400x128xf32>
    %mul3A_43 = vector.broadcast %rsqrt3A : vector<400x1xf32> to vector<400x128xf32>
    %mul3A_44 = arith.mulf %dot_general3A_42, %mul3A_43 : vector<400x128xf32>
    %swap3A = arith.constant 0 : index
    %swap3A_45 = arith.constant 0 : index
    %swap3A_46 = vector.load %arg8[%swap3A, %swap3A_45] : memref<400x128xf32, #tpu.memory_space<vmem>>, vector<400x128xf32>
    tpu.vector_store %arg8[%swap3A, %swap3A_45], %mul3A_44 {strides = array<i32>} : memref<400x128xf32, #tpu.memory_space<vmem>>, vector<400x128xf32>,
    return
  }
  func.func @transform_0(%arg0: i32) -> (i32, i32) {
    %c0_i32 = arith.constant 0 : i32
    %c0_i32_0 = arith.constant 0 : i32
    return %arg0, %c0_i32 : i32, i32
  }
  func.func @transform_1(%arg0: i32) -> (i32, i32) {
    %add3A = arith.constant 25 : i32
    %add3A_0 = arith.addi %arg0, %add3A : i32
    %c0_i32 = arith.constant 0 : i32
    %c0_i32_1 = arith.constant 0 : i32
    return %add3A_0, %c0_i32 : i32, i32
  }
  func.func @transform_2(%arg0: i32) -> (i32, i32) {
    %c0_i32 = arith.constant 0 : i32
    %c0_i32_0 = arith.constant 0 : i32
    return %arg0, %c0_i32 : i32, i32
  }
  func.func @transform_3(%arg0: i32) -> (i32, i32) {
    %add3A = arith.constant 25 : i32
    %add3A_0 = arith.addi %arg0, %add3A : i32
    %c0_i32 = arith.constant 0 : i32
    %c0_i32_1 = arith.constant 0 : i32
    return %add3A_0, %c0_i32 : i32, i32
  }
  func.func @transform_4(%arg0: i32) -> (i32, i32) {
    %c0_i32 = arith.constant 0 : i32
    %c0_i32_0 = arith.constant 0 : i32
    %c0_i32_1 = arith.constant 0 : i32
    return %c0_i32, %c0_i32_0 : i32, i32
  }
  func.func @transform_5(%arg0: i32) -> (i32, i32) {
    %c0_i32 = arith.constant 0 : i32
    %c0_i32_0 = arith.constant 0 : i32
    %c0_i32_1 = arith.constant 0 : i32
    return %c0_i32, %c0_i32_0 : i32, i32
  }
  func.func @transform_6(%arg0: i32) -> (i32, i32) {
    %c0_i32 = arith.constant 0 : i32
    %c0_i32_0 = arith.constant 0 : i32
    %c0_i32_1 = arith.constant 0 : i32
    return %c0_i32, %c0_i32_0 : i32, i32
  }
  func.func @transform_7(%arg0: i32) -> (i32, i32) {
    %c0_i32 = arith.constant 0 : i32
    %c0_i32_0 = arith.constant 0 : i32
    return %arg0, %c0_i32 : i32, i32
  }
}

module attributes {stable_mosaic.version = 14 : i64} {
  func.func @_tc_pool_body(%arg0: i32, %arg1: memref<400x128xf32, #tpu.memory_space<vmem>>, %arg2: memref<400x128xf32, #tpu.memory_space<vmem>>, %arg3: memref<400x128xf32, #tpu.memory_space<vmem>>, %arg4: memref<400x128xf32, #tpu.memory_space<vmem>>, %arg5: memref<16x128xf32, #tpu.memory_space<vmem>>, %arg6: memref<1x128xf32, #tpu.memory_space<vmem>>, %arg7: memref<1x1x400xi32, #tpu.memory_space<smem>>, %arg8: memref<400x1xi32, #tpu.memory_space<vmem>>, %arg9: memref<128x256xf32, #tpu.memory_space<vmem>>, %arg10: memref<1x256xf32, #tpu.memory_space<vmem>>, %arg11: memref<256x2xf32, #tpu.memory_space<vmem>>, %arg12: memref<1x2xf32, #tpu.memory_space<vmem>>, %arg13: memref<128x128xf32, #tpu.memory_space<vmem>>, %arg14: memref<128x2xf32, #tpu.memory_space<vmem>>) attributes {dimension_semantics = [#tpu.dimension_semantics<arbitrary>], iteration_bounds = array<i64: 25>, scalar_prefetch = 0 : i64, scratch_operands = 0 : i64, tpu.core_type = #tpu.core_type<tc>, window_params = [{transform_indices = @transform_0, window_bounds = array<i64: 400, 128>}, {transform_indices = @transform_1, window_bounds = array<i64: 400, 128>}, {transform_indices = @transform_2, window_bounds = array<i64: 400, 128>}, {transform_indices = @transform_3, window_bounds = array<i64: 400, 128>}, {pipeline_mode = #tpu.pipeline_mode<synchronous>, transform_indices = @transform_4, window_bounds = array<i64: 16, 128>}, {pipeline_mode = #tpu.pipeline_mode<synchronous>, transform_indices = @transform_5, window_bounds = array<i64: 1, 128>}, {transform_indices = @transform_6, window_bounds = array<i64: 1, 1, 400>}, {transform_indices = @transform_7, window_bounds = array<i64: 400, 1>}, {pipeline_mode = #tpu.pipeline_mode<synchronous>, transform_indices = @transform_8, window_bounds = array<i64: 128, 256>}, {pipeline_mode = #tpu.pipeline_mode<synchronous>, transform_indices = @transform_9, window_bounds = array<i64: 1, 256>}, {pipeline_mode = #tpu.pipeline_mode<synchronous>, transform_indices = @transform_10, window_bounds = array<i64: 256, 2>}, {pipeline_mode = #tpu.pipeline_mode<synchronous>, transform_indices = @transform_11, window_bounds = array<i64: 1, 2>}, {pipeline_mode = #tpu.pipeline_mode<synchronous>, transform_indices = @transform_12, window_bounds = array<i64: 128, 128>}, {pipeline_mode = #tpu.pipeline_mode<synchronous>, transform_indices = @transform_13, window_bounds = array<i64: 128, 2>}]} {
    %get3A = arith.constant 0 : index
    %get3A_0 = arith.constant 0 : index
    %get3A_1 = vector.load %arg3[%get3A, %get3A_0] : memref<400x128xf32, #tpu.memory_space<vmem>>, vector<400x128xf32>
    %slice3A = vector.extract_strided_slice %get3A_1 {offsets = [0, 16], sizes = [400, 1], strides = [1, 1]} : vector<400x128xf32> to vector<400x1xf32>
    %get3A_2 = arith.constant 0 : index
    %get3A_3 = arith.constant 0 : index
    %get3A_4 = vector.load %arg4[%get3A_2, %get3A_3] : memref<400x128xf32, #tpu.memory_space<vmem>>, vector<400x128xf32>
    %slice3A_5 = vector.extract_strided_slice %get3A_4 {offsets = [0, 16], sizes = [400, 1], strides = [1, 1]} : vector<400x128xf32> to vector<400x1xf32>
    %add3A = arith.addf %slice3A, %slice3A_5 : vector<400x1xf32>
    %max3A = arith.constant 1.000000e+00 : f32
    %max3A_6 = vector.broadcast %max3A : f32 to vector<400x1xf32>
    %max3A_7 = arith.maximumf %add3A, %max3A_6 : vector<400x1xf32>
    %rsqrt3A = math.rsqrt %max3A_7 : vector<400x1xf32>
    %get3A_8 = arith.constant 0 : index
    %get3A_9 = arith.constant 0 : index
    %get3A_10 = vector.load %arg3[%get3A_8, %get3A_9] : memref<400x128xf32, #tpu.memory_space<vmem>>, vector<400x128xf32>
    %slice3A_11 = vector.extract_strided_slice %get3A_10 {offsets = [0, 0], sizes = [400, 16], strides = [1, 1]} : vector<400x128xf32> to vector<400x16xf32>
    %get3A_12 = arith.constant 0 : index
    %get3A_13 = arith.constant 0 : index
    %get3A_14 = vector.load %arg4[%get3A_12, %get3A_13] : memref<400x128xf32, #tpu.memory_space<vmem>>, vector<400x128xf32>
    %slice3A_15 = vector.extract_strided_slice %get3A_14 {offsets = [0, 0], sizes = [400, 16], strides = [1, 1]} : vector<400x128xf32> to vector<400x16xf32>
    %add3A_16 = arith.addf %slice3A_11, %slice3A_15 : vector<400x16xf32>
    %get3A_17 = arith.constant 0 : index
    %get3A_18 = arith.constant 0 : index
    %get3A_19 = vector.load %arg5[%get3A_17, %get3A_18] : memref<16x128xf32, #tpu.memory_space<vmem>>, vector<16x128xf32>
    %dot_general3A = arith.constant dense<0.000000e+00> : vector<400x128xf32>
    %dot_general3A_20 = tpu.matmul %add3A_16, %get3A_19, %dot_general3A {dimension_numbers = #tpu.dot_dimension_numbers<[1], [0], [0], [1], [0, 0, 1, 1], [], []>, transpose_lhs_hint = false} : vector<400x16xf32>, vector<16x128xf32>, vector<400x128xf32> -> vector<400x128xf32>
    %get3A_21 = arith.constant 0 : index
    %get3A_22 = arith.constant 0 : index
    %get3A_23 = vector.load %arg1[%get3A_21, %get3A_22] : memref<400x128xf32, #tpu.memory_space<vmem>>, vector<400x128xf32>
    %get3A_24 = arith.constant 0 : index
    %get3A_25 = arith.constant 0 : index
    %get3A_26 = vector.load %arg2[%get3A_24, %get3A_25] : memref<400x128xf32, #tpu.memory_space<vmem>>, vector<400x128xf32>
    %add3A_27 = arith.addf %get3A_23, %get3A_26 : vector<400x128xf32>
    %mul3A = vector.broadcast %rsqrt3A : vector<400x1xf32> to vector<400x128xf32>
    %mul3A_28 = arith.mulf %add3A_27, %mul3A : vector<400x128xf32>
    %add3A_29 = arith.addf %mul3A_28, %dot_general3A_20 : vector<400x128xf32>
    %get3A_30 = arith.constant 0 : index
    %get3A_31 = arith.constant 0 : index
    %get3A_32 = vector.load %arg6[%get3A_30, %get3A_31] : memref<1x128xf32, #tpu.memory_space<vmem>>, vector<1x128xf32>
    %add3A_33 = vector.broadcast %get3A_32 : vector<1x128xf32> to vector<400x128xf32>
    %add3A_34 = arith.addf %add3A_29, %add3A_33 : vector<400x128xf32>
    %max3A_35 = arith.constant 0.000000e+00 : f32
    %max3A_36 = vector.broadcast %max3A_35 : f32 to vector<400x128xf32>
    %max3A_37 = arith.maximumf %add3A_34, %max3A_36 : vector<400x128xf32>
    %eq3A = arith.constant 0 : i32
    %eq3A_38 = arith.cmpi eq, %arg0, %eq3A : i32
    %convert_element_type3A = arith.extui %eq3A_38 : i1 to i32
    %cond3A = arith.constant 0 : i32
    %cond3A_39 = arith.cmpi ne, %convert_element_type3A, %cond3A : i32
    scf.if %cond3A_39 {
      %broadcast_in_dim3A = arith.constant 0.000000e+00 : f32
      %broadcast_in_dim3A_66 = vector.broadcast %broadcast_in_dim3A : f32 to vector<128x128xf32>
      %swap3A = arith.constant 0 : index
      %swap3A_67 = arith.constant 0 : index
      %swap3A_68 = vector.load %arg13[%swap3A, %swap3A_67] : memref<128x128xf32, #tpu.memory_space<vmem>>, vector<128x128xf32>
      tpu.vector_store %arg13[%swap3A, %swap3A_67], %broadcast_in_dim3A_66 {strides = array<i32>} : memref<128x128xf32, #tpu.memory_space<vmem>>, vector<128x128xf32>,
    } else {
    }
    %get3A_40 = arith.constant 0 : index
    %get3A_41 = arith.constant 0 : index
    %get3A_42 = vector.load %arg8[%get3A_40, %get3A_41] : memref<400x1xi32, #tpu.memory_space<vmem>>, vector<400x1xi32>
    %get3A_43 = arith.constant 0 : index
    %get3A_44 = arith.constant 0 : index
    %get3A_45 = arith.constant 0 : index
    %get3A_46 = memref.load %arg7[%get3A_43, %get3A_44, %get3A_45] : memref<1x1x400xi32, #tpu.memory_space<smem>>
    %get3A_47 = arith.constant 0 : index
    %get3A_48 = arith.constant 0 : index
    %get3A_49 = arith.constant 399 : index
    %get3A_50 = memref.load %arg7[%get3A_47, %get3A_48, %get3A_49] : memref<1x1x400xi32, #tpu.memory_space<smem>>
    %add3A_51 = arith.constant 1 : i32
    %add3A_52 = arith.addi %get3A_50, %add3A_51 : i32
    %while3A = arith.constant 0 : i32
    %while3A_53 = arith.subi %add3A_52, %get3A_46 : i32
    %while3A_54 = arith.addi %get3A_46, %while3A_53 : i32
    %while3A_55 = arith.constant 1 : i32
    %while3A_56 = arith.divsi %while3A_53, %while3A_55 : i32
    %while3A_57 = arith.muli %while3A_56, %while3A_55 : i32
    %while3A_58 = arith.addi %get3A_46, %while3A_57 : i32
    %while3A_59 = arith.constant 1 : i32
    scf.for %while3A_66 = %get3A_46 to %while3A_58 step %while3A_59  : i32 {
      %eq3A_67 = vector.broadcast %while3A_66 : i32 to vector<400x1xi32>
      %eq3A_68 = arith.cmpi eq, %get3A_42, %eq3A_67 : vector<400x1xi32>
      %jit3A = arith.constant 0.000000e+00 : f32
      %broadcast_in_dim3A = vector.shape_cast %eq3A_68 : vector<400x1xi1> to vector<400x1xi1>
      %broadcast_in_dim3A_69 = vector.broadcast %broadcast_in_dim3A : vector<400x1xi1> to vector<400x128xi1>
      %broadcast_in_dim3A_70 = vector.broadcast %jit3A : f32 to vector<400x128xf32>
      %select_n3A = arith.select %broadcast_in_dim3A_69, %max3A_37, %broadcast_in_dim3A_70 : vector<400x128xi1>, vector<400x128xf32>
      %reduce_max3A = arith.constant dense<0xFF800000> : vector<128xf32>
      %reduce_max3A_71 = vector.multi_reduction <maximumf>, %select_n3A, %reduce_max3A [0] : vector<400x128xf32> to vector<128xf32>
      %broadcast_in_dim3A_72 = vector.shape_cast %reduce_max3A_71 : vector<128xf32> to vector<1x128xf32>
      %get3A_73 = arith.index_cast %while3A_66 : i32 to index
      %get3A_74 = arith.constant 0 : index
      %get3A_75 = vector.load %arg13[%get3A_73, %get3A_74] : memref<128x128xf32, #tpu.memory_space<vmem>>, vector<1x128xf32>
      %max3A_76 = arith.maximumf %get3A_75, %broadcast_in_dim3A_72 : vector<1x128xf32>
      %swap3A = arith.index_cast %while3A_66 : i32 to index
      %swap3A_77 = arith.constant 0 : index
      %swap3A_78 = vector.load %arg13[%swap3A, %swap3A_77] : memref<128x128xf32, #tpu.memory_space<vmem>>, vector<1x128xf32>
      tpu.vector_store %arg13[%swap3A, %swap3A_77], %max3A_76 {strides = array<i32>} : memref<128x128xf32, #tpu.memory_space<vmem>>, vector<1x128xf32>,
    }
    %while3A_60 = arith.constant 1 : i32
    scf.for %while3A_66 = %while3A_58 to %while3A_54 step %while3A_60  : i32 {
      %eq3A_67 = vector.broadcast %while3A_66 : i32 to vector<400x1xi32>
      %eq3A_68 = arith.cmpi eq, %get3A_42, %eq3A_67 : vector<400x1xi32>
      %jit3A = arith.constant 0.000000e+00 : f32
      %broadcast_in_dim3A = vector.shape_cast %eq3A_68 : vector<400x1xi1> to vector<400x1xi1>
      %broadcast_in_dim3A_69 = vector.broadcast %broadcast_in_dim3A : vector<400x1xi1> to vector<400x128xi1>
      %broadcast_in_dim3A_70 = vector.broadcast %jit3A : f32 to vector<400x128xf32>
      %select_n3A = arith.select %broadcast_in_dim3A_69, %max3A_37, %broadcast_in_dim3A_70 : vector<400x128xi1>, vector<400x128xf32>
      %reduce_max3A = arith.constant dense<0xFF800000> : vector<128xf32>
      %reduce_max3A_71 = vector.multi_reduction <maximumf>, %select_n3A, %reduce_max3A [0] : vector<400x128xf32> to vector<128xf32>
      %broadcast_in_dim3A_72 = vector.shape_cast %reduce_max3A_71 : vector<128xf32> to vector<1x128xf32>
      %get3A_73 = arith.index_cast %while3A_66 : i32 to index
      %get3A_74 = arith.constant 0 : index
      %get3A_75 = vector.load %arg13[%get3A_73, %get3A_74] : memref<128x128xf32, #tpu.memory_space<vmem>>, vector<1x128xf32>
      %max3A_76 = arith.maximumf %get3A_75, %broadcast_in_dim3A_72 : vector<1x128xf32>
      %swap3A = arith.index_cast %while3A_66 : i32 to index
      %swap3A_77 = arith.constant 0 : index
      %swap3A_78 = vector.load %arg13[%swap3A, %swap3A_77] : memref<128x128xf32, #tpu.memory_space<vmem>>, vector<1x128xf32>
      tpu.vector_store %arg13[%swap3A, %swap3A_77], %max3A_76 {strides = array<i32>} : memref<128x128xf32, #tpu.memory_space<vmem>>, vector<1x128xf32>,
    }
    %eq3A_61 = arith.constant 24 : i32
    %eq3A_62 = arith.cmpi eq, %arg0, %eq3A_61 : i32
    %convert_element_type3A_63 = arith.extui %eq3A_62 : i1 to i32
    %cond3A_64 = arith.constant 0 : i32
    %cond3A_65 = arith.cmpi ne, %convert_element_type3A_63, %cond3A_64 : i32
    scf.if %cond3A_65 {
      %get3A_66 = arith.constant 0 : index
      %get3A_67 = arith.constant 0 : index
      %get3A_68 = vector.load %arg13[%get3A_66, %get3A_67] : memref<128x128xf32, #tpu.memory_space<vmem>>, vector<128x128xf32>
      %get3A_69 = arith.constant 0 : index
      %get3A_70 = arith.constant 0 : index
      %get3A_71 = vector.load %arg9[%get3A_69, %get3A_70] : memref<128x256xf32, #tpu.memory_space<vmem>>, vector<128x256xf32>
      %dot_general3A_72 = arith.constant dense<0.000000e+00> : vector<128x256xf32>
      %dot_general3A_73 = tpu.matmul %get3A_68, %get3A_71, %dot_general3A_72 {dimension_numbers = #tpu.dot_dimension_numbers<[1], [0], [0], [1], [0, 0, 1, 1], [], []>, transpose_lhs_hint = false} : vector<128x128xf32>, vector<128x256xf32>, vector<128x256xf32> -> vector<128x256xf32>
      %get3A_74 = arith.constant 0 : index
      %get3A_75 = arith.constant 0 : index
      %get3A_76 = vector.load %arg10[%get3A_74, %get3A_75] : memref<1x256xf32, #tpu.memory_space<vmem>>, vector<1x256xf32>
      %add3A_77 = vector.broadcast %get3A_76 : vector<1x256xf32> to vector<128x256xf32>
      %add3A_78 = arith.addf %dot_general3A_73, %add3A_77 : vector<128x256xf32>
      %max3A_79 = arith.constant 0.000000e+00 : f32
      %max3A_80 = vector.broadcast %max3A_79 : f32 to vector<128x256xf32>
      %max3A_81 = arith.maximumf %add3A_78, %max3A_80 : vector<128x256xf32>
      %get3A_82 = arith.constant 0 : index
      %get3A_83 = arith.constant 0 : index
      %get3A_84 = vector.load %arg11[%get3A_82, %get3A_83] : memref<256x2xf32, #tpu.memory_space<vmem>>, vector<256x2xf32>
      %dot_general3A_85 = arith.constant dense<0.000000e+00> : vector<128x2xf32>
      %dot_general3A_86 = tpu.matmul %max3A_81, %get3A_84, %dot_general3A_85 {dimension_numbers = #tpu.dot_dimension_numbers<[1], [0], [0], [1], [0, 0, 1, 1], [], []>, transpose_lhs_hint = false} : vector<128x256xf32>, vector<256x2xf32>, vector<128x2xf32> -> vector<128x2xf32>
      %get3A_87 = arith.constant 0 : index
      %get3A_88 = arith.constant 0 : index
      %get3A_89 = vector.load %arg12[%get3A_87, %get3A_88] : memref<1x2xf32, #tpu.memory_space<vmem>>, vector<1x2xf32>
      %add3A_90 = vector.broadcast %get3A_89 : vector<1x2xf32> to vector<128x2xf32>
      %add3A_91 = arith.addf %dot_general3A_86, %add3A_90 : vector<128x2xf32>
      %swap3A = arith.constant 0 : index
      %swap3A_92 = arith.constant 0 : index
      %swap3A_93 = vector.load %arg14[%swap3A, %swap3A_92] : memref<128x2xf32, #tpu.memory_space<vmem>>, vector<128x2xf32>
      tpu.vector_store %arg14[%swap3A, %swap3A_92], %add3A_91 {strides = array<i32>} : memref<128x2xf32, #tpu.memory_space<vmem>>, vector<128x2xf32>,
    } else {
    }
    return
  }
  func.func @transform_0(%arg0: i32) -> (i32, i32) {
    %c0_i32 = arith.constant 0 : i32
    %c0_i32_0 = arith.constant 0 : i32
    return %arg0, %c0_i32 : i32, i32
  }
  func.func @transform_1(%arg0: i32) -> (i32, i32) {
    %add3A = arith.constant 25 : i32
    %add3A_0 = arith.addi %arg0, %add3A : i32
    %c0_i32 = arith.constant 0 : i32
    %c0_i32_1 = arith.constant 0 : i32
    return %add3A_0, %c0_i32 : i32, i32
  }
  func.func @transform_2(%arg0: i32) -> (i32, i32) {
    %c0_i32 = arith.constant 0 : i32
    %c0_i32_0 = arith.constant 0 : i32
    return %arg0, %c0_i32 : i32, i32
  }
  func.func @transform_3(%arg0: i32) -> (i32, i32) {
    %add3A = arith.constant 25 : i32
    %add3A_0 = arith.addi %arg0, %add3A : i32
    %c0_i32 = arith.constant 0 : i32
    %c0_i32_1 = arith.constant 0 : i32
    return %add3A_0, %c0_i32 : i32, i32
  }
  func.func @transform_4(%arg0: i32) -> (i32, i32) {
    %c0_i32 = arith.constant 0 : i32
    %c0_i32_0 = arith.constant 0 : i32
    %c0_i32_1 = arith.constant 0 : i32
    return %c0_i32, %c0_i32_0 : i32, i32
  }
  func.func @transform_5(%arg0: i32) -> (i32, i32) {
    %c0_i32 = arith.constant 0 : i32
    %c0_i32_0 = arith.constant 0 : i32
    %c0_i32_1 = arith.constant 0 : i32
    return %c0_i32, %c0_i32_0 : i32, i32
  }
  func.func @transform_6(%arg0: i32) -> (i32, i32, i32) {
    %c0_i32 = arith.constant 0 : i32
    %c0_i32_0 = arith.constant 0 : i32
    %c0_i32_1 = arith.constant 0 : i32
    return %arg0, %c0_i32, %c0_i32_0 : i32, i32, i32
  }
  func.func @transform_7(%arg0: i32) -> (i32, i32) {
    %c0_i32 = arith.constant 0 : i32
    %c0_i32_0 = arith.constant 0 : i32
    return %arg0, %c0_i32 : i32, i32
  }
  func.func @transform_8(%arg0: i32) -> (i32, i32) {
    %c0_i32 = arith.constant 0 : i32
    %c0_i32_0 = arith.constant 0 : i32
    %c0_i32_1 = arith.constant 0 : i32
    return %c0_i32, %c0_i32_0 : i32, i32
  }
  func.func @transform_9(%arg0: i32) -> (i32, i32) {
    %c0_i32 = arith.constant 0 : i32
    %c0_i32_0 = arith.constant 0 : i32
    %c0_i32_1 = arith.constant 0 : i32
    return %c0_i32, %c0_i32_0 : i32, i32
  }
  func.func @transform_10(%arg0: i32) -> (i32, i32) {
    %c0_i32 = arith.constant 0 : i32
    %c0_i32_0 = arith.constant 0 : i32
    %c0_i32_1 = arith.constant 0 : i32
    return %c0_i32, %c0_i32_0 : i32, i32
  }
  func.func @transform_11(%arg0: i32) -> (i32, i32) {
    %c0_i32 = arith.constant 0 : i32
    %c0_i32_0 = arith.constant 0 : i32
    %c0_i32_1 = arith.constant 0 : i32
    return %c0_i32, %c0_i32_0 : i32, i32
  }
  func.func @transform_12(%arg0: i32) -> (i32, i32) {
    %c0_i32 = arith.constant 0 : i32
    %c0_i32_0 = arith.constant 0 : i32
    %c0_i32_1 = arith.constant 0 : i32
    return %c0_i32, %c0_i32_0 : i32, i32
  }
  func.func @transform_13(%arg0: i32) -> (i32, i32) {
    %c0_i32 = arith.constant 0 : i32
    %c0_i32_0 = arith.constant 0 : i32
    %c0_i32_1 = arith.constant 0 : i32
    return %c0_i32, %c0_i32_0 : i32, i32
  }
}

</mosaic_0001>

<sc_bundles>
// kernel: kernel.10.cloned.1.call-start
scs
__scs_entry_jumppad:
0x0: {  	(pc) =	sbr.rel $0x88, $3  }
0x1: {  	(tag) =	ssettag $0x0;
	lr =	simm.s32 $0x1  }
0x2: {  	[smem:$0x3F92] =	sst lr;
	_ =	strace $0xD0000000  }
0x3: {  	_ = 	snop  }
0x4: {  	_ = 	snop  }
0x5: {  	_ = 	snop  }
0x6: {  	_ = 	snop  }
0x7: {  	_ = 	snop  }
__scs_overlays_trampoline_lowered:
0x8: {  	[smem:$0x3FA1] =	sst s0  }
0x9: {  	[smem:$0x3FA2] =	sst s1  }
0xa: {  	[smem:$0x3FA3] =	sst s2  }
0xb: {  	[smem:$0x3FA4] =	sst s3  }
0xc: {  	[smem:$0x3FA5] =	sst s4  }
0xd: {  	[smem:$0x3FA6] =	sst s5  }
0xe: {  	[smem:$0x3FA7] =	sst s6  }
0xf: {  	[smem:$0x3FA8] =	sst s7  }
0x10: {  	[smem:$0x3FA9] =	sst s8  }
0x11: {  	[smem:$0x3FAA] =	sst s9;
	s0 =	simm.s32 @!p0 $0x0  }
0x12: {  	s1 =	sld [smem:$0x3F90];
	s0 =	simm.s32 @p0 $0x1  }
0x13: {  	[smem:$0x3FAB] =	sst s0;
	s0 =	simm.s32 @!p1 $0x0  }
0x14: {  	s2 =	sld [smem:$0x3F8F];
	s0 =	simm.s32 @p1 $0x1  }
0x15: {  	[smem:$0x3FAC] =	sst s0;
	s0 =	simm.s32 @!p2 $0x0  }
0x16: {  	s3 =	sld [smem:$0x3FDB];
	s0 =	simm.s32 @p2 $0x1  }
0x17: {  	s4 =	simm.s32 $0x1BF5;
	[smem:$0x3FAE] =	sst s0  }
0x18: {  	s0 =	sld [smem:$0x3F91];
	_ =	swait.ge [sflag:s4], $0x0  }
0x19: {  	s7 =	sld [smem:$0x3F92]  }
0x1a: {  	s8 =	sadd.s32 $0xFFFFE003, lr  }
0x1b: {  	s9 =	sadd.s32 $0xFFFFFEF7, lr;
	s5 =	simm.s32 $0xFFFFFFFF;
	p2 =	slt.u32 s8, $0xFFFFF086  }
0x1c: {  	p1 =	slt.u32 s9, $0xF7A;
	s5 =	simm.s32 @!p2 $0x0  }
0x1d: {  	s5 =	simm.s32 @p1 $0x1;
	p0 =	seq.s32 s7, s2  }
0x1e: {  	s7 =	smul.u32 @!p0 $0xF7A, s2;
	p2 =	seq.s32 @!p0 s5, $0x0  }
0x1f: {  	s9 =	smul.u32 $0xF7A, s1;
	s8 =	simm.s32 @!p0 $0x1BF5;
	p2 =	por !p2, p0  }
0x20: {  	[sflag:s8] =	ssyncset.s32 @!p0 $0xFFFFF086;
	s6 =	sadd.s32 @!p0 s3, s7;
	s7 =	simm.s32 @!p0 $0x108  }
0x21: {  	s3 =	sadd.s32 s3, s9;
	s6 =	sadd.s32 @!p0 $0x88, s6;
	s7 =	simm.s32 @p2 $0x1082  }
0x22: {  	[simem:s7], [sflag:s8] =	dma.local @!p0 [hbm:s6], $0xF7A  }
0x23: {  	s9 =	sor.u32 $0xD0000000, s2;
	s6 =	simm.s32 $0x108;
	_ =	swait.ge @!p0 [sflag:s8], $0x0  }
0x24: {  	s3 =	sadd.s32 $0x88, s3;
	s6 =	simm.s32 @!p1 $0x1082;
	[sflag:s4] =	ssyncset.s32 $0xFFFFF086  }
0x25: {  	[simem:s6], [sflag:s4] =	dma.local [hbm:s3], $0xF7A  }
0x26: {  	[smem:$0x3F92] =	sst s1;
	(tag) =	ssettag s2;
	_ =	strace s9  }
0x27: {  	s1 =	sld [smem:$0x3FA2]  }
0x28: {  	s2 =	sld [smem:$0x3FA3]  }
0x29: {  	s4 =	sld [smem:$0x3FA5]  }
0x2a: {  	p0 =	seq.s32 s5, $0x0;
	s5 =	sld [smem:$0x3FA6]  }
0x2b: {  	s6 =	sld [smem:$0x3FA7]  }
0x2c: {  	s7 =	sld [smem:$0x3FA8]  }
0x2d: {  	s3 =	simm.s32 $0x108;
	s8 =	sld [smem:$0x3FA9]  }
0x2e: {  	s3 =	simm.s32 @!p0 $0x1082;
	s9 =	sld [smem:$0x3FAA]  }
0x2f: {  	lr =	sadd.s32 s0, s3;
	s0 =	sld [smem:$0x3FA1]  }
0x30: {  	s3 =	sld [smem:$0x3FA4]  }
0x31: {  	[smem:$0x3FAD] =	sst s10  }
0x32: {  	s10 =	sld [smem:$0x3FAB];
	_ =	sdelay $0x3  }
0x33: {  	p0 =	seq.s32 s10, $0x1;
	s10 =	sld [smem:$0x3FAD];
	_ =	sdelay $0x3  }
0x34: {  	[smem:$0x3FAD] =	sst s10  }
0x35: {  	s10 =	sld [smem:$0x3FAC];
	_ =	sdelay $0x3  }
0x36: {  	p1 =	seq.s32 s10, $0x1;
	s10 =	sld [smem:$0x3FAD];
	_ =	sdelay $0x3  }
0x37: {  	[smem:$0x3FAD] =	sst s10  }
0x38: {  	s10 =	sld [smem:$0x3FAE]  }
0x39: {  	_ = 	snop;
	(pc) =	sbr.ind lr, $3  }
0x3a: {  	_ = 	snop  }
0x3b: {  	_ = 	snop  }
0x3c: {  	p2 =	seq.s32 s10, $0x1;
	s10 =	sld [smem:$0x3FAD]  }
0x3d: {  	_ =	shalt  }
0x3e: {  	_ =	shalt  }
0x3f: {  	_ =	shalt  }
0x40: {  	_ =	shalt  }
0x41: {  	_ =	shalt  }
0x42: {  	_ =	shalt  }
0x43: {  	_ =	shalt  }
0x44: {  	_ =	shalt  }
0x45: {  	_ =	shalt  }
0x46: {  	_ =	shalt  }
0x47: {  	_ =	shalt  }
0x48: {  	_ =	shalt  }
0x49: {  	_ =	shalt  }
0x4a: {  	_ =	shalt  }
0x4b: {  	_ =	shalt  }
0x4c: {  	_ =	shalt  }
0x4d: {  	_ =	shalt  }
0x4e: {  	_ =	shalt  }
0x4f: {  	_ =	shalt  }
0x50: {  	_ =	shalt  }
0x51: {  	_ =	shalt  }
0x52: {  	_ =	shalt  }
0x53: {  	_ =	shalt  }
0x54: {  	_ =	shalt  }
0x55: {  	_ =	shalt  }
0x56: {  	_ =	shalt  }
0x57: {  	_ =	shalt  }
0x58: {  	_ =	shalt  }
0x59: {  	_ =	shalt  }
0x5a: {  	_ =	shalt  }
0x5b: {  	_ =	shalt  }
0x5c: {  	_ =	shalt  }
0x5d: {  	_ =	shalt  }
0x5e: {  	_ =	shalt  }
0x5f: {  	_ =	shalt  }
0x60: {  	_ =	shalt  }
0x61: {  	_ =	shalt  }
0x62: {  	_ =	shalt  }
0x63: {  	_ =	shalt  }
0x64: {  	_ =	shalt  }
0x65: {  	_ =	shalt  }
0x66: {  	_ =	shalt  }
0x67: {  	_ =	shalt  }
0x68: {  	_ =	shalt  }
0x69: {  	_ =	shalt  }
0x6a: {  	_ =	shalt  }
0x6b: {  	_ =	shalt  }
0x6c: {  	_ =	shalt  }
0x6d: {  	_ =	shalt  }
0x6e: {  	_ =	shalt  }
0x6f: {  	_ =	shalt  }
0x70: {  	_ =	shalt  }
0x71: {  	_ =	shalt  }
0x72: {  	_ =	shalt  }
0x73: {  	_ =	shalt  }
0x74: {  	_ =	shalt  }
0x75: {  	_ =	shalt  }
0x76: {  	_ =	shalt  }
0x77: {  	_ =	shalt  }
0x78: {  	_ =	shalt  }
0x79: {  	_ =	shalt  }
0x7a: {  	_ =	shalt  }
0x7b: {  	_ =	shalt  }
0x7c: {  	_ =	shalt  }
0x7d: {  	_ =	shalt  }
0x7e: {  	_ =	shalt  }
0x7f: {  	_ =	shalt  }
0x80: {  	_ =	shalt  }
0x81: {  	_ =	shalt  }
0x82: {  	_ =	shalt  }
0x83: {  	_ =	shalt  }
0x84: {  	_ =	shalt  }
0x85: {  	_ =	shalt  }
0x86: {  	_ =	shalt  }
0x87: {  	_ =	shalt  }
.Lfunc_end0:
.L_simem_size_0:
called_computation_lowered:
.L_overlay_start_0:
0x88: {  	s2 =	sld [smem:$0x3FD9]  }
0x89: {  	s3 =	sld [smem:$0x3FFE];
	_ =	sdelay $0x1  }
0x8a: {  	s1 =	srdreg.scid  }
0x8b: {  	s0 =	sand.u32 $0x1, s1  }
0x8c: {  	s16 =	sshll.u32 s0, $0xA;
	s2 =	sadd.s32 s3, s2  }
0x8d: {  	s2 =	sadd.s32 s2, s16  }
0x8e: {  	[smem:$0x3FB9] =	sst s2  }
0x8f: {  	_ = 	snop  }
0x90: {  	(tm) =	ssettm $0x1  }
0x91: {  	s17 =	sld [smem:$0x3FFB];
	_ =	sdelay $0x3  }
0x92: {  	_ =	strace s17  }
0x93: {  	s2 =	sld [smem:$0x3FFC];
	_ =	sdelay $0x3  }
0x94: {  	_ =	strace s2  }
0x95: {  	s2 =	sld [smem:$0x3FFD];
	_ =	sdelay $0x3  }
0x96: {  	_ =	strace s2  }
0x97: {  	_ =	strace $0x8FFFFFFF  }
0x98: {  	s18 =	sld [smem:$0x3FDB];
	_ =	sdelay $0x1  }
0x99: {  	s19 =	simm.s32 $_scs_section_size  }
0x9a: {  	s4 =	simm.s32 $_size__tile_overlayer_lowered;
	s5 =	simm.s32 $_tile_overlayer_lowered  }
0x9b: {  	s22 =	simm.s32 $0x1BFF;
	s21 =	sshll.u32 s5, $0x1;
	s2 =	sadd.s32 s19, s18  }
0x9c: {  	s6 =	simm.s32 $0x0;
	s20 =	sshll.u32 s4, $0x1;
	s4 =	sadd.s32 s21, s2  }
0x9d: {  	[timem:s6], [sflag:s22] =	dma.local [hbm:s4], s20  }
0x9e: {  	_ =	swait.ge [sflag:s22], s20  }
0x9f: {  	s3 =	ssub.s32 $0x0, s20;
	[sflag:s22] =	ssyncset.done $0x0  }
0xa0: {  	[sflag:s22] =	ssyncadd.s32 s3;
	_ =	sdelay $0x1  }
0xa1: {  	s23 =	simm.s32 $0x1B8B  }
0xa2: {  	_ =	swait.ge [sflag:s23], $0x1  }
0xa3: {  	[sflag:s23] =	ssyncset.done $0x0  }
0xa4: {  	s25 =	simm.s32 $0x1B8E;
	s24 =	sld [smem:$0x3FFE];
	[sflag:s23] =	ssyncadd.s32 $0xFFFFFFFF  }
0xa5: {  	s26 =	simm.s32 $execute0_lowered;
	[smem:$0x3FD2] =	sst s25  }
0xa6: {  	s4 =	sshll.u32 s26, $0x1;
	_ =	strace $0x80000046;
	[dreg:$0x1] =	wrdreg $0xFFFFFFFF  }
0xa7: {  	s28 =	simm.s32 $_size_execute0_lowered;
	s2 =	sadd.s32 s2, s4;
	[dreg:$0x0] =	wrdreg $0x0  }
0xa8: {  	s4 =	sshll.u32 s28, $0x1;
	[dreg:$0x2] =	wrdreg s2  }
0xa9: {  	[dreg:$0x3] =	wrdreg s4  }
0xaa: {  	[dreg:$0x4] =	wrdreg $0xC0  }
0xab: {  	_ =	task [dreg:s6], $0x5FFFF  }
0xac: {  	[dreg:$0x1] =	wrdreg $0xFFFFFFFF  }
0xad: {  	[dreg:$0x0] =	wrdreg $0x60  }
0xae: {  	[dreg:$0x2] =	wrdreg s24  }
0xaf: {  	[dreg:$0x3] =	wrdreg $0x79800  }
0xb0: {  	[dreg:$0x4] =	wrdreg $0x9  }
0xb1: {  	_ =	task.clear_ibuf [dreg:s6], $0x5FFFF;
	_ =	strace $0x90000046  }
0xb2: {  	s29 =	simm.s32 $0x9;
	_ =	strace $0x80000048  }
0xb3: {  	_ =	swait.ge [sflag:s29], $0x1  }
0xb4: {  	[sflag:s29] =	ssyncadd.s32 $0xFFFFFFFF  }
0xb5: {  	_ =	strace $0x90000048  }
0xb6: {  	_ =	sfence  }
0xb7: {  	s30 =	sld [smem:$0x0];
	_ =	sdelay $0x2  }
0xb8: {  	s31 =	sshll.u32 s1, $0xD;
	s1 =	sshrl.u32 s1, $0x2  }
0xb9: {  	s3 =	sand.u32 $0x4000, s31;
	s1 =	sadd.s32 s1, s30  }
0xba: {  	s0 =	sor.u32 s3, s0;
	s1 =	sshll.u32 s1, $0x11  }
0xbb: {  	s0 =	sor.u32 s1, s0  }
0xbc: {  	s0 =	sadd.s32 $0x8F2B, s0  }
0xbd: {  	[sflag:s0] =	ssyncadd.remote.s32 $0x1  }
0xbe: {  	_ =	sfence.sel $0xFFFF  }
0xbf: {  	[dreg:$0x0] =	wrdreg $0xFFFFFFFF;
	(pc) =	sbr.abs _section_cstart, $3  }
0xc0: {  	[dreg:$0x1] =	wrdreg $0xFFFFFFFF  }
0xc1: {  	_ =	task.clear_ibuf [dreg:s6], $0x2FFFF;
	_ =	strace $0x9FFFFFFF  }
0xc2: {  	(tm) =	ssettm $0x7FFFFFFF  }
0xc3: {  	_ =	shalt  }
tec
execute0_lowered:
.L_overlay_start_1:
0x0: {  	(tag) =	ssettag $0x1  }
0x1: {  	s0 =	rddreg [dreg:$0x0]  }
0x2: {  	s1 =	rddreg [dreg:$0x1];
	s2 =	simm.s32 $0x0  }
0x3: {  	s6 =	srdreg.scid;
	s14 =	stileid.u32;
	s28 =	simm.s32 $0x100  }
0x4: {  	s29 =	simm.s32 $0x1;
	s30 =	simm.s32 $0x4;
	s31 =	simm.s32 $0x50  }
0x5: {  	[smem:$0x7FF] =	sst s2;
	s3 =	sadd.s32 $0x4F9000, s0;
	s4 =	sadd.s32 $0x4EF200, s0  }
0x6: {  	s5 =	sadd.s32 $0x3400, s0;
	s0 =	sadd.s32 $0x5C00, s0;
	s9 =	smul.u32 $0x4E000, s14  }
0x7: {  	s6 =	sand.u32 $0x1, s6;
	s11 =	smul.u32 $0x2700, s14;
	s18 =	sshll.u32 s14, $0x6  }
0x8: {  	s12 =	sadd.s32 $0x138000, s1;
	s15 =	smul.u32 $0x2710, s14;
	p0 =	sne.s32 s14, $0xF  }
0x9: {  	_ =	strace $0x80000047;
	s7 =	ssub.s32 $0x2, s6;
	s24 =	smul.u32 $0x138800, s6  }
0xa: {  	s8 =	sshll.u32 s6, $0x4;
	[dreg:$0x4] =	wrdreg s12;
	s26 =	smul.u32 $0x27100, s6  }
0xb: {  	s10 =	sshrl.u32 s7, $0x1;
	s8 =	sor.u32 s14, s8;
	s16 =	sshrl.u32 s9, $0x2  }
0xc: {  	s10 =	ssub.s32 s7, s10;
	s17 =	smul.u32 $0x2710, s8;
	s7 =	sadd.s32 s16, s1  }
0xd: {  	s8 =	smul.u32 $0x27100, s8;
	s9 =	sshrl.u32 s24, $0x3;
	[dreg:$0x3] =	wrdreg s7  }
0xe: {  	s7 =	sor.u32 $0x1C0A, s18;
	s18 =	smax.u32 s10, $0x1;
	s10 =	simm.s32 $0x8  }
0xf: {  	s19 =	sadd.s32 $0x50, s17;
	s8 =	sadd.s32 s3, s8;
	s20 =	sshrl.u32 s17, $0x3  }
0x10: {  	s23 =	sadd.s32 $0xA0, s17;
	s17 =	smul.u32 $0x271000, s6;
	[dreg:$0xd] =	wrdreg s18  }
0x11: {  	s6 =	simm.s32 $0x3;
	[dreg:$0x5] =	wrdreg s8;
	s13 =	sshll.u32 s19, $0x4  }
0x12: {  	s8 =	sadd.s32 s4, s20;
	s22 =	sshrl.u32 s19, $0x3;
	s25 =	sshll.u32 s23, $0x4  }
0x13: {  	s19 =	smul.u32 $0x27100, s14;
	[dreg:$0x6] =	wrdreg s8;
	s21 =	sadd.s32 s3, s13  }
0x14: {  	s20 =	sadd.s32 s15, s26;
	s8 =	sadd.s32 s4, s22;
	[dreg:$0x7] =	wrdreg s21  }
0x15: {  	s12 =	sadd.s32 s3, s25;
	s22 =	sadd.s32 $0x140, s20;
	[dreg:$0x8] =	wrdreg s8  }
0x16: {  	s8 =	sshrl.u32 s23, $0x3;
	[dreg:$0x9] =	wrdreg s12;
	s12 =	sadd.s32 s11, s26  }
0x17: {  	s21 =	sadd.s32 $0x190, s20;
	s24 =	sshrl.u32 s22, $0x3;
	s26 =	sadd.s32 $0xF0, s20  }
0x18: {  	s22 =	simm.s32 $0xA;
	s11 =	simm.s32 $0x9;
	s8 =	sadd.s32 s4, s8  }
0x19: {  	s23 =	sshrl.u32 s21, $0x3;
	s25 =	sadd.s32 s24, s4;
	[dreg:$0x10] =	wrdreg s26  }
0x1a: {  	s24 =	simm.s32 $0x2980;
	s26 =	simm.s32 $0x5180;
	[dreg:$0xa] =	wrdreg s8  }
0x1b: {  	s8 =	sadd.s32 s0, s9;
	s0 =	sadd.s32 s0, s12;
	[dreg:$0xf] =	wrdreg s25  }
.Ltmp0:
0x1c: {  	s25 =	simm.s32 $0x80;
	s9 =	simm.s32 $0x7;
	(pc) =	sbr.rel .LBB2_1-.Ltmp0, $4  }
0x1d: {  	s12 =	simm.s32 $0x0;
	[dreg:$0xb] =	wrdreg s0;
	s16 =	sadd.s32 $0x27000, s8  }
0x1e: {  	s0 =	sadd.s32 s17, s3;
	s3 =	simm.s32 $0x5;
	s8 =	simm.s32 $0x6  }
0x1f: {  	[dreg:$0xc] =	wrdreg s16;
	s18 =	sadd.s32 s19, s0;
	s0 =	sadd.s32 s23, s4  }
0x20: {  	s23 =	simm.s32 $0x180;
	[dreg:$0xe] =	wrdreg s0;
	s0 =	simm.s32 $0x2  }
.LBB2_4:
0x21: {  	_ =	swait.ge [sflag:s29], $0x2800  }
0x22: {  	[sflag:s29] =	ssyncset.done $0x0  }
0x23: {  	[sflag:s29] =	ssyncadd.s32 $0xFFFFD800  }
0x24: {  	_ =	swait.ge [sflag:s30], $0x50  }
0x25: {  	[sflag:s30] =	ssyncset.done $0x0  }
0x26: {  	[sflag:s30] =	ssyncadd.s32 $0xFFFFFFB0  }
0x27: {  	[spmem:s1] =	stream.indirect.scatter.add.f32 [tilespmem:s23], [sflag:$0x7], $0x80, s2, s31, $0xb8;
	[tilespmem:$0x1B200] =	vst v63  }
0x28: {  	_ =	swait.ge [sflag:s9], $0x2800  }
0x29: {  	[sflag:s9] =	ssyncset.done $0x0  }
0x2a: {  	[sflag:s9] =	ssyncadd.s32 $0xFFFFD800  }
0x2b: {  	_ =	swait.ge [sflag:s0], $0x2800  }
0x2c: {  	[sflag:s0] =	ssyncset.done $0x0  }
0x2d: {  	[sflag:s0] =	ssyncadd.s32 $0xFFFFD800  }
0x2e: {  	_ =	swait.ge [sflag:s3], $0x50  }
0x2f: {  	[sflag:s3] =	ssyncset.done $0x0  }
0x30: {  	[sflag:s3] =	ssyncadd.s32 $0xFFFFFFB0  }
0x31: {  	[spmem:s1] =	stream.indirect.scatter.add.f32 [tilespmem:s24], [sflag:$0x8], $0x80, s25, s31, $0xb8;
	[tilespmem:$0x1B200] =	vst v63  }
0x32: {  	_ =	swait.ge [sflag:s10], $0x2800  }
0x33: {  	[sflag:s10] =	ssyncset.done $0x0  }
0x34: {  	[sflag:s10] =	ssyncadd.s32 $0xFFFFD800  }
0x35: {  	[bflag:$0x0] =	sbarrier.arrive $0xFFFF  }
0x36: {  	s15 =	rddreg [dreg:$0xb]  }
0x37: {  	[hbm:s15], [sflag:s7] =	dma.local [spmem:s13], $0x2700  }
0x38: {  	_ =	swait.ge [sflag:s22], $0x2700  }
0x39: {  	[sflag:s22] =	ssyncset.done $0x0  }
0x3a: {  	s13 =	rddreg [dreg:$0xc];
	[sflag:s22] =	ssyncadd.s32 $0xFFFFD900  }
0x3b: {  	[hbm:s13], [sflag:s7] =	dma.local @!p0 [spmem:s14], $0x100  }
0x3c: {  	s13 =	simm.s32 @!p0 $0xA  }
0x3d: {  	_ =	swait.ge @!p0 [sflag:s13], $0x100  }
0x3e: {  	s12 =	sadd.s32 $0x1, s12;
	s21 =	rddreg [dreg:$0xd]  }
0x3f: {  	p1 =	sne.s32 s12, s21  }
.Ltmp1:
0x40: {  	_ = 	snop;
	(pc) =	sbr.rel @!p1 .LBB2_5-.Ltmp1, $3  }
0x41: {  	_ =	sdelay $0x1  }
0x42: {  	[sflag:s13] =	ssyncset.done @!p0 $0x0  }
0x43: {  	[sflag:s13] =	ssyncadd.s32 @!p0 $0xFFFFFF00  }
.LBB2_1:
0x44: {  	s13 =	rddreg [dreg:$0x3]  }
0x45: {  	s13 =	sshrl.u32 s13, $0x3  }
0x46: {  	[spmem:s13], [sflag:s7] =	dma.local [hbm:s5], $0x2700  }
0x47: {  	_ =	swait.ge [sflag:s22], $0x2700  }
0x48: {  	[sflag:s22] =	ssyncset.done $0x0;
	s14 =	rddreg [dreg:$0x4]  }
0x49: {  	s16 =	simm.s32 @!p0 $0xA;
	[sflag:s22] =	ssyncadd.s32 $0xFFFFD900;
	s14 =	sshrl.u32 @!p0 s14, $0x3  }
0x4a: {  	[spmem:s14], [sflag:s7] =	dma.local @!p0 [hbm:s5], $0x100  }
0x4b: {  	_ =	swait.ge @!p0 [sflag:s16], $0x100  }
0x4c: {  	[sflag:s16] =	ssyncset.done @!p0 $0x0  }
0x4d: {  	[sflag:s16] =	ssyncadd.s32 @!p0 $0xFFFFFF00  }
0x4e: {  	[bflag:$0x0] =	sbarrier.arrive $0xFFFF  }
0x4f: {  	s15 =	rddreg [dreg:$0x5]  }
0x50: {  	s16 =	rddreg [dreg:$0x6]  }
0x51: {  	s17 =	rddreg [dreg:$0x7]  }
0x52: {  	[tilespmem:s23], [sflag:$0x1] =	stream.linear.gather [hbm4b:s15+s2], $0x2800, $0x38;
	[tilespmem:$0x1B200] =	vst v63  }
0x53: {  	s19 =	rddreg [dreg:$0x8]  }
0x54: {  	[tilespmem:s2], [sflag:$0x4] =	stream.linear.gather [hbm4b:s16+s2], $0x50, $0x38;
	[tilespmem:$0x1B200] =	vst v63  }
0x55: {  	s20 =	rddreg [dreg:$0x9]  }
0x56: {  	[tilespmem:s24], [sflag:$0x2] =	stream.linear.gather [hbm4b:s17+s2], $0x2800, $0x38;
	[tilespmem:$0x1B200] =	vst v63  }
0x57: {  	s21 =	rddreg [dreg:$0xa]  }
0x58: {  	[tilespmem:s25], [sflag:$0x5] =	stream.linear.gather [hbm4b:s19+s2], $0x50, $0x38;
	[tilespmem:$0x1B200] =	vst v63  }
0x59: {  	s19 =	rddreg [dreg:$0xe]  }
0x5a: {  	[tilespmem:s26], [sflag:$0x3] =	stream.linear.gather [hbm4b:s20+s2], $0x2800, $0x38;
	[tilespmem:$0x1B200] =	vst v63  }
0x5b: {  	s20 =	rddreg [dreg:$0xf]  }
0x5c: {  	[tilespmem:s28], [sflag:$0x6] =	stream.linear.gather [hbm4b:s21+s2], $0x50, $0x38;
	[tilespmem:$0x1B200] =	vst v63  }
0x5d: {  	s17 =	simm.s32 $0x0;
	s21 =	rddreg [dreg:$0x10]  }
.LBB2_2:
0x5e: {  	_ =	swait.ge [sflag:s29], $0x2800  }
0x5f: {  	[sflag:s29] =	ssyncset.done $0x0  }
0x60: {  	[sflag:s29] =	ssyncadd.s32 $0xFFFFD800  }
0x61: {  	_ =	swait.ge [sflag:s30], $0x50  }
0x62: {  	[sflag:s30] =	ssyncset.done $0x0  }
0x63: {  	[sflag:s30] =	ssyncadd.s32 $0xFFFFFFB0  }
0x64: {  	[spmem:s1] =	stream.indirect.scatter.add.f32 [tilespmem:s23], [sflag:$0x7], $0x80, s2, s31, $0xb8;
	[tilespmem:$0x1B200] =	vst v63  }
0x65: {  	_ =	swait.ge [sflag:s0], $0x2800  }
0x66: {  	[sflag:s0] =	ssyncset.done $0x0  }
0x67: {  	[sflag:s0] =	ssyncadd.s32 $0xFFFFD800  }
0x68: {  	_ =	swait.ge [sflag:s3], $0x50  }
0x69: {  	[sflag:s3] =	ssyncset.done $0x0  }
0x6a: {  	[sflag:s3] =	ssyncadd.s32 $0xFFFFFFB0  }
0x6b: {  	[spmem:s1] =	stream.indirect.scatter.add.f32 [tilespmem:s24], [sflag:$0x8], $0x80, s25, s31, $0xb8;
	[tilespmem:$0x1B200] =	vst v63  }
0x6c: {  	_ =	swait.ge [sflag:s6], $0x2800  }
0x6d: {  	[sflag:s6] =	ssyncset.done $0x0  }
0x6e: {  	[sflag:s6] =	ssyncadd.s32 $0xFFFFD800  }
0x6f: {  	_ =	swait.ge [sflag:s8], $0x50  }
0x70: {  	[sflag:s8] =	ssyncset.done $0x0  }
0x71: {  	[sflag:s8] =	ssyncadd.s32 $0xFFFFFFB0  }
0x72: {  	[spmem:s1] =	stream.indirect.scatter.add.f32 [tilespmem:s26], [sflag:$0x9], $0x80, s28, s31, $0xb8;
	[tilespmem:$0x1B200] =	vst v63  }
0x73: {  	_ =	swait.ge [sflag:s9], $0x2800  }
0x74: {  	s16 =	sadd.s32 s17, s18;
	[sflag:s9] =	ssyncset.done $0x0  }
0x75: {  	s15 =	sadd.s32 $0xF00, s16;
	[sflag:s9] =	ssyncadd.s32 $0xFFFFD800  }
0x76: {  	[tilespmem:s23], [sflag:$0x1] =	stream.linear.gather [hbm4b:s15+s2], $0x2800, $0x38;
	[tilespmem:$0x1B200] =	vst v63  }
0x77: {  	s15 =	sshrl.u32 s21, $0x3  }
0x78: {  	s15 =	sadd.s32 s4, s15  }
0x79: {  	[tilespmem:s2], [sflag:$0x4] =	stream.linear.gather [hbm4b:s15+s2], $0x50, $0x38;
	[tilespmem:$0x1B200] =	vst v63  }
0x7a: {  	_ =	swait.ge [sflag:s10], $0x2800  }
0x7b: {  	[sflag:s10] =	ssyncset.done $0x0  }
0x7c: {  	p1 =	seq.s32 s17, $0x25800;
	s15 =	sadd.s32 $0x1400, s16;
	[sflag:s10] =	ssyncadd.s32 $0xFFFFD800  }
0x7d: {  	[tilespmem:s24], [sflag:$0x2] =	stream.linear.gather [hbm4b:s15+s2], $0x2800, $0x38;
	[tilespmem:$0x1B200] =	vst v63  }
.Ltmp2:
0x7e: {  	_ = 	snop;
	(pc) =	sbr.rel @p1 .LBB2_4-.Ltmp2, $4  }
0x7f: {  	[tilespmem:s25], [sflag:$0x5] =	stream.linear.gather [hbm4b:s20+s2], $0x50, $0x38;
	[tilespmem:$0x1B200] =	vst v63  }
0x80: {  	_ =	swait.ge [sflag:s11], $0x2800  }
0x81: {  	[sflag:s11] =	ssyncset.done $0x0  }
0x82: {  	[sflag:s11] =	ssyncadd.s32 $0xFFFFD800  }
.Ltmp3:
0x83: {  	s15 =	sadd.s32 $0x1900, s16;
	(pc) =	sbr.rel .LBB2_2-.Ltmp3, $4  }
0x84: {  	[tilespmem:s26], [sflag:$0x3] =	stream.linear.gather [hbm4b:s15+s2], $0x2800, $0x38;
	[tilespmem:$0x1B200] =	vst v63  }
0x85: {  	s17 =	sadd.s32 $0xF00, s17  }
0x86: {  	[tilespmem:s28], [sflag:$0x6] =	stream.linear.gather [hbm4b:s19+s2], $0x50, $0x38;
	[tilespmem:$0x1B200] =	vst v63  }
0x87: {  	s20 =	sadd.s32 $0x1E, s20;
	s21 =	sadd.s32 $0xF0, s21;
	s19 =	sadd.s32 $0x1E, s19  }
.LBB2_5:
0x88: {  	_ =	sfence.sel $0x180000  }
0x89: {  	[bflag:$0x0] =	sbarrier.arrive $0xFFFF  }
0x8a: {  	_ =	strace $0x90000047  }
0x8b: {  	s0 =	stileid.u32;
	[bflag:$0x2] =	sbarrier.arrive $0xFFFF  }
0x8c: {  	p0 =	sne.s32 s0, $0x0;
	s0 =	rddreg [dreg:$0x2]  }
0x8d: {  	s0 =	sadd.s32 @!p0 $0x100000, s0  }
0x8e: {  	[sflag:s0] =	ssyncadd.tile.s32 @!p0 $0x1;
	_ =	shalt  }
.Lfunc_end2:
_tile_overlayer_lowered:
.L_overlay_start_2:
0x8f: {  	(tag) =	ssettag $0x2  }
0x90: {  	s0 =	rddreg [dreg:$0x0];
	s2 =	stileid.u32  }
0x91: {  	s1 =	rddreg [dreg:$0x1];
	p0 =	sne.s32 s2, $0x0  }
0x92: {  	s3 =	rddreg [dreg:$0x2];
	[bflag:$0x3] =	sbarrier.arrive $0xFFFF;
	s2 =	simm.s32 @!p0 $0x1C0A  }
0x93: {  	[timem:s3], [sflag:s2] =	dma.local @!p0 [hbm:s0], s1  }
0x94: {  	s0 =	simm.s32 @!p0 $0xA  }
0x95: {  	_ =	swait.ge @!p0 [sflag:s0], s1  }
0x96: {  	s1 =	ssub.s32 @!p0 $0x0, s1;
	[sflag:s0] =	ssyncset.done @!p0 $0x0  }
0x97: {  	[sflag:s0] =	ssyncadd.s32 @!p0 s1  }
0x98: {  	[bflag:$0x3] =	sbarrier.arrive $0xFFFF  }
0x99: {  	_ =	shalt  }

// kernel: kernel.13.cloned.1.call-start
scs
__scs_entry_jumppad:
0x0: {  	(pc) =	sbr.rel $0x88, $3  }
0x1: {  	(tag) =	ssettag $0x0;
	lr =	simm.s32 $0x1  }
0x2: {  	[smem:$0x3F92] =	sst lr;
	_ =	strace $0xD0000000  }
0x3: {  	_ = 	snop  }
0x4: {  	_ = 	snop  }
0x5: {  	_ = 	snop  }
0x6: {  	_ = 	snop  }
0x7: {  	_ = 	snop  }
__scs_overlays_trampoline_lowered:
0x8: {  	[smem:$0x3FA1] =	sst s0  }
0x9: {  	[smem:$0x3FA2] =	sst s1  }
0xa: {  	[smem:$0x3FA3] =	sst s2  }
0xb: {  	[smem:$0x3FA4] =	sst s3  }
0xc: {  	[smem:$0x3FA5] =	sst s4  }
0xd: {  	[smem:$0x3FA6] =	sst s5  }
0xe: {  	[smem:$0x3FA7] =	sst s6  }
0xf: {  	[smem:$0x3FA8] =	sst s7  }
0x10: {  	[smem:$0x3FA9] =	sst s8  }
0x11: {  	[smem:$0x3FAA] =	sst s9;
	s0 =	simm.s32 @!p0 $0x0  }
0x12: {  	s1 =	sld [smem:$0x3F90];
	s0 =	simm.s32 @p0 $0x1  }
0x13: {  	[smem:$0x3FAB] =	sst s0;
	s0 =	simm.s32 @!p1 $0x0  }
0x14: {  	s2 =	sld [smem:$0x3F8F];
	s0 =	simm.s32 @p1 $0x1  }
0x15: {  	[smem:$0x3FAC] =	sst s0;
	s0 =	simm.s32 @!p2 $0x0  }
0x16: {  	s3 =	sld [smem:$0x3FDB];
	s0 =	simm.s32 @p2 $0x1  }
0x17: {  	s4 =	simm.s32 $0x1BF5;
	[smem:$0x3FAE] =	sst s0  }
0x18: {  	s0 =	sld [smem:$0x3F91];
	_ =	swait.ge [sflag:s4], $0x0  }
0x19: {  	s7 =	sld [smem:$0x3F92]  }
0x1a: {  	s8 =	sadd.s32 $0xFFFFE003, lr  }
0x1b: {  	s9 =	sadd.s32 $0xFFFFFEF7, lr;
	s5 =	simm.s32 $0xFFFFFFFF;
	p2 =	slt.u32 s8, $0xFFFFF086  }
0x1c: {  	p1 =	slt.u32 s9, $0xF7A;
	s5 =	simm.s32 @!p2 $0x0  }
0x1d: {  	s5 =	simm.s32 @p1 $0x1;
	p0 =	seq.s32 s7, s2  }
0x1e: {  	s7 =	smul.u32 @!p0 $0xF7A, s2;
	p2 =	seq.s32 @!p0 s5, $0x0  }
0x1f: {  	s9 =	smul.u32 $0xF7A, s1;
	s8 =	simm.s32 @!p0 $0x1BF5;
	p2 =	por !p2, p0  }
0x20: {  	[sflag:s8] =	ssyncset.s32 @!p0 $0xFFFFF086;
	s6 =	sadd.s32 @!p0 s3, s7;
	s7 =	simm.s32 @!p0 $0x108  }
0x21: {  	s3 =	sadd.s32 s3, s9;
	s6 =	sadd.s32 @!p0 $0x88, s6;
	s7 =	simm.s32 @p2 $0x1082  }
0x22: {  	[simem:s7], [sflag:s8] =	dma.local @!p0 [hbm:s6], $0xF7A  }
0x23: {  	s9 =	sor.u32 $0xD0000000, s2;
	s6 =	simm.s32 $0x108;
	_ =	swait.ge @!p0 [sflag:s8], $0x0  }
0x24: {  	s3 =	sadd.s32 $0x88, s3;
	s6 =	simm.s32 @!p1 $0x1082;
	[sflag:s4] =	ssyncset.s32 $0xFFFFF086  }
0x25: {  	[simem:s6], [sflag:s4] =	dma.local [hbm:s3], $0xF7A  }
0x26: {  	[smem:$0x3F92] =	sst s1;
	(tag) =	ssettag s2;
	_ =	strace s9  }
0x27: {  	s1 =	sld [smem:$0x3FA2]  }
0x28: {  	s2 =	sld [smem:$0x3FA3]  }
0x29: {  	s4 =	sld [smem:$0x3FA5]  }
0x2a: {  	p0 =	seq.s32 s5, $0x0;
	s5 =	sld [smem:$0x3FA6]  }
0x2b: {  	s6 =	sld [smem:$0x3FA7]  }
0x2c: {  	s7 =	sld [smem:$0x3FA8]  }
0x2d: {  	s3 =	simm.s32 $0x108;
	s8 =	sld [smem:$0x3FA9]  }
0x2e: {  	s3 =	simm.s32 @!p0 $0x1082;
	s9 =	sld [smem:$0x3FAA]  }
0x2f: {  	lr =	sadd.s32 s0, s3;
	s0 =	sld [smem:$0x3FA1]  }
0x30: {  	s3 =	sld [smem:$0x3FA4]  }
0x31: {  	[smem:$0x3FAD] =	sst s10  }
0x32: {  	s10 =	sld [smem:$0x3FAB];
	_ =	sdelay $0x3  }
0x33: {  	p0 =	seq.s32 s10, $0x1;
	s10 =	sld [smem:$0x3FAD];
	_ =	sdelay $0x3  }
0x34: {  	[smem:$0x3FAD] =	sst s10  }
0x35: {  	s10 =	sld [smem:$0x3FAC];
	_ =	sdelay $0x3  }
0x36: {  	p1 =	seq.s32 s10, $0x1;
	s10 =	sld [smem:$0x3FAD];
	_ =	sdelay $0x3  }
0x37: {  	[smem:$0x3FAD] =	sst s10  }
0x38: {  	s10 =	sld [smem:$0x3FAE]  }
0x39: {  	_ = 	snop;
	(pc) =	sbr.ind lr, $3  }
0x3a: {  	_ = 	snop  }
0x3b: {  	_ = 	snop  }
0x3c: {  	p2 =	seq.s32 s10, $0x1;
	s10 =	sld [smem:$0x3FAD]  }
0x3d: {  	_ =	shalt  }
0x3e: {  	_ =	shalt  }
0x3f: {  	_ =	shalt  }
0x40: {  	_ =	shalt  }
0x41: {  	_ =	shalt  }
0x42: {  	_ =	shalt  }
0x43: {  	_ =	shalt  }
0x44: {  	_ =	shalt  }
0x45: {  	_ =	shalt  }
0x46: {  	_ =	shalt  }
0x47: {  	_ =	shalt  }
0x48: {  	_ =	shalt  }
0x49: {  	_ =	shalt  }
0x4a: {  	_ =	shalt  }
0x4b: {  	_ =	shalt  }
0x4c: {  	_ =	shalt  }
0x4d: {  	_ =	shalt  }
0x4e: {  	_ =	shalt  }
0x4f: {  	_ =	shalt  }
0x50: {  	_ =	shalt  }
0x51: {  	_ =	shalt  }
0x52: {  	_ =	shalt  }
0x53: {  	_ =	shalt  }
0x54: {  	_ =	shalt  }
0x55: {  	_ =	shalt  }
0x56: {  	_ =	shalt  }
0x57: {  	_ =	shalt  }
0x58: {  	_ =	shalt  }
0x59: {  	_ =	shalt  }
0x5a: {  	_ =	shalt  }
0x5b: {  	_ =	shalt  }
0x5c: {  	_ =	shalt  }
0x5d: {  	_ =	shalt  }
0x5e: {  	_ =	shalt  }
0x5f: {  	_ =	shalt  }
0x60: {  	_ =	shalt  }
0x61: {  	_ =	shalt  }
0x62: {  	_ =	shalt  }
0x63: {  	_ =	shalt  }
0x64: {  	_ =	shalt  }
0x65: {  	_ =	shalt  }
0x66: {  	_ =	shalt  }
0x67: {  	_ =	shalt  }
0x68: {  	_ =	shalt  }
0x69: {  	_ =	shalt  }
0x6a: {  	_ =	shalt  }
0x6b: {  	_ =	shalt  }
0x6c: {  	_ =	shalt  }
0x6d: {  	_ =	shalt  }
0x6e: {  	_ =	shalt  }
0x6f: {  	_ =	shalt  }
0x70: {  	_ =	shalt  }
0x71: {  	_ =	shalt  }
0x72: {  	_ =	shalt  }
0x73: {  	_ =	shalt  }
0x74: {  	_ =	shalt  }
0x75: {  	_ =	shalt  }
0x76: {  	_ =	shalt  }
0x77: {  	_ =	shalt  }
0x78: {  	_ =	shalt  }
0x79: {  	_ =	shalt  }
0x7a: {  	_ =	shalt  }
0x7b: {  	_ =	shalt  }
0x7c: {  	_ =	shalt  }
0x7d: {  	_ =	shalt  }
0x7e: {  	_ =	shalt  }
0x7f: {  	_ =	shalt  }
0x80: {  	_ =	shalt  }
0x81: {  	_ =	shalt  }
0x82: {  	_ =	shalt  }
0x83: {  	_ =	shalt  }
0x84: {  	_ =	shalt  }
0x85: {  	_ =	shalt  }
0x86: {  	_ =	shalt  }
0x87: {  	_ =	shalt  }
.Lfunc_end0:
.L_simem_size_0:
called_computation.1_lowered:
.L_overlay_start_0:
0x88: {  	s2 =	sld [smem:$0x3FD9]  }
0x89: {  	s3 =	sld [smem:$0x3FFE];
	_ =	sdelay $0x1  }
0x8a: {  	s1 =	srdreg.scid  }
0x8b: {  	s0 =	sand.u32 $0x1, s1  }
0x8c: {  	s16 =	sshll.u32 s0, $0xA;
	s2 =	sadd.s32 s3, s2  }
0x8d: {  	s2 =	sadd.s32 s2, s16  }
0x8e: {  	[smem:$0x3FB9] =	sst s2  }
0x8f: {  	_ = 	snop  }
0x90: {  	(tm) =	ssettm $0x1  }
0x91: {  	s17 =	sld [smem:$0x3FFB];
	_ =	sdelay $0x3  }
0x92: {  	_ =	strace s17  }
0x93: {  	s2 =	sld [smem:$0x3FFC];
	_ =	sdelay $0x3  }
0x94: {  	_ =	strace s2  }
0x95: {  	s2 =	sld [smem:$0x3FFD];
	_ =	sdelay $0x3  }
0x96: {  	_ =	strace s2  }
0x97: {  	_ =	strace $0x8FFFFFFF  }
0x98: {  	s18 =	sld [smem:$0x3FDB];
	_ =	sdelay $0x1  }
0x99: {  	s19 =	simm.s32 $_scs_section_size  }
0x9a: {  	s4 =	simm.s32 $_size__tile_overlayer_lowered;
	s5 =	simm.s32 $_tile_overlayer_lowered  }
0x9b: {  	s22 =	simm.s32 $0x1BFF;
	s21 =	sshll.u32 s5, $0x1;
	s2 =	sadd.s32 s19, s18  }
0x9c: {  	s6 =	simm.s32 $0x0;
	s20 =	sshll.u32 s4, $0x1;
	s4 =	sadd.s32 s21, s2  }
0x9d: {  	[timem:s6], [sflag:s22] =	dma.local [hbm:s4], s20  }
0x9e: {  	_ =	swait.ge [sflag:s22], s20  }
0x9f: {  	s3 =	ssub.s32 $0x0, s20;
	[sflag:s22] =	ssyncset.done $0x0  }
0xa0: {  	[sflag:s22] =	ssyncadd.s32 s3;
	_ =	sdelay $0x1  }
0xa1: {  	s23 =	simm.s32 $0x1B8B  }
0xa2: {  	_ =	swait.ge [sflag:s23], $0x1  }
0xa3: {  	[sflag:s23] =	ssyncset.done $0x0  }
0xa4: {  	s25 =	simm.s32 $0x1B8E;
	s24 =	sld [smem:$0x3FFE];
	[sflag:s23] =	ssyncadd.s32 $0xFFFFFFFF  }
0xa5: {  	s26 =	simm.s32 $execute0_lowered;
	[smem:$0x3FD2] =	sst s25  }
0xa6: {  	s4 =	sshll.u32 s26, $0x1;
	_ =	strace $0x80000049;
	[dreg:$0x1] =	wrdreg $0xFFFFFFFF  }
0xa7: {  	s28 =	simm.s32 $_size_execute0_lowered;
	s2 =	sadd.s32 s2, s4;
	[dreg:$0x0] =	wrdreg $0x0  }
0xa8: {  	s4 =	sshll.u32 s28, $0x1;
	[dreg:$0x2] =	wrdreg s2  }
0xa9: {  	[dreg:$0x3] =	wrdreg s4  }
0xaa: {  	[dreg:$0x4] =	wrdreg $0xC0  }
0xab: {  	_ =	task [dreg:s6], $0x5FFFF  }
0xac: {  	[dreg:$0x1] =	wrdreg $0xFFFFFFFF  }
0xad: {  	[dreg:$0x0] =	wrdreg $0x60  }
0xae: {  	[dreg:$0x2] =	wrdreg s24  }
0xaf: {  	[dreg:$0x3] =	wrdreg $0xA1000  }
0xb0: {  	[dreg:$0x4] =	wrdreg $0x9  }
0xb1: {  	_ =	task.clear_ibuf [dreg:s6], $0x5FFFF;
	_ =	strace $0x90000049  }
0xb2: {  	s29 =	simm.s32 $0x9;
	_ =	strace $0x8000004B  }
0xb3: {  	_ =	swait.ge [sflag:s29], $0x1  }
0xb4: {  	[sflag:s29] =	ssyncadd.s32 $0xFFFFFFFF  }
0xb5: {  	_ =	strace $0x9000004B  }
0xb6: {  	_ =	sfence  }
0xb7: {  	s30 =	sld [smem:$0x0];
	_ =	sdelay $0x2  }
0xb8: {  	s31 =	sshll.u32 s1, $0xD;
	s1 =	sshrl.u32 s1, $0x2  }
0xb9: {  	s3 =	sand.u32 $0x4000, s31;
	s1 =	sadd.s32 s1, s30  }
0xba: {  	s0 =	sor.u32 s3, s0;
	s1 =	sshll.u32 s1, $0x11  }
0xbb: {  	s0 =	sor.u32 s1, s0  }
0xbc: {  	s0 =	sadd.s32 $0x8F2B, s0  }
0xbd: {  	[sflag:s0] =	ssyncadd.remote.s32 $0x1  }
0xbe: {  	_ =	sfence.sel $0xFFFF  }
0xbf: {  	[dreg:$0x0] =	wrdreg $0xFFFFFFFF;
	(pc) =	sbr.abs _section_cstart, $3  }
0xc0: {  	[dreg:$0x1] =	wrdreg $0xFFFFFFFF  }
0xc1: {  	_ =	task.clear_ibuf [dreg:s6], $0x2FFFF;
	_ =	strace $0x9FFFFFFF  }
0xc2: {  	(tm) =	ssettm $0x7FFFFFFF  }
0xc3: {  	_ =	shalt  }
tec
execute0_lowered:
.L_overlay_start_1:
0x0: {  	(tag) =	ssettag $0x1  }
0x1: {  	s0 =	srdreg.scid;
	s1 =	rddreg [dreg:$0x0]  }
0x2: {  	s13 =	stileid.u32;
	s2 =	rddreg [dreg:$0x1]  }
0x3: {  	s28 =	simm.s32 $0x2800;
	s30 =	simm.s32 $0x7900;
	s31 =	simm.s32 $0x2880  }
0x4: {  	s29 =	simm.s32 $0x2;
	s0 =	sand.u32 $0x1, s0;
	s9 =	smul.u32 $0x4E000, s13  }
0x5: {  	s10 =	sadd.s32 $0x3400, s1;
	s26 =	smul.u32 $0x2700, s13;
	s15 =	sshll.u32 s13, $0x6  }
0x6: {  	s12 =	sadd.s32 $0x138000, s2;
	s18 =	smul.u32 $0x2710, s13;
	p0 =	sne.s32 s13, $0xF  }
0x7: {  	s3 =	sshll.u32 s0, $0x4;
	s7 =	ssub.s32 $0x2, s0;
	s16 =	smul.u32 $0x138800, s0  }
0x8: {  	s0 =	smul.u32 $0x27100, s0;
	s4 =	sor.u32 s13, s3;
	s3 =	simm.s32 $0x0  }
0x9: {  	s24 =	sshrl.u32 s7, $0x1;
	s25 =	sshrl.u32 s9, $0x2;
	s13 =	simm.s32 $0x8  }
0xa: {  	s5 =	smul.u32 $0x2710, s4;
	[smem:$0x7FF] =	sst s3;
	s4 =	sadd.s32 $0x53E00, s1  }
0xb: {  	s11 =	sadd.s32 s25, s2;
	s17 =	sshrl.u32 s16, $0x3;
	s9 =	sadd.s32 s26, s0  }
0xc: {  	s0 =	sadd.s32 s18, s0;
	_ =	strace $0x8000004A;
	[dreg:$0x3] =	wrdreg s10  }
0xd: {  	s10 =	ssub.s32 s7, s24;
	s7 =	sor.u32 $0x1C0A, s15;
	[dreg:$0x4] =	wrdreg s12  }
0xe: {  	s22 =	sadd.s32 $0x190, s0;
	s23 =	sadd.s32 $0x140, s0;
	s0 =	sadd.s32 $0xF0, s0  }
0xf: {  	s16 =	sshrl.u32 s11, $0x3;
	s11 =	simm.s32 $0x6;
	s12 =	simm.s32 $0x7  }
0x10: {  	s15 =	simm.s32 $0x0;
	s6 =	sshrl.u32 s5, $0x3;
	[dreg:$0x10] =	wrdreg s0  }
0x11: {  	s5 =	sadd.s32 $0x4EF200, s1;
	s21 =	smax.u32 s10, $0x1;
	[dreg:$0x11] =	wrdreg s16  }
0x12: {  	s8 =	sadd.s32 s6, s1;
	s14 =	sadd.s32 s5, s6;
	[dreg:$0xb] =	wrdreg s21  }
0x13: {  	s0 =	simm.s32 $0x4;
	s8 =	sadd.s32 $0x4E5400, s8;
	[dreg:$0x6] =	wrdreg s14  }
0x14: {  	s1 =	sadd.s32 $0x7B000, s1;
	s6 =	sadd.s32 $0xA, s14;
	[dreg:$0x5] =	wrdreg s8  }
0x15: {  	s19 =	sadd.s32 $0x14, s14;
	s24 =	sadd.s32 $0x4CE, s14;
	[dreg:$0x7] =	wrdreg s6  }
0x16: {  	s25 =	sadd.s32 $0x4D8, s14;
	s14 =	simm.s32 $0x9;
	[dreg:$0x8] =	wrdreg s19  }
0x17: {  	s6 =	sadd.s32 s1, s17;
	s1 =	sadd.s32 s1, s9;
	[dreg:$0xc] =	wrdreg s24  }
0x18: {  	[dreg:$0xd] =	wrdreg s25;
	s24 =	simm.s32 $0x2900;
	s25 =	simm.s32 $0x2780  }
0x19: {  	s8 =	simm.s32 $0x5;
	s9 =	simm.s32 $0x3;
	[dreg:$0x9] =	wrdreg s1  }
0x1a: {  	s20 =	sadd.s32 $0x27000, s6;
	s1 =	sshrl.u32 s22, $0x3;
	s6 =	sshrl.u32 s23, $0x3  }
0x1b: {  	s22 =	simm.s32 $0xA;
	[dreg:$0xa] =	wrdreg s20;
	s1 =	sadd.s32 s1, s5  }
0x1c: {  	s23 =	simm.s32 $0x50;
	s26 =	sadd.s32 s6, s5;
	[dreg:$0xe] =	wrdreg s1  }
0x1d: {  	[dreg:$0xf] =	wrdreg s26;
	s26 =	simm.s32 $0x5100;
	s1 =	simm.s32 $0x1  }
.LBB2_1:
0x1e: {  	s6 =	rddreg [dreg:$0x3]  }
0x1f: {  	[spmem:s16], [sflag:s7] =	dma.local [hbm:s6], $0x2700  }
0x20: {  	_ =	swait.ge [sflag:s22], $0x2700  }
0x21: {  	s10 =	rddreg [dreg:$0x4]  }
0x22: {  	[sflag:s22] =	ssyncset.done $0x0;
	s10 =	sshrl.u32 @!p0 s10, $0x3  }
0x23: {  	[sflag:s22] =	ssyncadd.s32 $0xFFFFD900;
	[dreg:$0x12] =	wrdreg s10  }
0x24: {  	[spmem:s10], [sflag:s7] =	dma.local @!p0 [hbm:s6], $0x100  }
0x25: {  	s6 =	simm.s32 @!p0 $0xA  }
0x26: {  	_ =	swait.ge @!p0 [sflag:s6], $0x100  }
0x27: {  	[sflag:s6] =	ssyncset.done @!p0 $0x0  }
0x28: {  	s17 =	rddreg [dreg:$0x5];
	[sflag:s6] =	ssyncadd.s32 @!p0 $0xFFFFFF00  }
0x29: {  	[tilespmem:s3], [sflag:$0xA] =	stream.linear.gather [hbm4b:s17+s3], $0x2710, $0x38;
	[tilespmem:$0x1D980] =	vst v63  }
0x2a: {  	_ =	swait.ge [sflag:s22], $0x2710  }
0x2b: {  	[sflag:s22] =	ssyncset.done $0x0  }
0x2c: {  	[sflag:s22] =	ssyncadd.s32 $0xFFFFD8F0  }
0x2d: {  	[bflag:$0x0] =	sbarrier.arrive $0xFFFF  }
0x2e: {  	[tilespmem:s24], [sflag:$0x1] =	stream.indirect.gather [hbm4b:s4+s23], $0x80, s3, s23, $0xb8;
	[tilespmem:$0x1D980] =	vst v63  }
0x2f: {  	s18 =	rddreg [dreg:$0x6]  }
0x30: {  	[tilespmem:s25], [sflag:$0x4] =	stream.linear.gather [hbm4b:s18+s3], $0x50, $0x38;
	[tilespmem:$0x1D980] =	vst v63  }
0x31: {  	_ = 	snop  }
0x32: {  	[tilespmem:s26], [sflag:$0x2] =	stream.indirect.gather [hbm4b:s4+s23], $0x80, s23, s23, $0xb8;
	[tilespmem:$0x1D980] =	vst v63  }
0x33: {  	s19 =	rddreg [dreg:$0x7]  }
0x34: {  	[tilespmem:s28], [sflag:$0x5] =	stream.linear.gather [hbm4b:s19+s3], $0x50, $0x38;
	[tilespmem:$0x1D980] =	vst v63  }
0x35: {  	s20 =	simm.s32 $0xA0  }
0x36: {  	[tilespmem:s30], [sflag:$0x3] =	stream.indirect.gather [hbm4b:s4+s23], $0x80, s20, s23, $0xb8;
	[tilespmem:$0x1D980] =	vst v63  }
0x37: {  	s21 =	rddreg [dreg:$0x8]  }
0x38: {  	[tilespmem:s31], [sflag:$0x6] =	stream.linear.gather [hbm4b:s21+s3], $0x50, $0x38;
	[tilespmem:$0x1D980] =	vst v63  }
0x39: {  	_ =	swait.ge [sflag:s1], $0x2800  }
0x3a: {  	[sflag:s1] =	ssyncset.done $0x0  }
0x3b: {  	[sflag:s1] =	ssyncadd.s32 $0xFFFFD800  }
0x3c: {  	_ =	swait.ge [sflag:s0], $0x50  }
0x3d: {  	[sflag:s0] =	ssyncset.done $0x0  }
0x3e: {  	[sflag:s0] =	ssyncadd.s32 $0xFFFFFFB0  }
0x3f: {  	[spmem:s2] =	stream.indirect.scatter.add.f32 [tilespmem:s24], [sflag:$0x7], $0x80, s25, s23, $0xb8;
	[tilespmem:$0x1D980] =	vst v63  }
0x40: {  	_ =	swait.ge [sflag:s29], $0x2800  }
0x41: {  	[sflag:s29] =	ssyncset.done $0x0  }
0x42: {  	[sflag:s29] =	ssyncadd.s32 $0xFFFFD800  }
0x43: {  	_ =	swait.ge [sflag:s8], $0x50  }
0x44: {  	[sflag:s8] =	ssyncset.done $0x0  }
0x45: {  	[sflag:s8] =	ssyncadd.s32 $0xFFFFFFB0  }
0x46: {  	[spmem:s2] =	stream.indirect.scatter.add.f32 [tilespmem:s26], [sflag:$0x8], $0x80, s28, s23, $0xb8;
	[tilespmem:$0x1D980] =	vst v63  }
0x47: {  	_ =	swait.ge [sflag:s9], $0x2800  }
0x48: {  	[sflag:s9] =	ssyncset.done $0x0  }
0x49: {  	[sflag:s9] =	ssyncadd.s32 $0xFFFFD800  }
0x4a: {  	_ =	swait.ge [sflag:s11], $0x50  }
0x4b: {  	[sflag:s11] =	ssyncset.done $0x0  }
0x4c: {  	[sflag:s11] =	ssyncadd.s32 $0xFFFFFFB0  }
0x4d: {  	[spmem:s2] =	stream.indirect.scatter.add.f32 [tilespmem:s30], [sflag:$0x9], $0x80, s31, s23, $0xb8;
	[tilespmem:$0x1D980] =	vst v63  }
0x4e: {  	_ =	swait.ge [sflag:s12], $0x2800  }
0x4f: {  	[sflag:s12] =	ssyncset.done $0x0;
	s19 =	rddreg [dreg:$0x10]  }
0x50: {  	s10 =	simm.s32 $0xF0;
	[sflag:s12] =	ssyncadd.s32 $0xFFFFD800;
	s16 =	sshrl.u32 s19, $0x3  }
0x51: {  	[tilespmem:s24], [sflag:$0x1] =	stream.indirect.gather [hbm4b:s4+s23], $0x80, s10, s23, $0xb8;
	[tilespmem:$0x1D980] =	vst v63  }
0x52: {  	s17 =	sadd.s32 s5, s16  }
0x53: {  	[tilespmem:s25], [sflag:$0x4] =	stream.linear.gather [hbm4b:s17+s3], $0x50, $0x38;
	[tilespmem:$0x1D980] =	vst v63  }
0x54: {  	_ =	swait.ge [sflag:s13], $0x2800  }
0x55: {  	[sflag:s13] =	ssyncset.done $0x0  }
0x56: {  	s18 =	simm.s32 $0x140;
	[sflag:s13] =	ssyncadd.s32 $0xFFFFD800  }
0x57: {  	[tilespmem:s26], [sflag:$0x2] =	stream.indirect.gather [hbm4b:s4+s23], $0x80, s18, s23, $0xb8;
	[tilespmem:$0x1D980] =	vst v63  }
0x58: {  	s20 =	rddreg [dreg:$0xf]  }
0x59: {  	[tilespmem:s28], [sflag:$0x5] =	stream.linear.gather [hbm4b:s20+s3], $0x50, $0x38;
	[tilespmem:$0x1D980] =	vst v63  }
0x5a: {  	s21 =	simm.s32 $0x190;
	s19 =	sadd.s32 $0xF0, s19;
	_ =	swait.ge [sflag:s14], $0x2800  }
0x5b: {  	s17 =	simm.s32 $0x3C0;
	[sflag:s14] =	ssyncset.done $0x0;
	s18 =	rddreg [dreg:$0xe]  }
0x5c: {  	s6 =	sadd.s32 $0x1E, s20;
	[sflag:s14] =	ssyncadd.s32 $0xFFFFD800;
	s10 =	sadd.s32 $0x1E, s18  }
0x5d: {  	[tilespmem:s30], [sflag:$0x3] =	stream.indirect.gather [hbm4b:s4+s23], $0x80, s21, s23, $0xb8;
	[tilespmem:$0x1D980] =	vst v63  }
.LBB2_2:
0x5e: {  	[tilespmem:s31], [sflag:$0x6] =	stream.linear.gather [hbm4b:s18+s3], $0x50, $0x38;
	[tilespmem:$0x1D980] =	vst v63  }
0x5f: {  	s20 =	smov.u32 s17;
	s18 =	smov.u32 s10  }
0x60: {  	p1 =	sne.s32 s17, $0x9240;
	s17 =	sadd.s32 $0x3C0, s17;
	_ =	swait.ge [sflag:s1], $0x2800  }
0x61: {  	[sflag:s1] =	ssyncset.done $0x0  }
0x62: {  	[sflag:s1] =	ssyncadd.s32 $0xFFFFD800  }
0x63: {  	_ =	swait.ge [sflag:s0], $0x50  }
0x64: {  	[sflag:s0] =	ssyncset.done $0x0  }
0x65: {  	[sflag:s0] =	ssyncadd.s32 $0xFFFFFFB0  }
0x66: {  	[spmem:s2] =	stream.indirect.scatter.add.f32 [tilespmem:s24], [sflag:$0x7], $0x80, s25, s23, $0xb8;
	[tilespmem:$0x1D980] =	vst v63  }
0x67: {  	_ =	swait.ge [sflag:s29], $0x2800  }
0x68: {  	[sflag:s29] =	ssyncset.done $0x0  }
0x69: {  	[sflag:s29] =	ssyncadd.s32 $0xFFFFD800  }
0x6a: {  	_ =	swait.ge [sflag:s8], $0x50  }
0x6b: {  	[sflag:s8] =	ssyncset.done $0x0  }
0x6c: {  	[sflag:s8] =	ssyncadd.s32 $0xFFFFFFB0  }
0x6d: {  	[spmem:s2] =	stream.indirect.scatter.add.f32 [tilespmem:s26], [sflag:$0x8], $0x80, s28, s23, $0xb8;
	[tilespmem:$0x1D980] =	vst v63  }
0x6e: {  	_ =	swait.ge [sflag:s9], $0x2800  }
0x6f: {  	[sflag:s9] =	ssyncset.done $0x0  }
0x70: {  	[sflag:s9] =	ssyncadd.s32 $0xFFFFD800  }
0x71: {  	_ =	swait.ge [sflag:s11], $0x50  }
0x72: {  	[sflag:s11] =	ssyncset.done $0x0  }
0x73: {  	[sflag:s11] =	ssyncadd.s32 $0xFFFFFFB0  }
0x74: {  	[spmem:s2] =	stream.indirect.scatter.add.f32 [tilespmem:s30], [sflag:$0x9], $0x80, s31, s23, $0xb8;
	[tilespmem:$0x1D980] =	vst v63  }
0x75: {  	_ =	swait.ge [sflag:s12], $0x2800  }
0x76: {  	s20 =	sshra.s32 s20, $0x2;
	[sflag:s12] =	ssyncset.done $0x0  }
0x77: {  	s16 =	sshrl.u32 s19, $0x3;
	s21 =	sadd.s32 $0xF0, s20;
	[sflag:s12] =	ssyncadd.s32 $0xFFFFD800  }
0x78: {  	[tilespmem:s24], [sflag:$0x1] =	stream.indirect.gather [hbm4b:s4+s23], $0x80, s21, s23, $0xb8;
	[tilespmem:$0x1D980] =	vst v63  }
0x79: {  	s16 =	sadd.s32 s5, s16  }
0x7a: {  	[tilespmem:s25], [sflag:$0x4] =	stream.linear.gather [hbm4b:s16+s3], $0x50, $0x38;
	[tilespmem:$0x1D980] =	vst v63  }
0x7b: {  	_ =	swait.ge [sflag:s13], $0x2800  }
0x7c: {  	[sflag:s13] =	ssyncset.done $0x0  }
0x7d: {  	s16 =	sadd.s32 $0x140, s20;
	[sflag:s13] =	ssyncadd.s32 $0xFFFFD800  }
0x7e: {  	[tilespmem:s26], [sflag:$0x2] =	stream.indirect.gather [hbm4b:s4+s23], $0x80, s16, s23, $0xb8;
	[tilespmem:$0x1D980] =	vst v63  }
0x7f: {  	_ = 	snop  }
0x80: {  	[tilespmem:s28], [sflag:$0x5] =	stream.linear.gather [hbm4b:s6+s3], $0x50, $0x38;
	[tilespmem:$0x1D980] =	vst v63  }
.Ltmp0:
0x81: {  	_ =	swait.ge [sflag:s14], $0x2800;
	(pc) =	sbr.rel @p1 .LBB2_2-.Ltmp0, $4  }
0x82: {  	[sflag:s14] =	ssyncset.done $0x0  }
0x83: {  	s16 =	sadd.s32 $0x190, s20;
	[sflag:s14] =	ssyncadd.s32 $0xFFFFD800  }
0x84: {  	[tilespmem:s30], [sflag:$0x3] =	stream.indirect.gather [hbm4b:s4+s23], $0x80, s16, s23, $0xb8;
	[tilespmem:$0x1D980] =	vst v63  }
0x85: {  	s10 =	sadd.s32 $0x1E, s10;
	s19 =	sadd.s32 $0xF0, s19;
	s6 =	sadd.s32 $0x1E, s6  }
0x86: {  	[tilespmem:s31], [sflag:$0x6] =	stream.linear.gather [hbm4b:s18+s3], $0x50, $0x38;
	[tilespmem:$0x1D980] =	vst v63  }
0x87: {  	_ =	swait.ge [sflag:s1], $0x2800  }
0x88: {  	[sflag:s1] =	ssyncset.done $0x0  }
0x89: {  	[sflag:s1] =	ssyncadd.s32 $0xFFFFD800  }
0x8a: {  	_ =	swait.ge [sflag:s0], $0x50  }
0x8b: {  	[sflag:s0] =	ssyncset.done $0x0  }
0x8c: {  	[sflag:s0] =	ssyncadd.s32 $0xFFFFFFB0  }
0x8d: {  	[spmem:s2] =	stream.indirect.scatter.add.f32 [tilespmem:s24], [sflag:$0x7], $0x80, s25, s23, $0xb8;
	[tilespmem:$0x1D980] =	vst v63  }
0x8e: {  	_ =	swait.ge [sflag:s29], $0x2800  }
0x8f: {  	[sflag:s29] =	ssyncset.done $0x0  }
0x90: {  	[sflag:s29] =	ssyncadd.s32 $0xFFFFD800  }
0x91: {  	_ =	swait.ge [sflag:s8], $0x50  }
0x92: {  	[sflag:s8] =	ssyncset.done $0x0  }
0x93: {  	[sflag:s8] =	ssyncadd.s32 $0xFFFFFFB0  }
0x94: {  	[spmem:s2] =	stream.indirect.scatter.add.f32 [tilespmem:s26], [sflag:$0x8], $0x80, s28, s23, $0xb8;
	[tilespmem:$0x1D980] =	vst v63  }
0x95: {  	_ =	swait.ge [sflag:s9], $0x2800  }
0x96: {  	[sflag:s9] =	ssyncset.done $0x0  }
0x97: {  	[sflag:s9] =	ssyncadd.s32 $0xFFFFD800  }
0x98: {  	_ =	swait.ge [sflag:s11], $0x50  }
0x99: {  	[sflag:s11] =	ssyncset.done $0x0  }
0x9a: {  	[sflag:s11] =	ssyncadd.s32 $0xFFFFFFB0  }
0x9b: {  	[spmem:s2] =	stream.indirect.scatter.add.f32 [tilespmem:s30], [sflag:$0x9], $0x80, s31, s23, $0xb8;
	[tilespmem:$0x1D980] =	vst v63  }
0x9c: {  	_ =	swait.ge [sflag:s12], $0x2800  }
0x9d: {  	[sflag:s12] =	ssyncset.done $0x0  }
0x9e: {  	s6 =	simm.s32 $0x2670;
	[sflag:s12] =	ssyncadd.s32 $0xFFFFD800  }
0x9f: {  	[tilespmem:s24], [sflag:$0x1] =	stream.indirect.gather [hbm4b:s4+s23], $0x80, s6, s23, $0xb8;
	[tilespmem:$0x1D980] =	vst v63  }
0xa0: {  	s17 =	rddreg [dreg:$0xc]  }
0xa1: {  	[tilespmem:s25], [sflag:$0x4] =	stream.linear.gather [hbm4b:s17+s3], $0x50, $0x38;
	[tilespmem:$0x1D980] =	vst v63  }
0xa2: {  	_ =	swait.ge [sflag:s13], $0x2800  }
0xa3: {  	[sflag:s13] =	ssyncset.done $0x0  }
0xa4: {  	s18 =	simm.s32 $0x26C0;
	[sflag:s13] =	ssyncadd.s32 $0xFFFFD800  }
0xa5: {  	[tilespmem:s26], [sflag:$0x2] =	stream.indirect.gather [hbm4b:s4+s23], $0x80, s18, s23, $0xb8;
	[tilespmem:$0x1D980] =	vst v63  }
0xa6: {  	s19 =	rddreg [dreg:$0xd]  }
0xa7: {  	[tilespmem:s28], [sflag:$0x5] =	stream.linear.gather [hbm4b:s19+s3], $0x50, $0x38;
	[tilespmem:$0x1D980] =	vst v63  }
0xa8: {  	_ =	swait.ge [sflag:s14], $0x2800  }
0xa9: {  	[sflag:s14] =	ssyncset.done $0x0  }
0xaa: {  	[sflag:s14] =	ssyncadd.s32 $0xFFFFD800  }
0xab: {  	_ =	swait.ge [sflag:s1], $0x2800  }
0xac: {  	[sflag:s1] =	ssyncset.done $0x0  }
0xad: {  	[sflag:s1] =	ssyncadd.s32 $0xFFFFD800  }
0xae: {  	_ =	swait.ge [sflag:s0], $0x50  }
0xaf: {  	[sflag:s0] =	ssyncset.done $0x0  }
0xb0: {  	[sflag:s0] =	ssyncadd.s32 $0xFFFFFFB0  }
0xb1: {  	[spmem:s2] =	stream.indirect.scatter.add.f32 [tilespmem:s24], [sflag:$0x7], $0x80, s25, s23, $0xb8;
	[tilespmem:$0x1D980] =	vst v63  }
0xb2: {  	_ =	swait.ge [sflag:s12], $0x2800  }
0xb3: {  	[sflag:s12] =	ssyncset.done $0x0  }
0xb4: {  	[sflag:s12] =	ssyncadd.s32 $0xFFFFD800  }
0xb5: {  	_ =	swait.ge [sflag:s29], $0x2800  }
0xb6: {  	[sflag:s29] =	ssyncset.done $0x0  }
0xb7: {  	[sflag:s29] =	ssyncadd.s32 $0xFFFFD800  }
0xb8: {  	_ =	swait.ge [sflag:s8], $0x50  }
0xb9: {  	[sflag:s8] =	ssyncset.done $0x0  }
0xba: {  	[sflag:s8] =	ssyncadd.s32 $0xFFFFFFB0  }
0xbb: {  	[spmem:s2] =	stream.indirect.scatter.add.f32 [tilespmem:s26], [sflag:$0x8], $0x80, s28, s23, $0xb8;
	[tilespmem:$0x1D980] =	vst v63  }
0xbc: {  	_ =	swait.ge [sflag:s13], $0x2800  }
0xbd: {  	[sflag:s13] =	ssyncset.done $0x0  }
0xbe: {  	[sflag:s13] =	ssyncadd.s32 $0xFFFFD800  }
0xbf: {  	[bflag:$0x0] =	sbarrier.arrive $0xFFFF  }
0xc0: {  	s20 =	rddreg [dreg:$0x9]  }
0xc1: {  	s16 =	rddreg [dreg:$0x11]  }
0xc2: {  	[hbm:s20], [sflag:s7] =	dma.local [spmem:s16], $0x2700  }
0xc3: {  	_ =	swait.ge [sflag:s22], $0x2700  }
0xc4: {  	[sflag:s22] =	ssyncset.done $0x0;
	s6 =	rddreg [dreg:$0xa]  }
0xc5: {  	s10 =	rddreg [dreg:$0x12];
	[sflag:s22] =	ssyncadd.s32 $0xFFFFD900  }
0xc6: {  	[hbm:s6], [sflag:s7] =	dma.local @!p0 [spmem:s10], $0x100  }
0xc7: {  	s6 =	simm.s32 @!p0 $0xA  }
0xc8: {  	_ =	swait.ge @!p0 [sflag:s6], $0x100  }
0xc9: {  	s15 =	sadd.s32 $0x1, s15;
	s21 =	rddreg [dreg:$0xb]  }
0xca: {  	p1 =	sne.s32 s15, s21  }
.Ltmp1:
0xcb: {  	_ = 	snop;
	(pc) =	sbr.rel @p1 .LBB2_1-.Ltmp1, $3  }
0xcc: {  	_ =	sdelay $0x1  }
0xcd: {  	[sflag:s6] =	ssyncset.done @!p0 $0x0  }
0xce: {  	[sflag:s6] =	ssyncadd.s32 @!p0 $0xFFFFFF00  }
0xcf: {  	_ =	sfence.sel $0x180000  }
0xd0: {  	[bflag:$0x0] =	sbarrier.arrive $0xFFFF  }
0xd1: {  	_ =	strace $0x9000004A  }
0xd2: {  	s0 =	stileid.u32;
	[bflag:$0x2] =	sbarrier.arrive $0xFFFF  }
0xd3: {  	p0 =	sne.s32 s0, $0x0;
	s0 =	rddreg [dreg:$0x2]  }
0xd4: {  	s0 =	sadd.s32 @!p0 $0x100000, s0  }
0xd5: {  	[sflag:s0] =	ssyncadd.tile.s32 @!p0 $0x1;
	_ =	shalt  }
.Lfunc_end2:
_tile_overlayer_lowered:
.L_overlay_start_2:
0xd6: {  	(tag) =	ssettag $0x2  }
0xd7: {  	s0 =	rddreg [dreg:$0x0];
	s2 =	stileid.u32  }
0xd8: {  	s1 =	rddreg [dreg:$0x1];
	p0 =	sne.s32 s2, $0x0  }
0xd9: {  	s3 =	rddreg [dreg:$0x2];
	[bflag:$0x3] =	sbarrier.arrive $0xFFFF;
	s2 =	simm.s32 @!p0 $0x1C0A  }
0xda: {  	[timem:s3], [sflag:s2] =	dma.local @!p0 [hbm:s0], s1  }
0xdb: {  	s0 =	simm.s32 @!p0 $0xA  }
0xdc: {  	_ =	swait.ge @!p0 [sflag:s0], s1  }
0xdd: {  	s1 =	ssub.s32 @!p0 $0x0, s1;
	[sflag:s0] =	ssyncset.done @!p0 $0x0  }
0xde: {  	[sflag:s0] =	ssyncadd.s32 @!p0 s1  }
0xdf: {  	[bflag:$0x3] =	sbarrier.arrive $0xFFFF  }
0xe0: {  	_ =	shalt  }

// kernel: kernel.16.cloned.1.call-start
scs
__scs_entry_jumppad:
0x0: {  	(pc) =	sbr.rel $0x88, $3  }
0x1: {  	(tag) =	ssettag $0x0;
	lr =	simm.s32 $0x1  }
0x2: {  	[smem:$0x3F92] =	sst lr;
	_ =	strace $0xD0000000  }
0x3: {  	_ = 	snop  }
0x4: {  	_ = 	snop  }
0x5: {  	_ = 	snop  }
0x6: {  	_ = 	snop  }
0x7: {  	_ = 	snop  }
__scs_overlays_trampoline_lowered:
0x8: {  	[smem:$0x3FA1] =	sst s0  }
0x9: {  	[smem:$0x3FA2] =	sst s1  }
0xa: {  	[smem:$0x3FA3] =	sst s2  }
0xb: {  	[smem:$0x3FA4] =	sst s3  }
0xc: {  	[smem:$0x3FA5] =	sst s4  }
0xd: {  	[smem:$0x3FA6] =	sst s5  }
0xe: {  	[smem:$0x3FA7] =	sst s6  }
0xf: {  	[smem:$0x3FA8] =	sst s7  }
0x10: {  	[smem:$0x3FA9] =	sst s8  }
0x11: {  	[smem:$0x3FAA] =	sst s9;
	s0 =	simm.s32 @!p0 $0x0  }
0x12: {  	s1 =	sld [smem:$0x3F90];
	s0 =	simm.s32 @p0 $0x1  }
0x13: {  	[smem:$0x3FAB] =	sst s0;
	s0 =	simm.s32 @!p1 $0x0  }
0x14: {  	s2 =	sld [smem:$0x3F8F];
	s0 =	simm.s32 @p1 $0x1  }
0x15: {  	[smem:$0x3FAC] =	sst s0;
	s0 =	simm.s32 @!p2 $0x0  }
0x16: {  	s3 =	sld [smem:$0x3FDB];
	s0 =	simm.s32 @p2 $0x1  }
0x17: {  	s4 =	simm.s32 $0x1BF5;
	[smem:$0x3FAE] =	sst s0  }
0x18: {  	s0 =	sld [smem:$0x3F91];
	_ =	swait.ge [sflag:s4], $0x0  }
0x19: {  	s7 =	sld [smem:$0x3F92]  }
0x1a: {  	s8 =	sadd.s32 $0xFFFFE003, lr  }
0x1b: {  	s9 =	sadd.s32 $0xFFFFFEF7, lr;
	s5 =	simm.s32 $0xFFFFFFFF;
	p2 =	slt.u32 s8, $0xFFFFF086  }
0x1c: {  	p1 =	slt.u32 s9, $0xF7A;
	s5 =	simm.s32 @!p2 $0x0  }
0x1d: {  	s5 =	simm.s32 @p1 $0x1;
	p0 =	seq.s32 s7, s2  }
0x1e: {  	s7 =	smul.u32 @!p0 $0xF7A, s2;
	p2 =	seq.s32 @!p0 s5, $0x0  }
0x1f: {  	s9 =	smul.u32 $0xF7A, s1;
	s8 =	simm.s32 @!p0 $0x1BF5;
	p2 =	por !p2, p0  }
0x20: {  	[sflag:s8] =	ssyncset.s32 @!p0 $0xFFFFF086;
	s6 =	sadd.s32 @!p0 s3, s7;
	s7 =	simm.s32 @!p0 $0x108  }
0x21: {  	s3 =	sadd.s32 s3, s9;
	s6 =	sadd.s32 @!p0 $0x88, s6;
	s7 =	simm.s32 @p2 $0x1082  }
0x22: {  	[simem:s7], [sflag:s8] =	dma.local @!p0 [hbm:s6], $0xF7A  }
0x23: {  	s9 =	sor.u32 $0xD0000000, s2;
	s6 =	simm.s32 $0x108;
	_ =	swait.ge @!p0 [sflag:s8], $0x0  }
0x24: {  	s3 =	sadd.s32 $0x88, s3;
	s6 =	simm.s32 @!p1 $0x1082;
	[sflag:s4] =	ssyncset.s32 $0xFFFFF086  }
0x25: {  	[simem:s6], [sflag:s4] =	dma.local [hbm:s3], $0xF7A  }
0x26: {  	[smem:$0x3F92] =	sst s1;
	(tag) =	ssettag s2;
	_ =	strace s9  }
0x27: {  	s1 =	sld [smem:$0x3FA2]  }
0x28: {  	s2 =	sld [smem:$0x3FA3]  }
0x29: {  	s4 =	sld [smem:$0x3FA5]  }
0x2a: {  	p0 =	seq.s32 s5, $0x0;
	s5 =	sld [smem:$0x3FA6]  }
0x2b: {  	s6 =	sld [smem:$0x3FA7]  }
0x2c: {  	s7 =	sld [smem:$0x3FA8]  }
0x2d: {  	s3 =	simm.s32 $0x108;
	s8 =	sld [smem:$0x3FA9]  }
0x2e: {  	s3 =	simm.s32 @!p0 $0x1082;
	s9 =	sld [smem:$0x3FAA]  }
0x2f: {  	lr =	sadd.s32 s0, s3;
	s0 =	sld [smem:$0x3FA1]  }
0x30: {  	s3 =	sld [smem:$0x3FA4]  }
0x31: {  	[smem:$0x3FAD] =	sst s10  }
0x32: {  	s10 =	sld [smem:$0x3FAB];
	_ =	sdelay $0x3  }
0x33: {  	p0 =	seq.s32 s10, $0x1;
	s10 =	sld [smem:$0x3FAD];
	_ =	sdelay $0x3  }
0x34: {  	[smem:$0x3FAD] =	sst s10  }
0x35: {  	s10 =	sld [smem:$0x3FAC];
	_ =	sdelay $0x3  }
0x36: {  	p1 =	seq.s32 s10, $0x1;
	s10 =	sld [smem:$0x3FAD];
	_ =	sdelay $0x3  }
0x37: {  	[smem:$0x3FAD] =	sst s10  }
0x38: {  	s10 =	sld [smem:$0x3FAE]  }
0x39: {  	_ = 	snop;
	(pc) =	sbr.ind lr, $3  }
0x3a: {  	_ = 	snop  }
0x3b: {  	_ = 	snop  }
0x3c: {  	p2 =	seq.s32 s10, $0x1;
	s10 =	sld [smem:$0x3FAD]  }
0x3d: {  	_ =	shalt  }
0x3e: {  	_ =	shalt  }
0x3f: {  	_ =	shalt  }
0x40: {  	_ =	shalt  }
0x41: {  	_ =	shalt  }
0x42: {  	_ =	shalt  }
0x43: {  	_ =	shalt  }
0x44: {  	_ =	shalt  }
0x45: {  	_ =	shalt  }
0x46: {  	_ =	shalt  }
0x47: {  	_ =	shalt  }
0x48: {  	_ =	shalt  }
0x49: {  	_ =	shalt  }
0x4a: {  	_ =	shalt  }
0x4b: {  	_ =	shalt  }
0x4c: {  	_ =	shalt  }
0x4d: {  	_ =	shalt  }
0x4e: {  	_ =	shalt  }
0x4f: {  	_ =	shalt  }
0x50: {  	_ =	shalt  }
0x51: {  	_ =	shalt  }
0x52: {  	_ =	shalt  }
0x53: {  	_ =	shalt  }
0x54: {  	_ =	shalt  }
0x55: {  	_ =	shalt  }
0x56: {  	_ =	shalt  }
0x57: {  	_ =	shalt  }
0x58: {  	_ =	shalt  }
0x59: {  	_ =	shalt  }
0x5a: {  	_ =	shalt  }
0x5b: {  	_ =	shalt  }
0x5c: {  	_ =	shalt  }
0x5d: {  	_ =	shalt  }
0x5e: {  	_ =	shalt  }
0x5f: {  	_ =	shalt  }
0x60: {  	_ =	shalt  }
0x61: {  	_ =	shalt  }
0x62: {  	_ =	shalt  }
0x63: {  	_ =	shalt  }
0x64: {  	_ =	shalt  }
0x65: {  	_ =	shalt  }
0x66: {  	_ =	shalt  }
0x67: {  	_ =	shalt  }
0x68: {  	_ =	shalt  }
0x69: {  	_ =	shalt  }
0x6a: {  	_ =	shalt  }
0x6b: {  	_ =	shalt  }
0x6c: {  	_ =	shalt  }
0x6d: {  	_ =	shalt  }
0x6e: {  	_ =	shalt  }
0x6f: {  	_ =	shalt  }
0x70: {  	_ =	shalt  }
0x71: {  	_ =	shalt  }
0x72: {  	_ =	shalt  }
0x73: {  	_ =	shalt  }
0x74: {  	_ =	shalt  }
0x75: {  	_ =	shalt  }
0x76: {  	_ =	shalt  }
0x77: {  	_ =	shalt  }
0x78: {  	_ =	shalt  }
0x79: {  	_ =	shalt  }
0x7a: {  	_ =	shalt  }
0x7b: {  	_ =	shalt  }
0x7c: {  	_ =	shalt  }
0x7d: {  	_ =	shalt  }
0x7e: {  	_ =	shalt  }
0x7f: {  	_ =	shalt  }
0x80: {  	_ =	shalt  }
0x81: {  	_ =	shalt  }
0x82: {  	_ =	shalt  }
0x83: {  	_ =	shalt  }
0x84: {  	_ =	shalt  }
0x85: {  	_ =	shalt  }
0x86: {  	_ =	shalt  }
0x87: {  	_ =	shalt  }
.Lfunc_end0:
.L_simem_size_0:
called_computation.2_lowered:
.L_overlay_start_0:
0x88: {  	s2 =	sld [smem:$0x3FD9]  }
0x89: {  	s3 =	sld [smem:$0x3FFE];
	_ =	sdelay $0x1  }
0x8a: {  	s1 =	srdreg.scid  }
0x8b: {  	s0 =	sand.u32 $0x1, s1  }
0x8c: {  	s16 =	sshll.u32 s0, $0xA;
	s2 =	sadd.s32 s3, s2  }
0x8d: {  	s2 =	sadd.s32 s2, s16  }
0x8e: {  	[smem:$0x3FB9] =	sst s2  }
0x8f: {  	_ = 	snop  }
0x90: {  	(tm) =	ssettm $0x1  }
0x91: {  	s17 =	sld [smem:$0x3FFB];
	_ =	sdelay $0x3  }
0x92: {  	_ =	strace s17  }
0x93: {  	s2 =	sld [smem:$0x3FFC];
	_ =	sdelay $0x3  }
0x94: {  	_ =	strace s2  }
0x95: {  	s2 =	sld [smem:$0x3FFD];
	_ =	sdelay $0x3  }
0x96: {  	_ =	strace s2  }
0x97: {  	_ =	strace $0x8FFFFFFF  }
0x98: {  	s18 =	sld [smem:$0x3FDB];
	_ =	sdelay $0x1  }
0x99: {  	s19 =	simm.s32 $_scs_section_size  }
0x9a: {  	s4 =	simm.s32 $_size__tile_overlayer_lowered;
	s5 =	simm.s32 $_tile_overlayer_lowered  }
0x9b: {  	s22 =	simm.s32 $0x1BFF;
	s21 =	sshll.u32 s5, $0x1;
	s2 =	sadd.s32 s19, s18  }
0x9c: {  	s6 =	simm.s32 $0x0;
	s20 =	sshll.u32 s4, $0x1;
	s4 =	sadd.s32 s21, s2  }
0x9d: {  	[timem:s6], [sflag:s22] =	dma.local [hbm:s4], s20  }
0x9e: {  	_ =	swait.ge [sflag:s22], s20  }
0x9f: {  	s3 =	ssub.s32 $0x0, s20;
	[sflag:s22] =	ssyncset.done $0x0  }
0xa0: {  	[sflag:s22] =	ssyncadd.s32 s3;
	_ =	sdelay $0x1  }
0xa1: {  	s23 =	simm.s32 $0x1B8B  }
0xa2: {  	_ =	swait.ge [sflag:s23], $0x1  }
0xa3: {  	[sflag:s23] =	ssyncset.done $0x0  }
0xa4: {  	s25 =	simm.s32 $0x1B8E;
	s24 =	sld [smem:$0x3FFE];
	[sflag:s23] =	ssyncadd.s32 $0xFFFFFFFF  }
0xa5: {  	s26 =	simm.s32 $execute0_lowered;
	[smem:$0x3FD2] =	sst s25  }
0xa6: {  	s4 =	sshll.u32 s26, $0x1;
	_ =	strace $0x8000004C;
	[dreg:$0x1] =	wrdreg $0xFFFFFFFF  }
0xa7: {  	s28 =	simm.s32 $_size_execute0_lowered;
	s2 =	sadd.s32 s2, s4;
	[dreg:$0x0] =	wrdreg $0x0  }
0xa8: {  	s4 =	sshll.u32 s28, $0x1;
	[dreg:$0x2] =	wrdreg s2  }
0xa9: {  	[dreg:$0x3] =	wrdreg s4  }
0xaa: {  	[dreg:$0x4] =	wrdreg $0xC0  }
0xab: {  	_ =	task [dreg:s6], $0x5FFFF  }
0xac: {  	[dreg:$0x1] =	wrdreg $0xFFFFFFFF  }
0xad: {  	[dreg:$0x0] =	wrdreg $0x60  }
0xae: {  	[dreg:$0x2] =	wrdreg s24  }
0xaf: {  	[dreg:$0x3] =	wrdreg $0xA1000  }
0xb0: {  	[dreg:$0x4] =	wrdreg $0x9  }
0xb1: {  	_ =	task.clear_ibuf [dreg:s6], $0x5FFFF;
	_ =	strace $0x9000004C  }
0xb2: {  	s29 =	simm.s32 $0x9;
	_ =	strace $0x8000004E  }
0xb3: {  	_ =	swait.ge [sflag:s29], $0x1  }
0xb4: {  	[sflag:s29] =	ssyncadd.s32 $0xFFFFFFFF  }
0xb5: {  	_ =	strace $0x9000004E  }
0xb6: {  	_ =	sfence  }
0xb7: {  	s30 =	sld [smem:$0x0];
	_ =	sdelay $0x2  }
0xb8: {  	s31 =	sshll.u32 s1, $0xD;
	s1 =	sshrl.u32 s1, $0x2  }
0xb9: {  	s3 =	sand.u32 $0x4000, s31;
	s1 =	sadd.s32 s1, s30  }
0xba: {  	s0 =	sor.u32 s3, s0;
	s1 =	sshll.u32 s1, $0x11  }
0xbb: {  	s0 =	sor.u32 s1, s0  }
0xbc: {  	s0 =	sadd.s32 $0x8F2B, s0  }
0xbd: {  	[sflag:s0] =	ssyncadd.remote.s32 $0x1  }
0xbe: {  	_ =	sfence.sel $0xFFFF  }
0xbf: {  	[dreg:$0x0] =	wrdreg $0xFFFFFFFF;
	(pc) =	sbr.abs _section_cstart, $3  }
0xc0: {  	[dreg:$0x1] =	wrdreg $0xFFFFFFFF  }
0xc1: {  	_ =	task.clear_ibuf [dreg:s6], $0x2FFFF;
	_ =	strace $0x9FFFFFFF  }
0xc2: {  	(tm) =	ssettm $0x7FFFFFFF  }
0xc3: {  	_ =	shalt  }
tec
execute0_lowered:
.L_overlay_start_1:
0x0: {  	(tag) =	ssettag $0x1  }
0x1: {  	s0 =	srdreg.scid;
	s1 =	rddreg [dreg:$0x0]  }
0x2: {  	s13 =	stileid.u32;
	s2 =	rddreg [dreg:$0x1]  }
0x3: {  	s28 =	simm.s32 $0x2800;
	s30 =	simm.s32 $0x7900;
	s31 =	simm.s32 $0x2880  }
0x4: {  	s29 =	simm.s32 $0x2;
	s0 =	sand.u32 $0x1, s0;
	s9 =	smul.u32 $0x4E000, s13  }
0x5: {  	s10 =	sadd.s32 $0x3400, s1;
	s26 =	smul.u32 $0x2700, s13;
	s15 =	sshll.u32 s13, $0x6  }
0x6: {  	s12 =	sadd.s32 $0x138000, s2;
	s18 =	smul.u32 $0x2710, s13;
	p0 =	sne.s32 s13, $0xF  }
0x7: {  	s3 =	sshll.u32 s0, $0x4;
	s7 =	ssub.s32 $0x2, s0;
	s16 =	smul.u32 $0x138800, s0  }
0x8: {  	s0 =	smul.u32 $0x27100, s0;
	s4 =	sor.u32 s13, s3;
	s3 =	simm.s32 $0x0  }
0x9: {  	s24 =	sshrl.u32 s7, $0x1;
	s25 =	sshrl.u32 s9, $0x2;
	s13 =	simm.s32 $0x8  }
0xa: {  	s5 =	smul.u32 $0x2710, s4;
	[smem:$0x7FF] =	sst s3;
	s4 =	sadd.s32 $0x53E00, s1  }
0xb: {  	s11 =	sadd.s32 s25, s2;
	s17 =	sshrl.u32 s16, $0x3;
	s9 =	sadd.s32 s26, s0  }
0xc: {  	s0 =	sadd.s32 s18, s0;
	_ =	strace $0x8000004D;
	[dreg:$0x3] =	wrdreg s10  }
0xd: {  	s10 =	ssub.s32 s7, s24;
	s7 =	sor.u32 $0x1C0A, s15;
	[dreg:$0x4] =	wrdreg s12  }
0xe: {  	s22 =	sadd.s32 $0x190, s0;
	s23 =	sadd.s32 $0x140, s0;
	s0 =	sadd.s32 $0xF0, s0  }
0xf: {  	s16 =	sshrl.u32 s11, $0x3;
	s11 =	simm.s32 $0x6;
	s12 =	simm.s32 $0x7  }
0x10: {  	s15 =	simm.s32 $0x0;
	s6 =	sshrl.u32 s5, $0x3;
	[dreg:$0x10] =	wrdreg s0  }
0x11: {  	s5 =	sadd.s32 $0x4EF200, s1;
	s21 =	smax.u32 s10, $0x1;
	[dreg:$0x11] =	wrdreg s16  }
0x12: {  	s8 =	sadd.s32 s6, s1;
	s14 =	sadd.s32 s5, s6;
	[dreg:$0xb] =	wrdreg s21  }
0x13: {  	s0 =	simm.s32 $0x4;
	s8 =	sadd.s32 $0x4E5400, s8;
	[dreg:$0x6] =	wrdreg s14  }
0x14: {  	s1 =	sadd.s32 $0x7B000, s1;
	s6 =	sadd.s32 $0xA, s14;
	[dreg:$0x5] =	wrdreg s8  }
0x15: {  	s19 =	sadd.s32 $0x14, s14;
	s24 =	sadd.s32 $0x4CE, s14;
	[dreg:$0x7] =	wrdreg s6  }
0x16: {  	s25 =	sadd.s32 $0x4D8, s14;
	s14 =	simm.s32 $0x9;
	[dreg:$0x8] =	wrdreg s19  }
0x17: {  	s6 =	sadd.s32 s1, s17;
	s1 =	sadd.s32 s1, s9;
	[dreg:$0xc] =	wrdreg s24  }
0x18: {  	[dreg:$0xd] =	wrdreg s25;
	s24 =	simm.s32 $0x2900;
	s25 =	simm.s32 $0x2780  }
0x19: {  	s8 =	simm.s32 $0x5;
	s9 =	simm.s32 $0x3;
	[dreg:$0x9] =	wrdreg s1  }
0x1a: {  	s20 =	sadd.s32 $0x27000, s6;
	s1 =	sshrl.u32 s22, $0x3;
	s6 =	sshrl.u32 s23, $0x3  }
0x1b: {  	s22 =	simm.s32 $0xA;
	[dreg:$0xa] =	wrdreg s20;
	s1 =	sadd.s32 s1, s5  }
0x1c: {  	s23 =	simm.s32 $0x50;
	s26 =	sadd.s32 s6, s5;
	[dreg:$0xe] =	wrdreg s1  }
0x1d: {  	[dreg:$0xf] =	wrdreg s26;
	s26 =	simm.s32 $0x5100;
	s1 =	simm.s32 $0x1  }
.LBB2_1:
0x1e: {  	s6 =	rddreg [dreg:$0x3]  }
0x1f: {  	[spmem:s16], [sflag:s7] =	dma.local [hbm:s6], $0x2700  }
0x20: {  	_ =	swait.ge [sflag:s22], $0x2700  }
0x21: {  	s10 =	rddreg [dreg:$0x4]  }
0x22: {  	[sflag:s22] =	ssyncset.done $0x0;
	s10 =	sshrl.u32 @!p0 s10, $0x3  }
0x23: {  	[sflag:s22] =	ssyncadd.s32 $0xFFFFD900;
	[dreg:$0x12] =	wrdreg s10  }
0x24: {  	[spmem:s10], [sflag:s7] =	dma.local @!p0 [hbm:s6], $0x100  }
0x25: {  	s6 =	simm.s32 @!p0 $0xA  }
0x26: {  	_ =	swait.ge @!p0 [sflag:s6], $0x100  }
0x27: {  	[sflag:s6] =	ssyncset.done @!p0 $0x0  }
0x28: {  	s17 =	rddreg [dreg:$0x5];
	[sflag:s6] =	ssyncadd.s32 @!p0 $0xFFFFFF00  }
0x29: {  	[tilespmem:s3], [sflag:$0xA] =	stream.linear.gather [hbm4b:s17+s3], $0x2710, $0x38;
	[tilespmem:$0x1D980] =	vst v63  }
0x2a: {  	_ =	swait.ge [sflag:s22], $0x2710  }
0x2b: {  	[sflag:s22] =	ssyncset.done $0x0  }
0x2c: {  	[sflag:s22] =	ssyncadd.s32 $0xFFFFD8F0  }
0x2d: {  	[bflag:$0x0] =	sbarrier.arrive $0xFFFF  }
0x2e: {  	[tilespmem:s24], [sflag:$0x1] =	stream.indirect.gather [hbm4b:s4+s23], $0x80, s3, s23, $0xb8;
	[tilespmem:$0x1D980] =	vst v63  }
0x2f: {  	s18 =	rddreg [dreg:$0x6]  }
0x30: {  	[tilespmem:s25], [sflag:$0x4] =	stream.linear.gather [hbm4b:s18+s3], $0x50, $0x38;
	[tilespmem:$0x1D980] =	vst v63  }
0x31: {  	_ = 	snop  }
0x32: {  	[tilespmem:s26], [sflag:$0x2] =	stream.indirect.gather [hbm4b:s4+s23], $0x80, s23, s23, $0xb8;
	[tilespmem:$0x1D980] =	vst v63  }
0x33: {  	s19 =	rddreg [dreg:$0x7]  }
0x34: {  	[tilespmem:s28], [sflag:$0x5] =	stream.linear.gather [hbm4b:s19+s3], $0x50, $0x38;
	[tilespmem:$0x1D980] =	vst v63  }
0x35: {  	s20 =	simm.s32 $0xA0  }
0x36: {  	[tilespmem:s30], [sflag:$0x3] =	stream.indirect.gather [hbm4b:s4+s23], $0x80, s20, s23, $0xb8;
	[tilespmem:$0x1D980] =	vst v63  }
0x37: {  	s21 =	rddreg [dreg:$0x8]  }
0x38: {  	[tilespmem:s31], [sflag:$0x6] =	stream.linear.gather [hbm4b:s21+s3], $0x50, $0x38;
	[tilespmem:$0x1D980] =	vst v63  }
0x39: {  	_ =	swait.ge [sflag:s1], $0x2800  }
0x3a: {  	[sflag:s1] =	ssyncset.done $0x0  }
0x3b: {  	[sflag:s1] =	ssyncadd.s32 $0xFFFFD800  }
0x3c: {  	_ =	swait.ge [sflag:s0], $0x50  }
0x3d: {  	[sflag:s0] =	ssyncset.done $0x0  }
0x3e: {  	[sflag:s0] =	ssyncadd.s32 $0xFFFFFFB0  }
0x3f: {  	[spmem:s2] =	stream.indirect.scatter.add.f32 [tilespmem:s24], [sflag:$0x7], $0x80, s25, s23, $0xb8;
	[tilespmem:$0x1D980] =	vst v63  }
0x40: {  	_ =	swait.ge [sflag:s29], $0x2800  }
0x41: {  	[sflag:s29] =	ssyncset.done $0x0  }
0x42: {  	[sflag:s29] =	ssyncadd.s32 $0xFFFFD800  }
0x43: {  	_ =	swait.ge [sflag:s8], $0x50  }
0x44: {  	[sflag:s8] =	ssyncset.done $0x0  }
0x45: {  	[sflag:s8] =	ssyncadd.s32 $0xFFFFFFB0  }
0x46: {  	[spmem:s2] =	stream.indirect.scatter.add.f32 [tilespmem:s26], [sflag:$0x8], $0x80, s28, s23, $0xb8;
	[tilespmem:$0x1D980] =	vst v63  }
0x47: {  	_ =	swait.ge [sflag:s9], $0x2800  }
0x48: {  	[sflag:s9] =	ssyncset.done $0x0  }
0x49: {  	[sflag:s9] =	ssyncadd.s32 $0xFFFFD800  }
0x4a: {  	_ =	swait.ge [sflag:s11], $0x50  }
0x4b: {  	[sflag:s11] =	ssyncset.done $0x0  }
0x4c: {  	[sflag:s11] =	ssyncadd.s32 $0xFFFFFFB0  }
0x4d: {  	[spmem:s2] =	stream.indirect.scatter.add.f32 [tilespmem:s30], [sflag:$0x9], $0x80, s31, s23, $0xb8;
	[tilespmem:$0x1D980] =	vst v63  }
0x4e: {  	_ =	swait.ge [sflag:s12], $0x2800  }
0x4f: {  	[sflag:s12] =	ssyncset.done $0x0;
	s19 =	rddreg [dreg:$0x10]  }
0x50: {  	s10 =	simm.s32 $0xF0;
	[sflag:s12] =	ssyncadd.s32 $0xFFFFD800;
	s16 =	sshrl.u32 s19, $0x3  }
0x51: {  	[tilespmem:s24], [sflag:$0x1] =	stream.indirect.gather [hbm4b:s4+s23], $0x80, s10, s23, $0xb8;
	[tilespmem:$0x1D980] =	vst v63  }
0x52: {  	s17 =	sadd.s32 s5, s16  }
0x53: {  	[tilespmem:s25], [sflag:$0x4] =	stream.linear.gather [hbm4b:s17+s3], $0x50, $0x38;
	[tilespmem:$0x1D980] =	vst v63  }
0x54: {  	_ =	swait.ge [sflag:s13], $0x2800  }
0x55: {  	[sflag:s13] =	ssyncset.done $0x0  }
0x56: {  	s18 =	simm.s32 $0x140;
	[sflag:s13] =	ssyncadd.s32 $0xFFFFD800  }
0x57: {  	[tilespmem:s26], [sflag:$0x2] =	stream.indirect.gather [hbm4b:s4+s23], $0x80, s18, s23, $0xb8;
	[tilespmem:$0x1D980] =	vst v63  }
0x58: {  	s20 =	rddreg [dreg:$0xf]  }
0x59: {  	[tilespmem:s28], [sflag:$0x5] =	stream.linear.gather [hbm4b:s20+s3], $0x50, $0x38;
	[tilespmem:$0x1D980] =	vst v63  }
0x5a: {  	s21 =	simm.s32 $0x190;
	s19 =	sadd.s32 $0xF0, s19;
	_ =	swait.ge [sflag:s14], $0x2800  }
0x5b: {  	s17 =	simm.s32 $0x3C0;
	[sflag:s14] =	ssyncset.done $0x0;
	s18 =	rddreg [dreg:$0xe]  }
0x5c: {  	s6 =	sadd.s32 $0x1E, s20;
	[sflag:s14] =	ssyncadd.s32 $0xFFFFD800;
	s10 =	sadd.s32 $0x1E, s18  }
0x5d: {  	[tilespmem:s30], [sflag:$0x3] =	stream.indirect.gather [hbm4b:s4+s23], $0x80, s21, s23, $0xb8;
	[tilespmem:$0x1D980] =	vst v63  }
.LBB2_2:
0x5e: {  	[tilespmem:s31], [sflag:$0x6] =	stream.linear.gather [hbm4b:s18+s3], $0x50, $0x38;
	[tilespmem:$0x1D980] =	vst v63  }
0x5f: {  	s20 =	smov.u32 s17;
	s18 =	smov.u32 s10  }
0x60: {  	p1 =	sne.s32 s17, $0x9240;
	s17 =	sadd.s32 $0x3C0, s17;
	_ =	swait.ge [sflag:s1], $0x2800  }
0x61: {  	[sflag:s1] =	ssyncset.done $0x0  }
0x62: {  	[sflag:s1] =	ssyncadd.s32 $0xFFFFD800  }
0x63: {  	_ =	swait.ge [sflag:s0], $0x50  }
0x64: {  	[sflag:s0] =	ssyncset.done $0x0  }
0x65: {  	[sflag:s0] =	ssyncadd.s32 $0xFFFFFFB0  }
0x66: {  	[spmem:s2] =	stream.indirect.scatter.add.f32 [tilespmem:s24], [sflag:$0x7], $0x80, s25, s23, $0xb8;
	[tilespmem:$0x1D980] =	vst v63  }
0x67: {  	_ =	swait.ge [sflag:s29], $0x2800  }
0x68: {  	[sflag:s29] =	ssyncset.done $0x0  }
0x69: {  	[sflag:s29] =	ssyncadd.s32 $0xFFFFD800  }
0x6a: {  	_ =	swait.ge [sflag:s8], $0x50  }
0x6b: {  	[sflag:s8] =	ssyncset.done $0x0  }
0x6c: {  	[sflag:s8] =	ssyncadd.s32 $0xFFFFFFB0  }
0x6d: {  	[spmem:s2] =	stream.indirect.scatter.add.f32 [tilespmem:s26], [sflag:$0x8], $0x80, s28, s23, $0xb8;
	[tilespmem:$0x1D980] =	vst v63  }
0x6e: {  	_ =	swait.ge [sflag:s9], $0x2800  }
0x6f: {  	[sflag:s9] =	ssyncset.done $0x0  }
0x70: {  	[sflag:s9] =	ssyncadd.s32 $0xFFFFD800  }
0x71: {  	_ =	swait.ge [sflag:s11], $0x50  }
0x72: {  	[sflag:s11] =	ssyncset.done $0x0  }
0x73: {  	[sflag:s11] =	ssyncadd.s32 $0xFFFFFFB0  }
0x74: {  	[spmem:s2] =	stream.indirect.scatter.add.f32 [tilespmem:s30], [sflag:$0x9], $0x80, s31, s23, $0xb8;
	[tilespmem:$0x1D980] =	vst v63  }
0x75: {  	_ =	swait.ge [sflag:s12], $0x2800  }
0x76: {  	s20 =	sshra.s32 s20, $0x2;
	[sflag:s12] =	ssyncset.done $0x0  }
0x77: {  	s16 =	sshrl.u32 s19, $0x3;
	s21 =	sadd.s32 $0xF0, s20;
	[sflag:s12] =	ssyncadd.s32 $0xFFFFD800  }
0x78: {  	[tilespmem:s24], [sflag:$0x1] =	stream.indirect.gather [hbm4b:s4+s23], $0x80, s21, s23, $0xb8;
	[tilespmem:$0x1D980] =	vst v63  }
0x79: {  	s16 =	sadd.s32 s5, s16  }
0x7a: {  	[tilespmem:s25], [sflag:$0x4] =	stream.linear.gather [hbm4b:s16+s3], $0x50, $0x38;
	[tilespmem:$0x1D980] =	vst v63  }
0x7b: {  	_ =	swait.ge [sflag:s13], $0x2800  }
0x7c: {  	[sflag:s13] =	ssyncset.done $0x0  }
0x7d: {  	s16 =	sadd.s32 $0x140, s20;
	[sflag:s13] =	ssyncadd.s32 $0xFFFFD800  }
0x7e: {  	[tilespmem:s26], [sflag:$0x2] =	stream.indirect.gather [hbm4b:s4+s23], $0x80, s16, s23, $0xb8;
	[tilespmem:$0x1D980] =	vst v63  }
0x7f: {  	_ = 	snop  }
0x80: {  	[tilespmem:s28], [sflag:$0x5] =	stream.linear.gather [hbm4b:s6+s3], $0x50, $0x38;
	[tilespmem:$0x1D980] =	vst v63  }
.Ltmp0:
0x81: {  	_ =	swait.ge [sflag:s14], $0x2800;
	(pc) =	sbr.rel @p1 .LBB2_2-.Ltmp0, $4  }
0x82: {  	[sflag:s14] =	ssyncset.done $0x0  }
0x83: {  	s16 =	sadd.s32 $0x190, s20;
	[sflag:s14] =	ssyncadd.s32 $0xFFFFD800  }
0x84: {  	[tilespmem:s30], [sflag:$0x3] =	stream.indirect.gather [hbm4b:s4+s23], $0x80, s16, s23, $0xb8;
	[tilespmem:$0x1D980] =	vst v63  }
0x85: {  	s10 =	sadd.s32 $0x1E, s10;
	s19 =	sadd.s32 $0xF0, s19;
	s6 =	sadd.s32 $0x1E, s6  }
0x86: {  	[tilespmem:s31], [sflag:$0x6] =	stream.linear.gather [hbm4b:s18+s3], $0x50, $0x38;
	[tilespmem:$0x1D980] =	vst v63  }
0x87: {  	_ =	swait.ge [sflag:s1], $0x2800  }
0x88: {  	[sflag:s1] =	ssyncset.done $0x0  }
0x89: {  	[sflag:s1] =	ssyncadd.s32 $0xFFFFD800  }
0x8a: {  	_ =	swait.ge [sflag:s0], $0x50  }
0x8b: {  	[sflag:s0] =	ssyncset.done $0x0  }
0x8c: {  	[sflag:s0] =	ssyncadd.s32 $0xFFFFFFB0  }
0x8d: {  	[spmem:s2] =	stream.indirect.scatter.add.f32 [tilespmem:s24], [sflag:$0x7], $0x80, s25, s23, $0xb8;
	[tilespmem:$0x1D980] =	vst v63  }
0x8e: {  	_ =	swait.ge [sflag:s29], $0x2800  }
0x8f: {  	[sflag:s29] =	ssyncset.done $0x0  }
0x90: {  	[sflag:s29] =	ssyncadd.s32 $0xFFFFD800  }
0x91: {  	_ =	swait.ge [sflag:s8], $0x50  }
0x92: {  	[sflag:s8] =	ssyncset.done $0x0  }
0x93: {  	[sflag:s8] =	ssyncadd.s32 $0xFFFFFFB0  }
0x94: {  	[spmem:s2] =	stream.indirect.scatter.add.f32 [tilespmem:s26], [sflag:$0x8], $0x80, s28, s23, $0xb8;
	[tilespmem:$0x1D980] =	vst v63  }
0x95: {  	_ =	swait.ge [sflag:s9], $0x2800  }
0x96: {  	[sflag:s9] =	ssyncset.done $0x0  }
0x97: {  	[sflag:s9] =	ssyncadd.s32 $0xFFFFD800  }
0x98: {  	_ =	swait.ge [sflag:s11], $0x50  }
0x99: {  	[sflag:s11] =	ssyncset.done $0x0  }
0x9a: {  	[sflag:s11] =	ssyncadd.s32 $0xFFFFFFB0  }
0x9b: {  	[spmem:s2] =	stream.indirect.scatter.add.f32 [tilespmem:s30], [sflag:$0x9], $0x80, s31, s23, $0xb8;
	[tilespmem:$0x1D980] =	vst v63  }
0x9c: {  	_ =	swait.ge [sflag:s12], $0x2800  }
0x9d: {  	[sflag:s12] =	ssyncset.done $0x0  }
0x9e: {  	s6 =	simm.s32 $0x2670;
	[sflag:s12] =	ssyncadd.s32 $0xFFFFD800  }
0x9f: {  	[tilespmem:s24], [sflag:$0x1] =	stream.indirect.gather [hbm4b:s4+s23], $0x80, s6, s23, $0xb8;
	[tilespmem:$0x1D980] =	vst v63  }
0xa0: {  	s17 =	rddreg [dreg:$0xc]  }
0xa1: {  	[tilespmem:s25], [sflag:$0x4] =	stream.linear.gather [hbm4b:s17+s3], $0x50, $0x38;
	[tilespmem:$0x1D980] =	vst v63  }
0xa2: {  	_ =	swait.ge [sflag:s13], $0x2800  }
0xa3: {  	[sflag:s13] =	ssyncset.done $0x0  }
0xa4: {  	s18 =	simm.s32 $0x26C0;
	[sflag:s13] =	ssyncadd.s32 $0xFFFFD800  }
0xa5: {  	[tilespmem:s26], [sflag:$0x2] =	stream.indirect.gather [hbm4b:s4+s23], $0x80, s18, s23, $0xb8;
	[tilespmem:$0x1D980] =	vst v63  }
0xa6: {  	s19 =	rddreg [dreg:$0xd]  }
0xa7: {  	[tilespmem:s28], [sflag:$0x5] =	stream.linear.gather [hbm4b:s19+s3], $0x50, $0x38;
	[tilespmem:$0x1D980] =	vst v63  }
0xa8: {  	_ =	swait.ge [sflag:s14], $0x2800  }
0xa9: {  	[sflag:s14] =	ssyncset.done $0x0  }
0xaa: {  	[sflag:s14] =	ssyncadd.s32 $0xFFFFD800  }
0xab: {  	_ =	swait.ge [sflag:s1], $0x2800  }
0xac: {  	[sflag:s1] =	ssyncset.done $0x0  }
0xad: {  	[sflag:s1] =	ssyncadd.s32 $0xFFFFD800  }
0xae: {  	_ =	swait.ge [sflag:s0], $0x50  }
0xaf: {  	[sflag:s0] =	ssyncset.done $0x0  }
0xb0: {  	[sflag:s0] =	ssyncadd.s32 $0xFFFFFFB0  }
0xb1: {  	[spmem:s2] =	stream.indirect.scatter.add.f32 [tilespmem:s24], [sflag:$0x7], $0x80, s25, s23, $0xb8;
	[tilespmem:$0x1D980] =	vst v63  }
0xb2: {  	_ =	swait.ge [sflag:s12], $0x2800  }
0xb3: {  	[sflag:s12] =	ssyncset.done $0x0  }
0xb4: {  	[sflag:s12] =	ssyncadd.s32 $0xFFFFD800  }
0xb5: {  	_ =	swait.ge [sflag:s29], $0x2800  }
0xb6: {  	[sflag:s29] =	ssyncset.done $0x0  }
0xb7: {  	[sflag:s29] =	ssyncadd.s32 $0xFFFFD800  }
0xb8: {  	_ =	swait.ge [sflag:s8], $0x50  }
0xb9: {  	[sflag:s8] =	ssyncset.done $0x0  }
0xba: {  	[sflag:s8] =	ssyncadd.s32 $0xFFFFFFB0  }
0xbb: {  	[spmem:s2] =	stream.indirect.scatter.add.f32 [tilespmem:s26], [sflag:$0x8], $0x80, s28, s23, $0xb8;
	[tilespmem:$0x1D980] =	vst v63  }
0xbc: {  	_ =	swait.ge [sflag:s13], $0x2800  }
0xbd: {  	[sflag:s13] =	ssyncset.done $0x0  }
0xbe: {  	[sflag:s13] =	ssyncadd.s32 $0xFFFFD800  }
0xbf: {  	[bflag:$0x0] =	sbarrier.arrive $0xFFFF  }
0xc0: {  	s20 =	rddreg [dreg:$0x9]  }
0xc1: {  	s16 =	rddreg [dreg:$0x11]  }
0xc2: {  	[hbm:s20], [sflag:s7] =	dma.local [spmem:s16], $0x2700  }
0xc3: {  	_ =	swait.ge [sflag:s22], $0x2700  }
0xc4: {  	[sflag:s22] =	ssyncset.done $0x0;
	s6 =	rddreg [dreg:$0xa]  }
0xc5: {  	s10 =	rddreg [dreg:$0x12];
	[sflag:s22] =	ssyncadd.s32 $0xFFFFD900  }
0xc6: {  	[hbm:s6], [sflag:s7] =	dma.local @!p0 [spmem:s10], $0x100  }
0xc7: {  	s6 =	simm.s32 @!p0 $0xA  }
0xc8: {  	_ =	swait.ge @!p0 [sflag:s6], $0x100  }
0xc9: {  	s15 =	sadd.s32 $0x1, s15;
	s21 =	rddreg [dreg:$0xb]  }
0xca: {  	p1 =	sne.s32 s15, s21  }
.Ltmp1:
0xcb: {  	_ = 	snop;
	(pc) =	sbr.rel @p1 .LBB2_1-.Ltmp1, $3  }
0xcc: {  	_ =	sdelay $0x1  }
0xcd: {  	[sflag:s6] =	ssyncset.done @!p0 $0x0  }
0xce: {  	[sflag:s6] =	ssyncadd.s32 @!p0 $0xFFFFFF00  }
0xcf: {  	_ =	sfence.sel $0x180000  }
0xd0: {  	[bflag:$0x0] =	sbarrier.arrive $0xFFFF  }
0xd1: {  	_ =	strace $0x9000004D  }
0xd2: {  	s0 =	stileid.u32;
	[bflag:$0x2] =	sbarrier.arrive $0xFFFF  }
0xd3: {  	p0 =	sne.s32 s0, $0x0;
	s0 =	rddreg [dreg:$0x2]  }
0xd4: {  	s0 =	sadd.s32 @!p0 $0x100000, s0  }
0xd5: {  	[sflag:s0] =	ssyncadd.tile.s32 @!p0 $0x1;
	_ =	shalt  }
.Lfunc_end2:
_tile_overlayer_lowered:
.L_overlay_start_2:
0xd6: {  	(tag) =	ssettag $0x2  }
0xd7: {  	s0 =	rddreg [dreg:$0x0];
	s2 =	stileid.u32  }
0xd8: {  	s1 =	rddreg [dreg:$0x1];
	p0 =	sne.s32 s2, $0x0  }
0xd9: {  	s3 =	rddreg [dreg:$0x2];
	[bflag:$0x3] =	sbarrier.arrive $0xFFFF;
	s2 =	simm.s32 @!p0 $0x1C0A  }
0xda: {  	[timem:s3], [sflag:s2] =	dma.local @!p0 [hbm:s0], s1  }
0xdb: {  	s0 =	simm.s32 @!p0 $0xA  }
0xdc: {  	_ =	swait.ge @!p0 [sflag:s0], s1  }
0xdd: {  	s1 =	ssub.s32 @!p0 $0x0, s1;
	[sflag:s0] =	ssyncset.done @!p0 $0x0  }
0xde: {  	[sflag:s0] =	ssyncadd.s32 @!p0 s1  }
0xdf: {  	[bflag:$0x3] =	sbarrier.arrive $0xFFFF  }
0xe0: {  	_ =	shalt  }

// kernel: kernel.19.cloned.1.call-start
scs
__scs_entry_jumppad:
0x0: {  	(pc) =	sbr.rel $0x88, $3  }
0x1: {  	(tag) =	ssettag $0x0;
	lr =	simm.s32 $0x1  }
0x2: {  	[smem:$0x3F92] =	sst lr;
	_ =	strace $0xD0000000  }
0x3: {  	_ = 	snop  }
0x4: {  	_ = 	snop  }
0x5: {  	_ = 	snop  }
0x6: {  	_ = 	snop  }
0x7: {  	_ = 	snop  }
__scs_overlays_trampoline_lowered:
0x8: {  	[smem:$0x3FA1] =	sst s0  }
0x9: {  	[smem:$0x3FA2] =	sst s1  }
0xa: {  	[smem:$0x3FA3] =	sst s2  }
0xb: {  	[smem:$0x3FA4] =	sst s3  }
0xc: {  	[smem:$0x3FA5] =	sst s4  }
0xd: {  	[smem:$0x3FA6] =	sst s5  }
0xe: {  	[smem:$0x3FA7] =	sst s6  }
0xf: {  	[smem:$0x3FA8] =	sst s7  }
0x10: {  	[smem:$0x3FA9] =	sst s8  }
0x11: {  	[smem:$0x3FAA] =	sst s9;
	s0 =	simm.s32 @!p0 $0x0  }
0x12: {  	s1 =	sld [smem:$0x3F90];
	s0 =	simm.s32 @p0 $0x1  }
0x13: {  	[smem:$0x3FAB] =	sst s0;
	s0 =	simm.s32 @!p1 $0x0  }
0x14: {  	s2 =	sld [smem:$0x3F8F];
	s0 =	simm.s32 @p1 $0x1  }
0x15: {  	[smem:$0x3FAC] =	sst s0;
	s0 =	simm.s32 @!p2 $0x0  }
0x16: {  	s3 =	sld [smem:$0x3FDB];
	s0 =	simm.s32 @p2 $0x1  }
0x17: {  	s4 =	simm.s32 $0x1BF5;
	[smem:$0x3FAE] =	sst s0  }
0x18: {  	s0 =	sld [smem:$0x3F91];
	_ =	swait.ge [sflag:s4], $0x0  }
0x19: {  	s7 =	sld [smem:$0x3F92]  }
0x1a: {  	s8 =	sadd.s32 $0xFFFFE003, lr  }
0x1b: {  	s9 =	sadd.s32 $0xFFFFFEF7, lr;
	s5 =	simm.s32 $0xFFFFFFFF;
	p2 =	slt.u32 s8, $0xFFFFF086  }
0x1c: {  	p1 =	slt.u32 s9, $0xF7A;
	s5 =	simm.s32 @!p2 $0x0  }
0x1d: {  	s5 =	simm.s32 @p1 $0x1;
	p0 =	seq.s32 s7, s2  }
0x1e: {  	s7 =	smul.u32 @!p0 $0xF7A, s2;
	p2 =	seq.s32 @!p0 s5, $0x0  }
0x1f: {  	s9 =	smul.u32 $0xF7A, s1;
	s8 =	simm.s32 @!p0 $0x1BF5;
	p2 =	por !p2, p0  }
0x20: {  	[sflag:s8] =	ssyncset.s32 @!p0 $0xFFFFF086;
	s6 =	sadd.s32 @!p0 s3, s7;
	s7 =	simm.s32 @!p0 $0x108  }
0x21: {  	s3 =	sadd.s32 s3, s9;
	s6 =	sadd.s32 @!p0 $0x88, s6;
	s7 =	simm.s32 @p2 $0x1082  }
0x22: {  	[simem:s7], [sflag:s8] =	dma.local @!p0 [hbm:s6], $0xF7A  }
0x23: {  	s9 =	sor.u32 $0xD0000000, s2;
	s6 =	simm.s32 $0x108;
	_ =	swait.ge @!p0 [sflag:s8], $0x0  }
0x24: {  	s3 =	sadd.s32 $0x88, s3;
	s6 =	simm.s32 @!p1 $0x1082;
	[sflag:s4] =	ssyncset.s32 $0xFFFFF086  }
0x25: {  	[simem:s6], [sflag:s4] =	dma.local [hbm:s3], $0xF7A  }
0x26: {  	[smem:$0x3F92] =	sst s1;
	(tag) =	ssettag s2;
	_ =	strace s9  }
0x27: {  	s1 =	sld [smem:$0x3FA2]  }
0x28: {  	s2 =	sld [smem:$0x3FA3]  }
0x29: {  	s4 =	sld [smem:$0x3FA5]  }
0x2a: {  	p0 =	seq.s32 s5, $0x0;
	s5 =	sld [smem:$0x3FA6]  }
0x2b: {  	s6 =	sld [smem:$0x3FA7]  }
0x2c: {  	s7 =	sld [smem:$0x3FA8]  }
0x2d: {  	s3 =	simm.s32 $0x108;
	s8 =	sld [smem:$0x3FA9]  }
0x2e: {  	s3 =	simm.s32 @!p0 $0x1082;
	s9 =	sld [smem:$0x3FAA]  }
0x2f: {  	lr =	sadd.s32 s0, s3;
	s0 =	sld [smem:$0x3FA1]  }
0x30: {  	s3 =	sld [smem:$0x3FA4]  }
0x31: {  	[smem:$0x3FAD] =	sst s10  }
0x32: {  	s10 =	sld [smem:$0x3FAB];
	_ =	sdelay $0x3  }
0x33: {  	p0 =	seq.s32 s10, $0x1;
	s10 =	sld [smem:$0x3FAD];
	_ =	sdelay $0x3  }
0x34: {  	[smem:$0x3FAD] =	sst s10  }
0x35: {  	s10 =	sld [smem:$0x3FAC];
	_ =	sdelay $0x3  }
0x36: {  	p1 =	seq.s32 s10, $0x1;
	s10 =	sld [smem:$0x3FAD];
	_ =	sdelay $0x3  }
0x37: {  	[smem:$0x3FAD] =	sst s10  }
0x38: {  	s10 =	sld [smem:$0x3FAE]  }
0x39: {  	_ = 	snop;
	(pc) =	sbr.ind lr, $3  }
0x3a: {  	_ = 	snop  }
0x3b: {  	_ = 	snop  }
0x3c: {  	p2 =	seq.s32 s10, $0x1;
	s10 =	sld [smem:$0x3FAD]  }
0x3d: {  	_ =	shalt  }
0x3e: {  	_ =	shalt  }
0x3f: {  	_ =	shalt  }
0x40: {  	_ =	shalt  }
0x41: {  	_ =	shalt  }
0x42: {  	_ =	shalt  }
0x43: {  	_ =	shalt  }
0x44: {  	_ =	shalt  }
0x45: {  	_ =	shalt  }
0x46: {  	_ =	shalt  }
0x47: {  	_ =	shalt  }
0x48: {  	_ =	shalt  }
0x49: {  	_ =	shalt  }
0x4a: {  	_ =	shalt  }
0x4b: {  	_ =	shalt  }
0x4c: {  	_ =	shalt  }
0x4d: {  	_ =	shalt  }
0x4e: {  	_ =	shalt  }
0x4f: {  	_ =	shalt  }
0x50: {  	_ =	shalt  }
0x51: {  	_ =	shalt  }
0x52: {  	_ =	shalt  }
0x53: {  	_ =	shalt  }
0x54: {  	_ =	shalt  }
0x55: {  	_ =	shalt  }
0x56: {  	_ =	shalt  }
0x57: {  	_ =	shalt  }
0x58: {  	_ =	shalt  }
0x59: {  	_ =	shalt  }
0x5a: {  	_ =	shalt  }
0x5b: {  	_ =	shalt  }
0x5c: {  	_ =	shalt  }
0x5d: {  	_ =	shalt  }
0x5e: {  	_ =	shalt  }
0x5f: {  	_ =	shalt  }
0x60: {  	_ =	shalt  }
0x61: {  	_ =	shalt  }
0x62: {  	_ =	shalt  }
0x63: {  	_ =	shalt  }
0x64: {  	_ =	shalt  }
0x65: {  	_ =	shalt  }
0x66: {  	_ =	shalt  }
0x67: {  	_ =	shalt  }
0x68: {  	_ =	shalt  }
0x69: {  	_ =	shalt  }
0x6a: {  	_ =	shalt  }
0x6b: {  	_ =	shalt  }
0x6c: {  	_ =	shalt  }
0x6d: {  	_ =	shalt  }
0x6e: {  	_ =	shalt  }
0x6f: {  	_ =	shalt  }
0x70: {  	_ =	shalt  }
0x71: {  	_ =	shalt  }
0x72: {  	_ =	shalt  }
0x73: {  	_ =	shalt  }
0x74: {  	_ =	shalt  }
0x75: {  	_ =	shalt  }
0x76: {  	_ =	shalt  }
0x77: {  	_ =	shalt  }
0x78: {  	_ =	shalt  }
0x79: {  	_ =	shalt  }
0x7a: {  	_ =	shalt  }
0x7b: {  	_ =	shalt  }
0x7c: {  	_ =	shalt  }
0x7d: {  	_ =	shalt  }
0x7e: {  	_ =	shalt  }
0x7f: {  	_ =	shalt  }
0x80: {  	_ =	shalt  }
0x81: {  	_ =	shalt  }
0x82: {  	_ =	shalt  }
0x83: {  	_ =	shalt  }
0x84: {  	_ =	shalt  }
0x85: {  	_ =	shalt  }
0x86: {  	_ =	shalt  }
0x87: {  	_ =	shalt  }
.Lfunc_end0:
.L_simem_size_0:
called_computation.3_lowered:
.L_overlay_start_0:
0x88: {  	s2 =	sld [smem:$0x3FD9]  }
0x89: {  	s3 =	sld [smem:$0x3FFE];
	_ =	sdelay $0x1  }
0x8a: {  	s1 =	srdreg.scid  }
0x8b: {  	s0 =	sand.u32 $0x1, s1  }
0x8c: {  	s16 =	sshll.u32 s0, $0xA;
	s2 =	sadd.s32 s3, s2  }
0x8d: {  	s2 =	sadd.s32 s2, s16  }
0x8e: {  	[smem:$0x3FB9] =	sst s2  }
0x8f: {  	_ = 	snop  }
0x90: {  	(tm) =	ssettm $0x1  }
0x91: {  	s17 =	sld [smem:$0x3FFB];
	_ =	sdelay $0x3  }
0x92: {  	_ =	strace s17  }
0x93: {  	s2 =	sld [smem:$0x3FFC];
	_ =	sdelay $0x3  }
0x94: {  	_ =	strace s2  }
0x95: {  	s2 =	sld [smem:$0x3FFD];
	_ =	sdelay $0x3  }
0x96: {  	_ =	strace s2  }
0x97: {  	_ =	strace $0x8FFFFFFF  }
0x98: {  	s18 =	sld [smem:$0x3FDB];
	_ =	sdelay $0x1  }
0x99: {  	s19 =	simm.s32 $_scs_section_size  }
0x9a: {  	s4 =	simm.s32 $_size__tile_overlayer_lowered;
	s5 =	simm.s32 $_tile_overlayer_lowered  }
0x9b: {  	s22 =	simm.s32 $0x1BFF;
	s21 =	sshll.u32 s5, $0x1;
	s2 =	sadd.s32 s19, s18  }
0x9c: {  	s6 =	simm.s32 $0x0;
	s20 =	sshll.u32 s4, $0x1;
	s4 =	sadd.s32 s21, s2  }
0x9d: {  	[timem:s6], [sflag:s22] =	dma.local [hbm:s4], s20  }
0x9e: {  	_ =	swait.ge [sflag:s22], s20  }
0x9f: {  	s3 =	ssub.s32 $0x0, s20;
	[sflag:s22] =	ssyncset.done $0x0  }
0xa0: {  	[sflag:s22] =	ssyncadd.s32 s3;
	_ =	sdelay $0x1  }
0xa1: {  	s23 =	simm.s32 $0x1B8B  }
0xa2: {  	_ =	swait.ge [sflag:s23], $0x1  }
0xa3: {  	[sflag:s23] =	ssyncset.done $0x0  }
0xa4: {  	s25 =	simm.s32 $0x1B8E;
	s24 =	sld [smem:$0x3FFE];
	[sflag:s23] =	ssyncadd.s32 $0xFFFFFFFF  }
0xa5: {  	s26 =	simm.s32 $execute0_lowered;
	[smem:$0x3FD2] =	sst s25  }
0xa6: {  	s4 =	sshll.u32 s26, $0x1;
	_ =	strace $0x8000004F;
	[dreg:$0x1] =	wrdreg $0xFFFFFFFF  }
0xa7: {  	s28 =	simm.s32 $_size_execute0_lowered;
	s2 =	sadd.s32 s2, s4;
	[dreg:$0x0] =	wrdreg $0x0  }
0xa8: {  	s4 =	sshll.u32 s28, $0x1;
	[dreg:$0x2] =	wrdreg s2  }
0xa9: {  	[dreg:$0x3] =	wrdreg s4  }
0xaa: {  	[dreg:$0x4] =	wrdreg $0xC0  }
0xab: {  	_ =	task [dreg:s6], $0x5FFFF  }
0xac: {  	[dreg:$0x1] =	wrdreg $0xFFFFFFFF  }
0xad: {  	[dreg:$0x0] =	wrdreg $0x60  }
0xae: {  	[dreg:$0x2] =	wrdreg s24  }
0xaf: {  	[dreg:$0x3] =	wrdreg $0xA1000  }
0xb0: {  	[dreg:$0x4] =	wrdreg $0x9  }
0xb1: {  	_ =	task.clear_ibuf [dreg:s6], $0x5FFFF;
	_ =	strace $0x9000004F  }
0xb2: {  	s29 =	simm.s32 $0x9;
	_ =	strace $0x80000051  }
0xb3: {  	_ =	swait.ge [sflag:s29], $0x1  }
0xb4: {  	[sflag:s29] =	ssyncadd.s32 $0xFFFFFFFF  }
0xb5: {  	_ =	strace $0x90000051  }
0xb6: {  	_ =	sfence  }
0xb7: {  	s30 =	sld [smem:$0x0];
	_ =	sdelay $0x2  }
0xb8: {  	s31 =	sshll.u32 s1, $0xD;
	s1 =	sshrl.u32 s1, $0x2  }
0xb9: {  	s3 =	sand.u32 $0x4000, s31;
	s1 =	sadd.s32 s1, s30  }
0xba: {  	s0 =	sor.u32 s3, s0;
	s1 =	sshll.u32 s1, $0x11  }
0xbb: {  	s0 =	sor.u32 s1, s0  }
0xbc: {  	s0 =	sadd.s32 $0x8F2B, s0  }
0xbd: {  	[sflag:s0] =	ssyncadd.remote.s32 $0x1  }
0xbe: {  	_ =	sfence.sel $0xFFFF  }
0xbf: {  	[dreg:$0x0] =	wrdreg $0xFFFFFFFF;
	(pc) =	sbr.abs _section_cstart, $3  }
0xc0: {  	[dreg:$0x1] =	wrdreg $0xFFFFFFFF  }
0xc1: {  	_ =	task.clear_ibuf [dreg:s6], $0x2FFFF;
	_ =	strace $0x9FFFFFFF  }
0xc2: {  	(tm) =	ssettm $0x7FFFFFFF  }
0xc3: {  	_ =	shalt  }
tec
execute0_lowered:
.L_overlay_start_1:
0x0: {  	(tag) =	ssettag $0x1  }
0x1: {  	s0 =	srdreg.scid;
	s1 =	rddreg [dreg:$0x0]  }
0x2: {  	s13 =	stileid.u32;
	s2 =	rddreg [dreg:$0x1]  }
0x3: {  	s28 =	simm.s32 $0x2800;
	s30 =	simm.s32 $0x7900;
	s31 =	simm.s32 $0x2880  }
0x4: {  	s29 =	simm.s32 $0x2;
	s0 =	sand.u32 $0x1, s0;
	s9 =	smul.u32 $0x4E000, s13  }
0x5: {  	s10 =	sadd.s32 $0x3400, s1;
	s26 =	smul.u32 $0x2700, s13;
	s15 =	sshll.u32 s13, $0x6  }
0x6: {  	s12 =	sadd.s32 $0x138000, s2;
	s18 =	smul.u32 $0x2710, s13;
	p0 =	sne.s32 s13, $0xF  }
0x7: {  	s3 =	sshll.u32 s0, $0x4;
	s7 =	ssub.s32 $0x2, s0;
	s16 =	smul.u32 $0x138800, s0  }
0x8: {  	s0 =	smul.u32 $0x27100, s0;
	s4 =	sor.u32 s13, s3;
	s3 =	simm.s32 $0x0  }
0x9: {  	s24 =	sshrl.u32 s7, $0x1;
	s25 =	sshrl.u32 s9, $0x2;
	s13 =	simm.s32 $0x8  }
0xa: {  	s5 =	smul.u32 $0x2710, s4;
	[smem:$0x7FF] =	sst s3;
	s4 =	sadd.s32 $0x53E00, s1  }
0xb: {  	s11 =	sadd.s32 s25, s2;
	s17 =	sshrl.u32 s16, $0x3;
	s9 =	sadd.s32 s26, s0  }
0xc: {  	s0 =	sadd.s32 s18, s0;
	_ =	strace $0x80000050;
	[dreg:$0x3] =	wrdreg s10  }
0xd: {  	s10 =	ssub.s32 s7, s24;
	s7 =	sor.u32 $0x1C0A, s15;
	[dreg:$0x4] =	wrdreg s12  }
0xe: {  	s22 =	sadd.s32 $0x190, s0;
	s23 =	sadd.s32 $0x140, s0;
	s0 =	sadd.s32 $0xF0, s0  }
0xf: {  	s16 =	sshrl.u32 s11, $0x3;
	s11 =	simm.s32 $0x6;
	s12 =	simm.s32 $0x7  }
0x10: {  	s15 =	simm.s32 $0x0;
	s6 =	sshrl.u32 s5, $0x3;
	[dreg:$0x10] =	wrdreg s0  }
0x11: {  	s5 =	sadd.s32 $0x4EF200, s1;
	s21 =	smax.u32 s10, $0x1;
	[dreg:$0x11] =	wrdreg s16  }
0x12: {  	s8 =	sadd.s32 s6, s1;
	s14 =	sadd.s32 s5, s6;
	[dreg:$0xb] =	wrdreg s21  }
0x13: {  	s0 =	simm.s32 $0x4;
	s8 =	sadd.s32 $0x4E5400, s8;
	[dreg:$0x6] =	wrdreg s14  }
0x14: {  	s1 =	sadd.s32 $0x7B000, s1;
	s6 =	sadd.s32 $0xA, s14;
	[dreg:$0x5] =	wrdreg s8  }
0x15: {  	s19 =	sadd.s32 $0x14, s14;
	s24 =	sadd.s32 $0x4CE, s14;
	[dreg:$0x7] =	wrdreg s6  }
0x16: {  	s25 =	sadd.s32 $0x4D8, s14;
	s14 =	simm.s32 $0x9;
	[dreg:$0x8] =	wrdreg s19  }
0x17: {  	s6 =	sadd.s32 s1, s17;
	s1 =	sadd.s32 s1, s9;
	[dreg:$0xc] =	wrdreg s24  }
0x18: {  	[dreg:$0xd] =	wrdreg s25;
	s24 =	simm.s32 $0x2900;
	s25 =	simm.s32 $0x2780  }
0x19: {  	s8 =	simm.s32 $0x5;
	s9 =	simm.s32 $0x3;
	[dreg:$0x9] =	wrdreg s1  }
0x1a: {  	s20 =	sadd.s32 $0x27000, s6;
	s1 =	sshrl.u32 s22, $0x3;
	s6 =	sshrl.u32 s23, $0x3  }
0x1b: {  	s22 =	simm.s32 $0xA;
	[dreg:$0xa] =	wrdreg s20;
	s1 =	sadd.s32 s1, s5  }
0x1c: {  	s23 =	simm.s32 $0x50;
	s26 =	sadd.s32 s6, s5;
	[dreg:$0xe] =	wrdreg s1  }
0x1d: {  	[dreg:$0xf] =	wrdreg s26;
	s26 =	simm.s32 $0x5100;
	s1 =	simm.s32 $0x1  }
.LBB2_1:
0x1e: {  	s6 =	rddreg [dreg:$0x3]  }
0x1f: {  	[spmem:s16], [sflag:s7] =	dma.local [hbm:s6], $0x2700  }
0x20: {  	_ =	swait.ge [sflag:s22], $0x2700  }
0x21: {  	s10 =	rddreg [dreg:$0x4]  }
0x22: {  	[sflag:s22] =	ssyncset.done $0x0;
	s10 =	sshrl.u32 @!p0 s10, $0x3  }
0x23: {  	[sflag:s22] =	ssyncadd.s32 $0xFFFFD900;
	[dreg:$0x12] =	wrdreg s10  }
0x24: {  	[spmem:s10], [sflag:s7] =	dma.local @!p0 [hbm:s6], $0x100  }
0x25: {  	s6 =	simm.s32 @!p0 $0xA  }
0x26: {  	_ =	swait.ge @!p0 [sflag:s6], $0x100  }
0x27: {  	[sflag:s6] =	ssyncset.done @!p0 $0x0  }
0x28: {  	s17 =	rddreg [dreg:$0x5];
	[sflag:s6] =	ssyncadd.s32 @!p0 $0xFFFFFF00  }
0x29: {  	[tilespmem:s3], [sflag:$0xA] =	stream.linear.gather [hbm4b:s17+s3], $0x2710, $0x38;
	[tilespmem:$0x1D980] =	vst v63  }
0x2a: {  	_ =	swait.ge [sflag:s22], $0x2710  }
0x2b: {  	[sflag:s22] =	ssyncset.done $0x0  }
0x2c: {  	[sflag:s22] =	ssyncadd.s32 $0xFFFFD8F0  }
0x2d: {  	[bflag:$0x0] =	sbarrier.arrive $0xFFFF  }
0x2e: {  	[tilespmem:s24], [sflag:$0x1] =	stream.indirect.gather [hbm4b:s4+s23], $0x80, s3, s23, $0xb8;
	[tilespmem:$0x1D980] =	vst v63  }
0x2f: {  	s18 =	rddreg [dreg:$0x6]  }
0x30: {  	[tilespmem:s25], [sflag:$0x4] =	stream.linear.gather [hbm4b:s18+s3], $0x50, $0x38;
	[tilespmem:$0x1D980] =	vst v63  }
0x31: {  	_ = 	snop  }
0x32: {  	[tilespmem:s26], [sflag:$0x2] =	stream.indirect.gather [hbm4b:s4+s23], $0x80, s23, s23, $0xb8;
	[tilespmem:$0x1D980] =	vst v63  }
0x33: {  	s19 =	rddreg [dreg:$0x7]  }
0x34: {  	[tilespmem:s28], [sflag:$0x5] =	stream.linear.gather [hbm4b:s19+s3], $0x50, $0x38;
	[tilespmem:$0x1D980] =	vst v63  }
0x35: {  	s20 =	simm.s32 $0xA0  }
0x36: {  	[tilespmem:s30], [sflag:$0x3] =	stream.indirect.gather [hbm4b:s4+s23], $0x80, s20, s23, $0xb8;
	[tilespmem:$0x1D980] =	vst v63  }
0x37: {  	s21 =	rddreg [dreg:$0x8]  }
0x38: {  	[tilespmem:s31], [sflag:$0x6] =	stream.linear.gather [hbm4b:s21+s3], $0x50, $0x38;
	[tilespmem:$0x1D980] =	vst v63  }
0x39: {  	_ =	swait.ge [sflag:s1], $0x2800  }
0x3a: {  	[sflag:s1] =	ssyncset.done $0x0  }
0x3b: {  	[sflag:s1] =	ssyncadd.s32 $0xFFFFD800  }
0x3c: {  	_ =	swait.ge [sflag:s0], $0x50  }
0x3d: {  	[sflag:s0] =	ssyncset.done $0x0  }
0x3e: {  	[sflag:s0] =	ssyncadd.s32 $0xFFFFFFB0  }
0x3f: {  	[spmem:s2] =	stream.indirect.scatter.add.f32 [tilespmem:s24], [sflag:$0x7], $0x80, s25, s23, $0xb8;
	[tilespmem:$0x1D980] =	vst v63  }
0x40: {  	_ =	swait.ge [sflag:s29], $0x2800  }
0x41: {  	[sflag:s29] =	ssyncset.done $0x0  }
0x42: {  	[sflag:s29] =	ssyncadd.s32 $0xFFFFD800  }
0x43: {  	_ =	swait.ge [sflag:s8], $0x50  }
0x44: {  	[sflag:s8] =	ssyncset.done $0x0  }
0x45: {  	[sflag:s8] =	ssyncadd.s32 $0xFFFFFFB0  }
0x46: {  	[spmem:s2] =	stream.indirect.scatter.add.f32 [tilespmem:s26], [sflag:$0x8], $0x80, s28, s23, $0xb8;
	[tilespmem:$0x1D980] =	vst v63  }
0x47: {  	_ =	swait.ge [sflag:s9], $0x2800  }
0x48: {  	[sflag:s9] =	ssyncset.done $0x0  }
0x49: {  	[sflag:s9] =	ssyncadd.s32 $0xFFFFD800  }
0x4a: {  	_ =	swait.ge [sflag:s11], $0x50  }
0x4b: {  	[sflag:s11] =	ssyncset.done $0x0  }
0x4c: {  	[sflag:s11] =	ssyncadd.s32 $0xFFFFFFB0  }
0x4d: {  	[spmem:s2] =	stream.indirect.scatter.add.f32 [tilespmem:s30], [sflag:$0x9], $0x80, s31, s23, $0xb8;
	[tilespmem:$0x1D980] =	vst v63  }
0x4e: {  	_ =	swait.ge [sflag:s12], $0x2800  }
0x4f: {  	[sflag:s12] =	ssyncset.done $0x0;
	s19 =	rddreg [dreg:$0x10]  }
0x50: {  	s10 =	simm.s32 $0xF0;
	[sflag:s12] =	ssyncadd.s32 $0xFFFFD800;
	s16 =	sshrl.u32 s19, $0x3  }
0x51: {  	[tilespmem:s24], [sflag:$0x1] =	stream.indirect.gather [hbm4b:s4+s23], $0x80, s10, s23, $0xb8;
	[tilespmem:$0x1D980] =	vst v63  }
0x52: {  	s17 =	sadd.s32 s5, s16  }
0x53: {  	[tilespmem:s25], [sflag:$0x4] =	stream.linear.gather [hbm4b:s17+s3], $0x50, $0x38;
	[tilespmem:$0x1D980] =	vst v63  }
0x54: {  	_ =	swait.ge [sflag:s13], $0x2800  }
0x55: {  	[sflag:s13] =	ssyncset.done $0x0  }
0x56: {  	s18 =	simm.s32 $0x140;
	[sflag:s13] =	ssyncadd.s32 $0xFFFFD800  }
0x57: {  	[tilespmem:s26], [sflag:$0x2] =	stream.indirect.gather [hbm4b:s4+s23], $0x80, s18, s23, $0xb8;
	[tilespmem:$0x1D980] =	vst v63  }
0x58: {  	s20 =	rddreg [dreg:$0xf]  }
0x59: {  	[tilespmem:s28], [sflag:$0x5] =	stream.linear.gather [hbm4b:s20+s3], $0x50, $0x38;
	[tilespmem:$0x1D980] =	vst v63  }
0x5a: {  	s21 =	simm.s32 $0x190;
	s19 =	sadd.s32 $0xF0, s19;
	_ =	swait.ge [sflag:s14], $0x2800  }
0x5b: {  	s17 =	simm.s32 $0x3C0;
	[sflag:s14] =	ssyncset.done $0x0;
	s18 =	rddreg [dreg:$0xe]  }
0x5c: {  	s6 =	sadd.s32 $0x1E, s20;
	[sflag:s14] =	ssyncadd.s32 $0xFFFFD800;
	s10 =	sadd.s32 $0x1E, s18  }
0x5d: {  	[tilespmem:s30], [sflag:$0x3] =	stream.indirect.gather [hbm4b:s4+s23], $0x80, s21, s23, $0xb8;
	[tilespmem:$0x1D980] =	vst v63  }
.LBB2_2:
0x5e: {  	[tilespmem:s31], [sflag:$0x6] =	stream.linear.gather [hbm4b:s18+s3], $0x50, $0x38;
	[tilespmem:$0x1D980] =	vst v63  }
0x5f: {  	s20 =	smov.u32 s17;
	s18 =	smov.u32 s10  }
0x60: {  	p1 =	sne.s32 s17, $0x9240;
	s17 =	sadd.s32 $0x3C0, s17;
	_ =	swait.ge [sflag:s1], $0x2800  }
0x61: {  	[sflag:s1] =	ssyncset.done $0x0  }
0x62: {  	[sflag:s1] =	ssyncadd.s32 $0xFFFFD800  }
0x63: {  	_ =	swait.ge [sflag:s0], $0x50  }
0x64: {  	[sflag:s0] =	ssyncset.done $0x0  }
0x65: {  	[sflag:s0] =	ssyncadd.s32 $0xFFFFFFB0  }
0x66: {  	[spmem:s2] =	stream.indirect.scatter.add.f32 [tilespmem:s24], [sflag:$0x7], $0x80, s25, s23, $0xb8;
	[tilespmem:$0x1D980] =	vst v63  }
0x67: {  	_ =	swait.ge [sflag:s29], $0x2800  }
0x68: {  	[sflag:s29] =	ssyncset.done $0x0  }
0x69: {  	[sflag:s29] =	ssyncadd.s32 $0xFFFFD800  }
0x6a: {  	_ =	swait.ge [sflag:s8], $0x50  }
0x6b: {  	[sflag:s8] =	ssyncset.done $0x0  }
0x6c: {  	[sflag:s8] =	ssyncadd.s32 $0xFFFFFFB0  }
0x6d: {  	[spmem:s2] =	stream.indirect.scatter.add.f32 [tilespmem:s26], [sflag:$0x8], $0x80, s28, s23, $0xb8;
	[tilespmem:$0x1D980] =	vst v63  }
0x6e: {  	_ =	swait.ge [sflag:s9], $0x2800  }
0x6f: {  	[sflag:s9] =	ssyncset.done $0x0  }
0x70: {  	[sflag:s9] =	ssyncadd.s32 $0xFFFFD800  }
0x71: {  	_ =	swait.ge [sflag:s11], $0x50  }
0x72: {  	[sflag:s11] =	ssyncset.done $0x0  }
0x73: {  	[sflag:s11] =	ssyncadd.s32 $0xFFFFFFB0  }
0x74: {  	[spmem:s2] =	stream.indirect.scatter.add.f32 [tilespmem:s30], [sflag:$0x9], $0x80, s31, s23, $0xb8;
	[tilespmem:$0x1D980] =	vst v63  }
0x75: {  	_ =	swait.ge [sflag:s12], $0x2800  }
0x76: {  	s20 =	sshra.s32 s20, $0x2;
	[sflag:s12] =	ssyncset.done $0x0  }
0x77: {  	s16 =	sshrl.u32 s19, $0x3;
	s21 =	sadd.s32 $0xF0, s20;
	[sflag:s12] =	ssyncadd.s32 $0xFFFFD800  }
0x78: {  	[tilespmem:s24], [sflag:$0x1] =	stream.indirect.gather [hbm4b:s4+s23], $0x80, s21, s23, $0xb8;
	[tilespmem:$0x1D980] =	vst v63  }
0x79: {  	s16 =	sadd.s32 s5, s16  }
0x7a: {  	[tilespmem:s25], [sflag:$0x4] =	stream.linear.gather [hbm4b:s16+s3], $0x50, $0x38;
	[tilespmem:$0x1D980] =	vst v63  }
0x7b: {  	_ =	swait.ge [sflag:s13], $0x2800  }
0x7c: {  	[sflag:s13] =	ssyncset.done $0x0  }
0x7d: {  	s16 =	sadd.s32 $0x140, s20;
	[sflag:s13] =	ssyncadd.s32 $0xFFFFD800  }
0x7e: {  	[tilespmem:s26], [sflag:$0x2] =	stream.indirect.gather [hbm4b:s4+s23], $0x80, s16, s23, $0xb8;
	[tilespmem:$0x1D980] =	vst v63  }
0x7f: {  	_ = 	snop  }
0x80: {  	[tilespmem:s28], [sflag:$0x5] =	stream.linear.gather [hbm4b:s6+s3], $0x50, $0x38;
	[tilespmem:$0x1D980] =	vst v63  }
.Ltmp0:
0x81: {  	_ =	swait.ge [sflag:s14], $0x2800;
	(pc) =	sbr.rel @p1 .LBB2_2-.Ltmp0, $4  }
0x82: {  	[sflag:s14] =	ssyncset.done $0x0  }
0x83: {  	s16 =	sadd.s32 $0x190, s20;
	[sflag:s14] =	ssyncadd.s32 $0xFFFFD800  }
0x84: {  	[tilespmem:s30], [sflag:$0x3] =	stream.indirect.gather [hbm4b:s4+s23], $0x80, s16, s23, $0xb8;
	[tilespmem:$0x1D980] =	vst v63  }
0x85: {  	s10 =	sadd.s32 $0x1E, s10;
	s19 =	sadd.s32 $0xF0, s19;
	s6 =	sadd.s32 $0x1E, s6  }
0x86: {  	[tilespmem:s31], [sflag:$0x6] =	stream.linear.gather [hbm4b:s18+s3], $0x50, $0x38;
	[tilespmem:$0x1D980] =	vst v63  }
0x87: {  	_ =	swait.ge [sflag:s1], $0x2800  }
0x88: {  	[sflag:s1] =	ssyncset.done $0x0  }
0x89: {  	[sflag:s1] =	ssyncadd.s32 $0xFFFFD800  }
0x8a: {  	_ =	swait.ge [sflag:s0], $0x50  }
0x8b: {  	[sflag:s0] =	ssyncset.done $0x0  }
0x8c: {  	[sflag:s0] =	ssyncadd.s32 $0xFFFFFFB0  }
0x8d: {  	[spmem:s2] =	stream.indirect.scatter.add.f32 [tilespmem:s24], [sflag:$0x7], $0x80, s25, s23, $0xb8;
	[tilespmem:$0x1D980] =	vst v63  }
0x8e: {  	_ =	swait.ge [sflag:s29], $0x2800  }
0x8f: {  	[sflag:s29] =	ssyncset.done $0x0  }
0x90: {  	[sflag:s29] =	ssyncadd.s32 $0xFFFFD800  }
0x91: {  	_ =	swait.ge [sflag:s8], $0x50  }
0x92: {  	[sflag:s8] =	ssyncset.done $0x0  }
0x93: {  	[sflag:s8] =	ssyncadd.s32 $0xFFFFFFB0  }
0x94: {  	[spmem:s2] =	stream.indirect.scatter.add.f32 [tilespmem:s26], [sflag:$0x8], $0x80, s28, s23, $0xb8;
	[tilespmem:$0x1D980] =	vst v63  }
0x95: {  	_ =	swait.ge [sflag:s9], $0x2800  }
0x96: {  	[sflag:s9] =	ssyncset.done $0x0  }
0x97: {  	[sflag:s9] =	ssyncadd.s32 $0xFFFFD800  }
0x98: {  	_ =	swait.ge [sflag:s11], $0x50  }
0x99: {  	[sflag:s11] =	ssyncset.done $0x0  }
0x9a: {  	[sflag:s11] =	ssyncadd.s32 $0xFFFFFFB0  }
0x9b: {  	[spmem:s2] =	stream.indirect.scatter.add.f32 [tilespmem:s30], [sflag:$0x9], $0x80, s31, s23, $0xb8;
	[tilespmem:$0x1D980] =	vst v63  }
0x9c: {  	_ =	swait.ge [sflag:s12], $0x2800  }
0x9d: {  	[sflag:s12] =	ssyncset.done $0x0  }
0x9e: {  	s6 =	simm.s32 $0x2670;
	[sflag:s12] =	ssyncadd.s32 $0xFFFFD800  }
0x9f: {  	[tilespmem:s24], [sflag:$0x1] =	stream.indirect.gather [hbm4b:s4+s23], $0x80, s6, s23, $0xb8;
	[tilespmem:$0x1D980] =	vst v63  }
0xa0: {  	s17 =	rddreg [dreg:$0xc]  }
0xa1: {  	[tilespmem:s25], [sflag:$0x4] =	stream.linear.gather [hbm4b:s17+s3], $0x50, $0x38;
	[tilespmem:$0x1D980] =	vst v63  }
0xa2: {  	_ =	swait.ge [sflag:s13], $0x2800  }
0xa3: {  	[sflag:s13] =	ssyncset.done $0x0  }
0xa4: {  	s18 =	simm.s32 $0x26C0;
	[sflag:s13] =	ssyncadd.s32 $0xFFFFD800  }
0xa5: {  	[tilespmem:s26], [sflag:$0x2] =	stream.indirect.gather [hbm4b:s4+s23], $0x80, s18, s23, $0xb8;
	[tilespmem:$0x1D980] =	vst v63  }
0xa6: {  	s19 =	rddreg [dreg:$0xd]  }
0xa7: {  	[tilespmem:s28], [sflag:$0x5] =	stream.linear.gather [hbm4b:s19+s3], $0x50, $0x38;
	[tilespmem:$0x1D980] =	vst v63  }
0xa8: {  	_ =	swait.ge [sflag:s14], $0x2800  }
0xa9: {  	[sflag:s14] =	ssyncset.done $0x0  }
0xaa: {  	[sflag:s14] =	ssyncadd.s32 $0xFFFFD800  }
0xab: {  	_ =	swait.ge [sflag:s1], $0x2800  }
0xac: {  	[sflag:s1] =	ssyncset.done $0x0  }
0xad: {  	[sflag:s1] =	ssyncadd.s32 $0xFFFFD800  }
0xae: {  	_ =	swait.ge [sflag:s0], $0x50  }
0xaf: {  	[sflag:s0] =	ssyncset.done $0x0  }
0xb0: {  	[sflag:s0] =	ssyncadd.s32 $0xFFFFFFB0  }
0xb1: {  	[spmem:s2] =	stream.indirect.scatter.add.f32 [tilespmem:s24], [sflag:$0x7], $0x80, s25, s23, $0xb8;
	[tilespmem:$0x1D980] =	vst v63  }
0xb2: {  	_ =	swait.ge [sflag:s12], $0x2800  }
0xb3: {  	[sflag:s12] =	ssyncset.done $0x0  }
0xb4: {  	[sflag:s12] =	ssyncadd.s32 $0xFFFFD800  }
0xb5: {  	_ =	swait.ge [sflag:s29], $0x2800  }
0xb6: {  	[sflag:s29] =	ssyncset.done $0x0  }
0xb7: {  	[sflag:s29] =	ssyncadd.s32 $0xFFFFD800  }
0xb8: {  	_ =	swait.ge [sflag:s8], $0x50  }
0xb9: {  	[sflag:s8] =	ssyncset.done $0x0  }
0xba: {  	[sflag:s8] =	ssyncadd.s32 $0xFFFFFFB0  }
0xbb: {  	[spmem:s2] =	stream.indirect.scatter.add.f32 [tilespmem:s26], [sflag:$0x8], $0x80, s28, s23, $0xb8;
	[tilespmem:$0x1D980] =	vst v63  }
0xbc: {  	_ =	swait.ge [sflag:s13], $0x2800  }
0xbd: {  	[sflag:s13] =	ssyncset.done $0x0  }
0xbe: {  	[sflag:s13] =	ssyncadd.s32 $0xFFFFD800  }
0xbf: {  	[bflag:$0x0] =	sbarrier.arrive $0xFFFF  }
0xc0: {  	s20 =	rddreg [dreg:$0x9]  }
0xc1: {  	s16 =	rddreg [dreg:$0x11]  }
0xc2: {  	[hbm:s20], [sflag:s7] =	dma.local [spmem:s16], $0x2700  }
0xc3: {  	_ =	swait.ge [sflag:s22], $0x2700  }
0xc4: {  	[sflag:s22] =	ssyncset.done $0x0;
	s6 =	rddreg [dreg:$0xa]  }
0xc5: {  	s10 =	rddreg [dreg:$0x12];
	[sflag:s22] =	ssyncadd.s32 $0xFFFFD900  }
0xc6: {  	[hbm:s6], [sflag:s7] =	dma.local @!p0 [spmem:s10], $0x100  }
0xc7: {  	s6 =	simm.s32 @!p0 $0xA  }
0xc8: {  	_ =	swait.ge @!p0 [sflag:s6], $0x100  }
0xc9: {  	s15 =	sadd.s32 $0x1, s15;
	s21 =	rddreg [dreg:$0xb]  }
0xca: {  	p1 =	sne.s32 s15, s21  }
.Ltmp1:
0xcb: {  	_ = 	snop;
	(pc) =	sbr.rel @p1 .LBB2_1-.Ltmp1, $3  }
0xcc: {  	_ =	sdelay $0x1  }
0xcd: {  	[sflag:s6] =	ssyncset.done @!p0 $0x0  }
0xce: {  	[sflag:s6] =	ssyncadd.s32 @!p0 $0xFFFFFF00  }
0xcf: {  	_ =	sfence.sel $0x180000  }
0xd0: {  	[bflag:$0x0] =	sbarrier.arrive $0xFFFF  }
0xd1: {  	_ =	strace $0x90000050  }
0xd2: {  	s0 =	stileid.u32;
	[bflag:$0x2] =	sbarrier.arrive $0xFFFF  }
0xd3: {  	p0 =	sne.s32 s0, $0x0;
	s0 =	rddreg [dreg:$0x2]  }
0xd4: {  	s0 =	sadd.s32 @!p0 $0x100000, s0  }
0xd5: {  	[sflag:s0] =	ssyncadd.tile.s32 @!p0 $0x1;
	_ =	shalt  }
.Lfunc_end2:
_tile_overlayer_lowered:
.L_overlay_start_2:
0xd6: {  	(tag) =	ssettag $0x2  }
0xd7: {  	s0 =	rddreg [dreg:$0x0];
	s2 =	stileid.u32  }
0xd8: {  	s1 =	rddreg [dreg:$0x1];
	p0 =	sne.s32 s2, $0x0  }
0xd9: {  	s3 =	rddreg [dreg:$0x2];
	[bflag:$0x3] =	sbarrier.arrive $0xFFFF;
	s2 =	simm.s32 @!p0 $0x1C0A  }
0xda: {  	[timem:s3], [sflag:s2] =	dma.local @!p0 [hbm:s0], s1  }
0xdb: {  	s0 =	simm.s32 @!p0 $0xA  }
0xdc: {  	_ =	swait.ge @!p0 [sflag:s0], s1  }
0xdd: {  	s1 =	ssub.s32 @!p0 $0x0, s1;
	[sflag:s0] =	ssyncset.done @!p0 $0x0  }
0xde: {  	[sflag:s0] =	ssyncadd.s32 @!p0 s1  }
0xdf: {  	[bflag:$0x3] =	sbarrier.arrive $0xFFFF  }
0xe0: {  	_ =	shalt  }

</sc_bundles>
